<compile_context>
chip_gen: v7x
topology: tpu7x:2x2x1
jax: 0.10.2.dev20260603
libtpu: 0.0.44.dev20260713+nightly
codegen_flags: <defaults>
</compile_context>

<pallas_src>
import jax
import jax.numpy as jnp
from jax import lax
from jax.experimental import pallas as pl
from jax.experimental.pallas import tpu as pltpu
from jax.experimental.pallas import tpu_sc as plsc

_B, _N, _T = 8, 16384, 512
_EOS = 0.5
_NC, _NS = 2, 16
_RPC = _B // _NC
_ZBUF = 4096


def _sc_body(idxcat, px, py, tx, ty, mask_out, psum_out,
             idx_v, sidx_v, tidx_v,
             pxg_v, pyg_v, txg_v, tyg_v, ones_v, zbuf_v, acc_v,
             sem_i, sem_z):
    c = lax.axis_index("c")
    s = lax.axis_index("s")
    b = c * _RPC + s
    active = s < _RPC

    @pl.when(active)
    def _():
        h_i = pltpu.async_copy(idxcat.at[pl.ds(b * 2 * _T, 2 * _T)], idx_v, sem_i)

        ones16 = jnp.ones((16,), jnp.float32)
        zeros16 = jnp.zeros((16,), jnp.float32)
        for i in range(_ZBUF // 16):
            zbuf_v[pl.ds(i * 16, 16)] = zeros16
        for i in range(_T // 16):
            ones_v[pl.ds(i * 16, 16)] = ones16

        h_z = [pltpu.async_copy(zbuf_v,
                                mask_out.at[pl.ds(b * _N + k * _ZBUF, _ZBUF)],
                                sem_z)
               for k in range(_N // _ZBUF)]

        h_i.wait()

        for i in range(_T // 16):
            sidx_v[pl.ds(i * 16, 16)] = idx_v[pl.ds(i * 16, 16)] + b * _N
            tidx_v[pl.ds(i * 16, 16)] = idx_v[pl.ds(_T + i * 16, 16)] + b * _T

        h_g = [pltpu.async_copy(px.at[sidx_v], pxg_v, sem_i),
               pltpu.async_copy(py.at[sidx_v], pyg_v, sem_i),
               pltpu.async_copy(tx.at[tidx_v], txg_v, sem_i),
               pltpu.async_copy(ty.at[tidx_v], tyg_v, sem_i)]

        for h in h_z:
            h.wait()
        h_s = pltpu.async_copy(ones_v, mask_out.at[sidx_v], sem_z)

        for h in h_g:
            h.wait()
        acc = jnp.zeros((16,), jnp.float32)
        for pr, tr in ((pxg_v, txg_v), (pyg_v, tyg_v)):
            for i in range(_T // 16):
                d = pr[pl.ds(i * 16, 16)] - tr[pl.ds(i * 16, 16)]
                acc = acc + d * d
        acc_v[...] = acc
        h_p = pltpu.async_copy(acc_v, psum_out.at[pl.ds(b * 16, 16)], sem_i)
        h_p.wait()
        h_s.wait()


def _sc_call(src_idx, tgt_idx, pred_points, tgt_points):
    kfn = pl.kernel(
        _sc_body,
        out_type=[
            jax.ShapeDtypeStruct((_B * _N,), jnp.float32),
            jax.ShapeDtypeStruct((_B * 16,), jnp.float32),
        ],
        mesh=plsc.VectorSubcoreMesh(core_axis_name="c", subcore_axis_name="s"),
        compiler_params=pltpu.CompilerParams(use_tc_tiling_on_sc=False,
                                             needs_layout_passes=False),
        scratch_types=[
            pltpu.VMEM((2 * _T,), jnp.int32),
            pltpu.VMEM((_T,), jnp.int32),
            pltpu.VMEM((_T,), jnp.int32),
            pltpu.VMEM((_T,), jnp.float32),
            pltpu.VMEM((_T,), jnp.float32),
            pltpu.VMEM((_T,), jnp.float32),
            pltpu.VMEM((_T,), jnp.float32),
            pltpu.VMEM((_T,), jnp.float32),
            pltpu.VMEM((_ZBUF,), jnp.float32),
            pltpu.VMEM((16,), jnp.float32),
            pltpu.SemaphoreType.DMA,
            pltpu.SemaphoreType.DMA,
        ],
    )
    idxcat = jnp.concatenate(
        [src_idx[:, None, :], tgt_idx[:, None, :]], axis=1).reshape(-1)
    return kfn(idxcat,
               pred_points[:, :, 0].reshape(-1), pred_points[:, :, 1].reshape(-1),
               tgt_points[:, :, 0].reshape(-1), tgt_points[:, :, 1].reshape(-1))


_GRID = 8
_ROWS = _B * _N // 128
_BROW = _ROWS // _GRID


def _tc_body(x0_ref, x1_ref, m_ref, psum_ref, out_ref, smem):
    i = pl.program_id(0)

    @pl.when(i == 0)
    def _():
        smem[0] = 0.0
        smem[1] = 0.0

    a = x0_ref[...]
    b = x1_ref[...]
    m = m_ref[...]
    mx = jnp.maximum(a, b)
    lse = mx + jnp.log1p(jnp.exp(-jnp.abs(a - b)))
    contrib = jnp.where(m > 0.0, b - lse, _EOS * (a - lse))
    smem[0] += jnp.sum(contrib)
    smem[1] += jnp.sum(m)

    @pl.when(i == _GRID - 1)
    def _():
        s_p = smem[0]
        s_m = smem[1]
        w_sum = _EOS * (_B * _N) + (1.0 - _EOS) * s_m
        out_ref[0] = -s_p / w_sum
        out_ref[1] = jnp.sum(psum_ref[...]) / jnp.float32(_B * _T)


def _tc_call(x0, x1, mask, psum):
    spec = pl.BlockSpec((_BROW, 128), lambda i: (i, 0))
    return pl.pallas_call(
        _tc_body,
        grid=(_GRID,),
        in_specs=[spec, spec, spec,
                  pl.BlockSpec((1, 128), lambda i: (0, 0))],
        out_specs=pl.BlockSpec(memory_space=pltpu.SMEM),
        out_shape=jax.ShapeDtypeStruct((2,), jnp.float32),
        scratch_shapes=[pltpu.SMEM((2,), jnp.float32)],
    )(x0, x1, mask, psum)


def kernel(pred_logits, pred_points, tgt_points, tgt_labels, src_idx, tgt_idx):
    del tgt_labels
    x0 = pred_logits[:, :, 0].reshape(_ROWS, 128)
    x1 = pred_logits[:, :, 1].reshape(_ROWS, 128)
    mask, psum = _sc_call(src_idx, tgt_idx, pred_points, tgt_points)
    return _tc_call(x0, x1, mask.reshape(_ROWS, 128), psum.reshape(1, 128))

# --- scband reference (transcript-rebuilt; emitter-appended) ---
"""Pipeline reference for scband-set-criterion-crowd-76982993814173 (READ-ONLY COPY).

The authoritative reference and input builder live on the scoring server;
editing this copy changes nothing except your own understanding.
"""

import jax, jax.numpy as jnp
import numpy as np

NUM_CLASSES = 1
EOS_COEF = 0.5
B, N, T = 8, 16384, 512


def setup_inputs(seed: int = 0) -> dict:
    key = jax.random.key(seed)
    k1, k2, k3, k4, k5 = jax.random.split(key, 5)
    pred_logits = jax.random.normal(k1, (B, N, NUM_CLASSES + 1), dtype=jnp.float32)
    pred_points = jax.random.normal(k2, (B, N, 2), dtype=jnp.float32)
    tgt_points = jax.random.uniform(k3, (B, T, 2), dtype=jnp.float32)
    tgt_labels = jnp.ones((B, T), dtype=jnp.int32)  # crowd points all have class 1
    src_idx = jax.random.randint(k4, (B, T), 0, N, dtype=jnp.int32)
    tgt_idx = jax.random.randint(k5, (B, T), 0, T, dtype=jnp.int32)
    return {
        "pred_logits": pred_logits,
        "pred_points": pred_points,
        "tgt_points": tgt_points,
        "tgt_labels": tgt_labels,
        "src_idx": src_idx,
        "tgt_idx": tgt_idx,
    }


def reference(pred_logits, pred_points, tgt_points, tgt_labels, src_idx, tgt_idx):
    Bb, Nn, C = pred_logits.shape
    Tt = tgt_labels.shape[1]
    # empty_weight = ones(num_classes+1); empty_weight[0] = eos_coef
    empty_weight = jnp.ones((C,), dtype=pred_logits.dtype).at[0].set(EOS_COEF)
    batch_idx = jnp.broadcast_to(jnp.arange(Bb, dtype=jnp.int32)[:, None], (Bb, Tt))

    # ----- loss_labels -----
    # target_classes_o = cat([t['labels'][J] ...]) ; target_classes[idx] = target_classes_o
    target_classes_o = jnp.take_along_axis(tgt_labels, tgt_idx, axis=1)  # [B, T]
    target_classes = jnp.zeros((Bb, Nn), dtype=jnp.int32).at[batch_idx, src_idx].set(target_classes_o)
    # weighted cross entropy with mean reduction (divide by sum of per-target weights)
    log_probs = jax.nn.log_softmax(pred_logits, axis=-1)  # [B, N, C]
    picked = jnp.take_along_axis(log_probs, target_classes[..., None], axis=-1)[..., 0]  # [B, N]
    w = empty_weight[target_classes]  # [B, N]
    loss_ce = -(w * picked).sum() / w.sum()

    # ----- loss_points -----
    # num_points = sum(len(t['labels'])); num_boxes = clamp(num_points / world_size, min=1)
    num_boxes = jnp.maximum(jnp.float32(Bb * Tt), 1.0)
    src_points = pred_points[batch_idx, src_idx]  # [B, T, 2] gather
    target_points = jnp.take_along_axis(tgt_points, tgt_idx[..., None], axis=1)  # [B, T, 2]
    loss_point = ((src_points - target_points) ** 2).sum() / num_boxes

    return jnp.stack([loss_ce, loss_point])

if __name__ == "__main__":
    import jax
    _d = setup_inputs()
    print(jax.jit(kernel)(*tuple(_d.values())))

</pallas_src>

<mosaic_0001>
#map = affine_map<(d0, d1) -> (0)>
module attributes {stable_mosaic.version = 14 : i64} {
  func.func @_sc_body(%arg0: i32, %arg1: i32, %arg2: memref<8192xi32, #tpu.memory_space<hbm>>, %arg3: memref<131072xf32, #tpu.memory_space<hbm>>, %arg4: memref<131072xf32, #tpu.memory_space<hbm>>, %arg5: memref<4096xf32, #tpu.memory_space<hbm>>, %arg6: memref<4096xf32, #tpu.memory_space<hbm>>, %arg7: memref<131072xf32, #tpu.memory_space<hbm>>, %arg8: memref<128xf32, #tpu.memory_space<hbm>>, %arg9: memref<1024xi32, #tpu.memory_space<vmem>>, %arg10: memref<512xi32, #tpu.memory_space<vmem>>, %arg11: memref<512xi32, #tpu.memory_space<vmem>>, %arg12: memref<512xf32, #tpu.memory_space<vmem>>, %arg13: memref<512xf32, #tpu.memory_space<vmem>>, %arg14: memref<512xf32, #tpu.memory_space<vmem>>, %arg15: memref<512xf32, #tpu.memory_space<vmem>>, %arg16: memref<512xf32, #tpu.memory_space<vmem>>, %arg17: memref<4096xf32, #tpu.memory_space<vmem>>, %arg18: memref<16xf32, #tpu.memory_space<vmem>>, %arg19: memref<!tpu.dma_semaphore, #tpu.memory_space<semaphore_mem>>, %arg20: memref<!tpu.dma_semaphore, #tpu.memory_space<semaphore_mem>>) attributes {dimension_semantics = [#tpu.dimension_semantics<core_parallel>, #tpu.dimension_semantics<subcore_parallel>], iteration_bounds = array<i64: 2, 16>, scalar_prefetch = 0 : i64, scratch_operands = 12 : i64, tpu.core_type = #tpu.core_type<sc_vector_subcore>, window_params = [{transform_indices = #map}, {transform_indices = #map}, {transform_indices = #map}, {transform_indices = #map}, {transform_indices = #map}, {transform_indices = #map}, {transform_indices = #map}]} {
    %mul3A = arith.constant 4 : i32
    %mul3A_0 = arith.muli %arg0, %mul3A : i32
    %add3A = arith.addi %mul3A_0, %arg1 : i32
    %lt3A = arith.constant 4 : i32
    %lt3A_1 = arith.cmpi slt, %arg1, %lt3A : i32
    %convert_element_type3A = arith.extui %lt3A_1 : i1 to i32
    %cond3A = arith.constant 0 : i32
    %cond3A_2 = arith.cmpi ne, %convert_element_type3A, %cond3A : i32
    scf.if %cond3A_2 {
      %mul3A_3 = arith.constant 2 : i32
      %mul3A_4 = arith.muli %add3A, %mul3A_3 : i32
      %mul3A_5 = arith.constant 512 : i32
      %mul3A_6 = arith.muli %mul3A_4, %mul3A_5 : i32
      %dma_start3A = tpu.memref_slice %arg2[%mul3A_6] : memref<8192xi32, #tpu.memory_space<hbm>> -> memref<1024xi32, #tpu.memory_space<hbm>>
      %dma_start3A_7 = tpu.memref_slice %arg2[%mul3A_6] : memref<8192xi32, #tpu.memory_space<hbm>> -> memref<1024xi32, #tpu.memory_space<hbm>>
      tpu.enqueue_dma source(%dma_start3A_7 : memref<1024xi32, #tpu.memory_space<hbm>>) target(%arg9 : memref<1024xi32, #tpu.memory_space<vmem>>) target_semaphore(%arg19 : memref<!tpu.dma_semaphore, #tpu.memory_space<semaphore_mem>>)
      %broadcast_in_dim3A = arith.constant 1.000000e+00 : f32
      %broadcast_in_dim3A_8 = vector.broadcast %broadcast_in_dim3A : f32 to vector<16xf32>
      %broadcast_in_dim3A_9 = arith.constant 0.000000e+00 : f32
      %broadcast_in_dim3A_10 = vector.broadcast %broadcast_in_dim3A_9 : f32 to vector<16xf32>
      %swap3A = arith.constant 0 : index
      %swap3A_11 = tpu.vector_load %arg17[%swap3A] {strides = array<i32>} : memref<4096xf32, #tpu.memory_space<vmem>>, vector<16xf32>,
      tpu.vector_store %arg17[%swap3A], %broadcast_in_dim3A_10 {strides = array<i32>} : memref<4096xf32, #tpu.memory_space<vmem>>, vector<16xf32>,
      %swap3A_12 = arith.constant 16 : index
      %swap3A_13 = tpu.vector_load %arg17[%swap3A_12] {strides = array<i32>} : memref<4096xf32, #tpu.memory_space<vmem>>, vector<16xf32>,
      tpu.vector_store %arg17[%swap3A_12], %broadcast_in_dim3A_10 {strides = array<i32>} : memref<4096xf32, #tpu.memory_space<vmem>>, vector<16xf32>,
      %swap3A_14 = arith.constant 32 : index
      %swap3A_15 = tpu.vector_load %arg17[%swap3A_14] {strides = array<i32>} : memref<4096xf32, #tpu.memory_space<vmem>>, vector<16xf32>,
      tpu.vector_store %arg17[%swap3A_14], %broadcast_in_dim3A_10 {strides = array<i32>} : memref<4096xf32, #tpu.memory_space<vmem>>, vector<16xf32>,
      %swap3A_16 = arith.constant 48 : index
      %swap3A_17 = tpu.vector_load %arg17[%swap3A_16] {strides = array<i32>} : memref<4096xf32, #tpu.memory_space<vmem>>, vector<16xf32>,
      tpu.vector_store %arg17[%swap3A_16], %broadcast_in_dim3A_10 {strides = array<i32>} : memref<4096xf32, #tpu.memory_space<vmem>>, vector<16xf32>,
      %swap3A_18 = arith.constant 64 : index
      %swap3A_19 = tpu.vector_load %arg17[%swap3A_18] {strides = array<i32>} : memref<4096xf32, #tpu.memory_space<vmem>>, vector<16xf32>,
      tpu.vector_store %arg17[%swap3A_18], %broadcast_in_dim3A_10 {strides = array<i32>} : memref<4096xf32, #tpu.memory_space<vmem>>, vector<16xf32>,
      %swap3A_20 = arith.constant 80 : index
      %swap3A_21 = tpu.vector_load %arg17[%swap3A_20] {strides = array<i32>} : memref<4096xf32, #tpu.memory_space<vmem>>, vector<16xf32>,
      tpu.vector_store %arg17[%swap3A_20], %broadcast_in_dim3A_10 {strides = array<i32>} : memref<4096xf32, #tpu.memory_space<vmem>>, vector<16xf32>,
      %swap3A_22 = arith.constant 96 : index
      %swap3A_23 = tpu.vector_load %arg17[%swap3A_22] {strides = array<i32>} : memref<4096xf32, #tpu.memory_space<vmem>>, vector<16xf32>,
      tpu.vector_store %arg17[%swap3A_22], %broadcast_in_dim3A_10 {strides = array<i32>} : memref<4096xf32, #tpu.memory_space<vmem>>, vector<16xf32>,
      %swap3A_24 = arith.constant 112 : index
      %swap3A_25 = tpu.vector_load %arg17[%swap3A_24] {strides = array<i32>} : memref<4096xf32, #tpu.memory_space<vmem>>, vector<16xf32>,
      tpu.vector_store %arg17[%swap3A_24], %broadcast_in_dim3A_10 {strides = array<i32>} : memref<4096xf32, #tpu.memory_space<vmem>>, vector<16xf32>,
      %swap3A_26 = arith.constant 128 : index
      %swap3A_27 = tpu.vector_load %arg17[%swap3A_26] {strides = array<i32>} : memref<4096xf32, #tpu.memory_space<vmem>>, vector<16xf32>,
      tpu.vector_store %arg17[%swap3A_26], %broadcast_in_dim3A_10 {strides = array<i32>} : memref<4096xf32, #tpu.memory_space<vmem>>, vector<16xf32>,
      %swap3A_28 = arith.constant 144 : index
      %swap3A_29 = tpu.vector_load %arg17[%swap3A_28] {strides = array<i32>} : memref<4096xf32, #tpu.memory_space<vmem>>, vector<16xf32>,
      tpu.vector_store %arg17[%swap3A_28], %broadcast_in_dim3A_10 {strides = array<i32>} : memref<4096xf32, #tpu.memory_space<vmem>>, vector<16xf32>,
      %swap3A_30 = arith.constant 160 : index
      %swap3A_31 = tpu.vector_load %arg17[%swap3A_30] {strides = array<i32>} : memref<4096xf32, #tpu.memory_space<vmem>>, vector<16xf32>,
      tpu.vector_store %arg17[%swap3A_30], %broadcast_in_dim3A_10 {strides = array<i32>} : memref<4096xf32, #tpu.memory_space<vmem>>, vector<16xf32>,
      %swap3A_32 = arith.constant 176 : index
      %swap3A_33 = tpu.vector_load %arg17[%swap3A_32] {strides = array<i32>} : memref<4096xf32, #tpu.memory_space<vmem>>, vector<16xf32>,
      tpu.vector_store %arg17[%swap3A_32], %broadcast_in_dim3A_10 {strides = array<i32>} : memref<4096xf32, #tpu.memory_space<vmem>>, vector<16xf32>,
      %swap3A_34 = arith.constant 192 : index
      %swap3A_35 = tpu.vector_load %arg17[%swap3A_34] {strides = array<i32>} : memref<4096xf32, #tpu.memory_space<vmem>>, vector<16xf32>,
      tpu.vector_store %arg17[%swap3A_34], %broadcast_in_dim3A_10 {strides = array<i32>} : memref<4096xf32, #tpu.memory_space<vmem>>, vector<16xf32>,
      %swap3A_36 = arith.constant 208 : index
      %swap3A_37 = tpu.vector_load %arg17[%swap3A_36] {strides = array<i32>} : memref<4096xf32, #tpu.memory_space<vmem>>, vector<16xf32>,
      tpu.vector_store %arg17[%swap3A_36], %broadcast_in_dim3A_10 {strides = array<i32>} : memref<4096xf32, #tpu.memory_space<vmem>>, vector<16xf32>,
      %swap3A_38 = arith.constant 224 : index
      %swap3A_39 = tpu.vector_load %arg17[%swap3A_38] {strides = array<i32>} : memref<4096xf32, #tpu.memory_space<vmem>>, vector<16xf32>,
      tpu.vector_store %arg17[%swap3A_38], %broadcast_in_dim3A_10 {strides = array<i32>} : memref<4096xf32, #tpu.memory_space<vmem>>, vector<16xf32>,
      %swap3A_40 = arith.constant 240 : index
      %swap3A_41 = tpu.vector_load %arg17[%swap3A_40] {strides = array<i32>} : memref<4096xf32, #tpu.memory_space<vmem>>, vector<16xf32>,
      tpu.vector_store %arg17[%swap3A_40], %broadcast_in_dim3A_10 {strides = array<i32>} : memref<4096xf32, #tpu.memory_space<vmem>>, vector<16xf32>,
      %swap3A_42 = arith.constant 256 : index
      %swap3A_43 = tpu.vector_load %arg17[%swap3A_42] {strides = array<i32>} : memref<4096xf32, #tpu.memory_space<vmem>>, vector<16xf32>,
      tpu.vector_store %arg17[%swap3A_42], %broadcast_in_dim3A_10 {strides = array<i32>} : memref<4096xf32, #tpu.memory_space<vmem>>, vector<16xf32>,
      %swap3A_44 = arith.constant 272 : index
      %swap3A_45 = tpu.vector_load %arg17[%swap3A_44] {strides = array<i32>} : memref<4096xf32, #tpu.memory_space<vmem>>, vector<16xf32>,
      tpu.vector_store %arg17[%swap3A_44], %broadcast_in_dim3A_10 {strides = array<i32>} : memref<4096xf32, #tpu.memory_space<vmem>>, vector<16xf32>,
      %swap3A_46 = arith.constant 288 : index
      %swap3A_47 = tpu.vector_load %arg17[%swap3A_46] {strides = array<i32>} : memref<4096xf32, #tpu.memory_space<vmem>>, vector<16xf32>,
      tpu.vector_store %arg17[%swap3A_46], %broadcast_in_dim3A_10 {strides = array<i32>} : memref<4096xf32, #tpu.memory_space<vmem>>, vector<16xf32>,
      %swap3A_48 = arith.constant 304 : index
      %swap3A_49 = tpu.vector_load %arg17[%swap3A_48] {strides = array<i32>} : memref<4096xf32, #tpu.memory_space<vmem>>, vector<16xf32>,
      tpu.vector_store %arg17[%swap3A_48], %broadcast_in_dim3A_10 {strides = array<i32>} : memref<4096xf32, #tpu.memory_space<vmem>>, vector<16xf32>,
      %swap3A_50 = arith.constant 320 : index
      %swap3A_51 = tpu.vector_load %arg17[%swap3A_50] {strides = array<i32>} : memref<4096xf32, #tpu.memory_space<vmem>>, vector<16xf32>,
      tpu.vector_store %arg17[%swap3A_50], %broadcast_in_dim3A_10 {strides = array<i32>} : memref<4096xf32, #tpu.memory_space<vmem>>, vector<16xf32>,
      %swap3A_52 = arith.constant 336 : index
      %swap3A_53 = tpu.vector_load %arg17[%swap3A_52] {strides = array<i32>} : memref<4096xf32, #tpu.memory_space<vmem>>, vector<16xf32>,
      tpu.vector_store %arg17[%swap3A_52], %broadcast_in_dim3A_10 {strides = array<i32>} : memref<4096xf32, #tpu.memory_space<vmem>>, vector<16xf32>,
      %swap3A_54 = arith.constant 352 : index
      %swap3A_55 = tpu.vector_load %arg17[%swap3A_54] {strides = array<i32>} : memref<4096xf32, #tpu.memory_space<vmem>>, vector<16xf32>,
      tpu.vector_store %arg17[%swap3A_54], %broadcast_in_dim3A_10 {strides = array<i32>} : memref<4096xf32, #tpu.memory_space<vmem>>, vector<16xf32>,
      %swap3A_56 = arith.constant 368 : index
      %swap3A_57 = tpu.vector_load %arg17[%swap3A_56] {strides = array<i32>} : memref<4096xf32, #tpu.memory_space<vmem>>, vector<16xf32>,
      tpu.vector_store %arg17[%swap3A_56], %broadcast_in_dim3A_10 {strides = array<i32>} : memref<4096xf32, #tpu.memory_space<vmem>>, vector<16xf32>,
      %swap3A_58 = arith.constant 384 : index
      %swap3A_59 = tpu.vector_load %arg17[%swap3A_58] {strides = array<i32>} : memref<4096xf32, #tpu.memory_space<vmem>>, vector<16xf32>,
      tpu.vector_store %arg17[%swap3A_58], %broadcast_in_dim3A_10 {strides = array<i32>} : memref<4096xf32, #tpu.memory_space<vmem>>, vector<16xf32>,
      %swap3A_60 = arith.constant 400 : index
      %swap3A_61 = tpu.vector_load %arg17[%swap3A_60] {strides = array<i32>} : memref<4096xf32, #tpu.memory_space<vmem>>, vector<16xf32>,
      tpu.vector_store %arg17[%swap3A_60], %broadcast_in_dim3A_10 {strides = array<i32>} : memref<4096xf32, #tpu.memory_space<vmem>>, vector<16xf32>,
      %swap3A_62 = arith.constant 416 : index
      %swap3A_63 = tpu.vector_load %arg17[%swap3A_62] {strides = array<i32>} : memref<4096xf32, #tpu.memory_space<vmem>>, vector<16xf32>,
      tpu.vector_store %arg17[%swap3A_62], %broadcast_in_dim3A_10 {strides = array<i32>} : memref<4096xf32, #tpu.memory_space<vmem>>, vector<16xf32>,
      %swap3A_64 = arith.constant 432 : index
      %swap3A_65 = tpu.vector_load %arg17[%swap3A_64] {strides = array<i32>} : memref<4096xf32, #tpu.memory_space<vmem>>, vector<16xf32>,
      tpu.vector_store %arg17[%swap3A_64], %broadcast_in_dim3A_10 {strides = array<i32>} : memref<4096xf32, #tpu.memory_space<vmem>>, vector<16xf32>,
      %swap3A_66 = arith.constant 448 : index
      %swap3A_67 = tpu.vector_load %arg17[%swap3A_66] {strides = array<i32>} : memref<4096xf32, #tpu.memory_space<vmem>>, vector<16xf32>,
      tpu.vector_store %arg17[%swap3A_66], %broadcast_in_dim3A_10 {strides = array<i32>} : memref<4096xf32, #tpu.memory_space<vmem>>, vector<16xf32>,
      %swap3A_68 = arith.constant 464 : index
      %swap3A_69 = tpu.vector_load %arg17[%swap3A_68] {strides = array<i32>} : memref<4096xf32, #tpu.memory_space<vmem>>, vector<16xf32>,
      tpu.vector_store %arg17[%swap3A_68], %broadcast_in_dim3A_10 {strides = array<i32>} : memref<4096xf32, #tpu.memory_space<vmem>>, vector<16xf32>,
      %swap3A_70 = arith.constant 480 : index
      %swap3A_71 = tpu.vector_load %arg17[%swap3A_70] {strides = array<i32>} : memref<4096xf32, #tpu.memory_space<vmem>>, vector<16xf32>,
      tpu.vector_store %arg17[%swap3A_70], %broadcast_in_dim3A_10 {strides = array<i32>} : memref<4096xf32, #tpu.memory_space<vmem>>, vector<16xf32>,
      %swap3A_72 = arith.constant 496 : index
      %swap3A_73 = tpu.vector_load %arg17[%swap3A_72] {strides = array<i32>} : memref<4096xf32, #tpu.memory_space<vmem>>, vector<16xf32>,
      tpu.vector_store %arg17[%swap3A_72], %broadcast_in_dim3A_10 {strides = array<i32>} : memref<4096xf32, #tpu.memory_space<vmem>>, vector<16xf32>,
      %swap3A_74 = arith.constant 512 : index
      %swap3A_75 = tpu.vector_load %arg17[%swap3A_74] {strides = array<i32>} : memref<4096xf32, #tpu.memory_space<vmem>>, vector<16xf32>,
      tpu.vector_store %arg17[%swap3A_74], %broadcast_in_dim3A_10 {strides = array<i32>} : memref<4096xf32, #tpu.memory_space<vmem>>, vector<16xf32>,
      %swap3A_76 = arith.constant 528 : index
      %swap3A_77 = tpu.vector_load %arg17[%swap3A_76] {strides = array<i32>} : memref<4096xf32, #tpu.memory_space<vmem>>, vector<16xf32>,
      tpu.vector_store %arg17[%swap3A_76], %broadcast_in_dim3A_10 {strides = array<i32>} : memref<4096xf32, #tpu.memory_space<vmem>>, vector<16xf32>,
      %swap3A_78 = arith.constant 544 : index
      %swap3A_79 = tpu.vector_load %arg17[%swap3A_78] {strides = array<i32>} : memref<4096xf32, #tpu.memory_space<vmem>>, vector<16xf32>,
      tpu.vector_store %arg17[%swap3A_78], %broadcast_in_dim3A_10 {strides = array<i32>} : memref<4096xf32, #tpu.memory_space<vmem>>, vector<16xf32>,
      %swap3A_80 = arith.constant 560 : index
      %swap3A_81 = tpu.vector_load %arg17[%swap3A_80] {strides = array<i32>} : memref<4096xf32, #tpu.memory_space<vmem>>, vector<16xf32>,
      tpu.vector_store %arg17[%swap3A_80], %broadcast_in_dim3A_10 {strides = array<i32>} : memref<4096xf32, #tpu.memory_space<vmem>>, vector<16xf32>,
      %swap3A_82 = arith.constant 576 : index
      %swap3A_83 = tpu.vector_load %arg17[%swap3A_82] {strides = array<i32>} : memref<4096xf32, #tpu.memory_space<vmem>>, vector<16xf32>,
      tpu.vector_store %arg17[%swap3A_82], %broadcast_in_dim3A_10 {strides = array<i32>} : memref<4096xf32, #tpu.memory_space<vmem>>, vector<16xf32>,
      %swap3A_84 = arith.constant 592 : index
      %swap3A_85 = tpu.vector_load %arg17[%swap3A_84] {strides = array<i32>} : memref<4096xf32, #tpu.memory_space<vmem>>, vector<16xf32>,
      tpu.vector_store %arg17[%swap3A_84], %broadcast_in_dim3A_10 {strides = array<i32>} : memref<4096xf32, #tpu.memory_space<vmem>>, vector<16xf32>,
      %swap3A_86 = arith.constant 608 : index
      %swap3A_87 = tpu.vector_load %arg17[%swap3A_86] {strides = array<i32>} : memref<4096xf32, #tpu.memory_space<vmem>>, vector<16xf32>,
      tpu.vector_store %arg17[%swap3A_86], %broadcast_in_dim3A_10 {strides = array<i32>} : memref<4096xf32, #tpu.memory_space<vmem>>, vector<16xf32>,
      %swap3A_88 = arith.constant 624 : index
      %swap3A_89 = tpu.vector_load %arg17[%swap3A_88] {strides = array<i32>} : memref<4096xf32, #tpu.memory_space<vmem>>, vector<16xf32>,
      tpu.vector_store %arg17[%swap3A_88], %broadcast_in_dim3A_10 {strides = array<i32>} : memref<4096xf32, #tpu.memory_space<vmem>>, vector<16xf32>,
      %swap3A_90 = arith.constant 640 : index
      %swap3A_91 = tpu.vector_load %arg17[%swap3A_90] {strides = array<i32>} : memref<4096xf32, #tpu.memory_space<vmem>>, vector<16xf32>,
      tpu.vector_store %arg17[%swap3A_90], %broadcast_in_dim3A_10 {strides = array<i32>} : memref<4096xf32, #tpu.memory_space<vmem>>, vector<16xf32>,
      %swap3A_92 = arith.constant 656 : index
      %swap3A_93 = tpu.vector_load %arg17[%swap3A_92] {strides = array<i32>} : memref<4096xf32, #tpu.memory_space<vmem>>, vector<16xf32>,
      tpu.vector_store %arg17[%swap3A_92], %broadcast_in_dim3A_10 {strides = array<i32>} : memref<4096xf32, #tpu.memory_space<vmem>>, vector<16xf32>,
      %swap3A_94 = arith.constant 672 : index
      %swap3A_95 = tpu.vector_load %arg17[%swap3A_94] {strides = array<i32>} : memref<4096xf32, #tpu.memory_space<vmem>>, vector<16xf32>,
      tpu.vector_store %arg17[%swap3A_94], %broadcast_in_dim3A_10 {strides = array<i32>} : memref<4096xf32, #tpu.memory_space<vmem>>, vector<16xf32>,
      %swap3A_96 = arith.constant 688 : index
      %swap3A_97 = tpu.vector_load %arg17[%swap3A_96] {strides = array<i32>} : memref<4096xf32, #tpu.memory_space<vmem>>, vector<16xf32>,
      tpu.vector_store %arg17[%swap3A_96], %broadcast_in_dim3A_10 {strides = array<i32>} : memref<4096xf32, #tpu.memory_space<vmem>>, vector<16xf32>,
      %swap3A_98 = arith.constant 704 : index
      %swap3A_99 = tpu.vector_load %arg17[%swap3A_98] {strides = array<i32>} : memref<4096xf32, #tpu.memory_space<vmem>>, vector<16xf32>,
      tpu.vector_store %arg17[%swap3A_98], %broadcast_in_dim3A_10 {strides = array<i32>} : memref<4096xf32, #tpu.memory_space<vmem>>, vector<16xf32>,
      %swap3A_100 = arith.constant 720 : index
      %swap3A_101 = tpu.vector_load %arg17[%swap3A_100] {strides = array<i32>} : memref<4096xf32, #tpu.memory_space<vmem>>, vector<16xf32>,
      tpu.vector_store %arg17[%swap3A_100], %broadcast_in_dim3A_10 {strides = array<i32>} : memref<4096xf32, #tpu.memory_space<vmem>>, vector<16xf32>,
      %swap3A_102 = arith.constant 736 : index
      %swap3A_103 = tpu.vector_load %arg17[%swap3A_102] {strides = array<i32>} : memref<4096xf32, #tpu.memory_space<vmem>>, vector<16xf32>,
      tpu.vector_store %arg17[%swap3A_102], %broadcast_in_dim3A_10 {strides = array<i32>} : memref<4096xf32, #tpu.memory_space<vmem>>, vector<16xf32>,
      %swap3A_104 = arith.constant 752 : index
      %swap3A_105 = tpu.vector_load %arg17[%swap3A_104] {strides = array<i32>} : memref<4096xf32, #tpu.memory_space<vmem>>, vector<16xf32>,
      tpu.vector_store %arg17[%swap3A_104], %broadcast_in_dim3A_10 {strides = array<i32>} : memref<4096xf32, #tpu.memory_space<vmem>>, vector<16xf32>,
      %swap3A_106 = arith.constant 768 : index
      %swap3A_107 = tpu.vector_load %arg17[%swap3A_106] {strides = array<i32>} : memref<4096xf32, #tpu.memory_space<vmem>>, vector<16xf32>,
      tpu.vector_store %arg17[%swap3A_106], %broadcast_in_dim3A_10 {strides = array<i32>} : memref<4096xf32, #tpu.memory_space<vmem>>, vector<16xf32>,
      %swap3A_108 = arith.constant 784 : index
      %swap3A_109 = tpu.vector_load %arg17[%swap3A_108] {strides = array<i32>} : memref<4096xf32, #tpu.memory_space<vmem>>, vector<16xf32>,
      tpu.vector_store %arg17[%swap3A_108], %broadcast_in_dim3A_10 {strides = array<i32>} : memref<4096xf32, #tpu.memory_space<vmem>>, vector<16xf32>,
      %swap3A_110 = arith.constant 800 : index
      %swap3A_111 = tpu.vector_load %arg17[%swap3A_110] {strides = array<i32>} : memref<4096xf32, #tpu.memory_space<vmem>>, vector<16xf32>,
      tpu.vector_store %arg17[%swap3A_110], %broadcast_in_dim3A_10 {strides = array<i32>} : memref<4096xf32, #tpu.memory_space<vmem>>, vector<16xf32>,
      %swap3A_112 = arith.constant 816 : index
      %swap3A_113 = tpu.vector_load %arg17[%swap3A_112] {strides = array<i32>} : memref<4096xf32, #tpu.memory_space<vmem>>, vector<16xf32>,
      tpu.vector_store %arg17[%swap3A_112], %broadcast_in_dim3A_10 {strides = array<i32>} : memref<4096xf32, #tpu.memory_space<vmem>>, vector<16xf32>,
      %swap3A_114 = arith.constant 832 : index
      %swap3A_115 = tpu.vector_load %arg17[%swap3A_114] {strides = array<i32>} : memref<4096xf32, #tpu.memory_space<vmem>>, vector<16xf32>,
      tpu.vector_store %arg17[%swap3A_114], %broadcast_in_dim3A_10 {strides = array<i32>} : memref<4096xf32, #tpu.memory_space<vmem>>, vector<16xf32>,
      %swap3A_116 = arith.constant 848 : index
      %swap3A_117 = tpu.vector_load %arg17[%swap3A_116] {strides = array<i32>} : memref<4096xf32, #tpu.memory_space<vmem>>, vector<16xf32>,
      tpu.vector_store %arg17[%swap3A_116], %broadcast_in_dim3A_10 {strides = array<i32>} : memref<4096xf32, #tpu.memory_space<vmem>>, vector<16xf32>,
      %swap3A_118 = arith.constant 864 : index
      %swap3A_119 = tpu.vector_load %arg17[%swap3A_118] {strides = array<i32>} : memref<4096xf32, #tpu.memory_space<vmem>>, vector<16xf32>,
      tpu.vector_store %arg17[%swap3A_118], %broadcast_in_dim3A_10 {strides = array<i32>} : memref<4096xf32, #tpu.memory_space<vmem>>, vector<16xf32>,
      %swap3A_120 = arith.constant 880 : index
      %swap3A_121 = tpu.vector_load %arg17[%swap3A_120] {strides = array<i32>} : memref<4096xf32, #tpu.memory_space<vmem>>, vector<16xf32>,
      tpu.vector_store %arg17[%swap3A_120], %broadcast_in_dim3A_10 {strides = array<i32>} : memref<4096xf32, #tpu.memory_space<vmem>>, vector<16xf32>,
      %swap3A_122 = arith.constant 896 : index
      %swap3A_123 = tpu.vector_load %arg17[%swap3A_122] {strides = array<i32>} : memref<4096xf32, #tpu.memory_space<vmem>>, vector<16xf32>,
      tpu.vector_store %arg17[%swap3A_122], %broadcast_in_dim3A_10 {strides = array<i32>} : memref<4096xf32, #tpu.memory_space<vmem>>, vector<16xf32>,
      %swap3A_124 = arith.constant 912 : index
      %swap3A_125 = tpu.vector_load %arg17[%swap3A_124] {strides = array<i32>} : memref<4096xf32, #tpu.memory_space<vmem>>, vector<16xf32>,
      tpu.vector_store %arg17[%swap3A_124], %broadcast_in_dim3A_10 {strides = array<i32>} : memref<4096xf32, #tpu.memory_space<vmem>>, vector<16xf32>,
      %swap3A_126 = arith.constant 928 : index
      %swap3A_127 = tpu.vector_load %arg17[%swap3A_126] {strides = array<i32>} : memref<4096xf32, #tpu.memory_space<vmem>>, vector<16xf32>,
      tpu.vector_store %arg17[%swap3A_126], %broadcast_in_dim3A_10 {strides = array<i32>} : memref<4096xf32, #tpu.memory_space<vmem>>, vector<16xf32>,
      %swap3A_128 = arith.constant 944 : index
      %swap3A_129 = tpu.vector_load %arg17[%swap3A_128] {strides = array<i32>} : memref<4096xf32, #tpu.memory_space<vmem>>, vector<16xf32>,
      tpu.vector_store %arg17[%swap3A_128], %broadcast_in_dim3A_10 {strides = array<i32>} : memref<4096xf32, #tpu.memory_space<vmem>>, vector<16xf32>,
      %swap3A_130 = arith.constant 960 : index
      %swap3A_131 = tpu.vector_load %arg17[%swap3A_130] {strides = array<i32>} : memref<4096xf32, #tpu.memory_space<vmem>>, vector<16xf32>,
      tpu.vector_store %arg17[%swap3A_130], %broadcast_in_dim3A_10 {strides = array<i32>} : memref<4096xf32, #tpu.memory_space<vmem>>, vector<16xf32>,
      %swap3A_132 = arith.constant 976 : index
      %swap3A_133 = tpu.vector_load %arg17[%swap3A_132] {strides = array<i32>} : memref<4096xf32, #tpu.memory_space<vmem>>, vector<16xf32>,
      tpu.vector_store %arg17[%swap3A_132], %broadcast_in_dim3A_10 {strides = array<i32>} : memref<4096xf32, #tpu.memory_space<vmem>>, vector<16xf32>,
      %swap3A_134 = arith.constant 992 : index
      %swap3A_135 = tpu.vector_load %arg17[%swap3A_134] {strides = array<i32>} : memref<4096xf32, #tpu.memory_space<vmem>>, vector<16xf32>,
      tpu.vector_store %arg17[%swap3A_134], %broadcast_in_dim3A_10 {strides = array<i32>} : memref<4096xf32, #tpu.memory_space<vmem>>, vector<16xf32>,
      %swap3A_136 = arith.constant 1008 : index
      %swap3A_137 = tpu.vector_load %arg17[%swap3A_136] {strides = array<i32>} : memref<4096xf32, #tpu.memory_space<vmem>>, vector<16xf32>,
      tpu.vector_store %arg17[%swap3A_136], %broadcast_in_dim3A_10 {strides = array<i32>} : memref<4096xf32, #tpu.memory_space<vmem>>, vector<16xf32>,
      %swap3A_138 = arith.constant 1024 : index
      %swap3A_139 = tpu.vector_load %arg17[%swap3A_138] {strides = array<i32>} : memref<4096xf32, #tpu.memory_space<vmem>>, vector<16xf32>,
      tpu.vector_store %arg17[%swap3A_138], %broadcast_in_dim3A_10 {strides = array<i32>} : memref<4096xf32, #tpu.memory_space<vmem>>, vector<16xf32>,
      %swap3A_140 = arith.constant 1040 : index
      %swap3A_141 = tpu.vector_load %arg17[%swap3A_140] {strides = array<i32>} : memref<4096xf32, #tpu.memory_space<vmem>>, vector<16xf32>,
      tpu.vector_store %arg17[%swap3A_140], %broadcast_in_dim3A_10 {strides = array<i32>} : memref<4096xf32, #tpu.memory_space<vmem>>, vector<16xf32>,
      %swap3A_142 = arith.constant 1056 : index
      %swap3A_143 = tpu.vector_load %arg17[%swap3A_142] {strides = array<i32>} : memref<4096xf32, #tpu.memory_space<vmem>>, vector<16xf32>,
      tpu.vector_store %arg17[%swap3A_142], %broadcast_in_dim3A_10 {strides = array<i32>} : memref<4096xf32, #tpu.memory_space<vmem>>, vector<16xf32>,
      %swap3A_144 = arith.constant 1072 : index
      %swap3A_145 = tpu.vector_load %arg17[%swap3A_144] {strides = array<i32>} : memref<4096xf32, #tpu.memory_space<vmem>>, vector<16xf32>,
      tpu.vector_store %arg17[%swap3A_144], %broadcast_in_dim3A_10 {strides = array<i32>} : memref<4096xf32, #tpu.memory_space<vmem>>, vector<16xf32>,
      %swap3A_146 = arith.constant 1088 : index
      %swap3A_147 = tpu.vector_load %arg17[%swap3A_146] {strides = array<i32>} : memref<4096xf32, #tpu.memory_space<vmem>>, vector<16xf32>,
      tpu.vector_store %arg17[%swap3A_146], %broadcast_in_dim3A_10 {strides = array<i32>} : memref<4096xf32, #tpu.memory_space<vmem>>, vector<16xf32>,
      %swap3A_148 = arith.constant 1104 : index
      %swap3A_149 = tpu.vector_load %arg17[%swap3A_148] {strides = array<i32>} : memref<4096xf32, #tpu.memory_space<vmem>>, vector<16xf32>,
      tpu.vector_store %arg17[%swap3A_148], %broadcast_in_dim3A_10 {strides = array<i32>} : memref<4096xf32, #tpu.memory_space<vmem>>, vector<16xf32>,
      %swap3A_150 = arith.constant 1120 : index
      %swap3A_151 = tpu.vector_load %arg17[%swap3A_150] {strides = array<i32>} : memref<4096xf32, #tpu.memory_space<vmem>>, vector<16xf32>,
      tpu.vector_store %arg17[%swap3A_150], %broadcast_in_dim3A_10 {strides = array<i32>} : memref<4096xf32, #tpu.memory_space<vmem>>, vector<16xf32>,
      %swap3A_152 = arith.constant 1136 : index
      %swap3A_153 = tpu.vector_load %arg17[%swap3A_152] {strides = array<i32>} : memref<4096xf32, #tpu.memory_space<vmem>>, vector<16xf32>,
      tpu.vector_store %arg17[%swap3A_152], %broadcast_in_dim3A_10 {strides = array<i32>} : memref<4096xf32, #tpu.memory_space<vmem>>, vector<16xf32>,
      %swap3A_154 = arith.constant 1152 : index
      %swap3A_155 = tpu.vector_load %arg17[%swap3A_154] {strides = array<i32>} : memref<4096xf32, #tpu.memory_space<vmem>>, vector<16xf32>,
      tpu.vector_store %arg17[%swap3A_154], %broadcast_in_dim3A_10 {strides = array<i32>} : memref<4096xf32, #tpu.memory_space<vmem>>, vector<16xf32>,
      %swap3A_156 = arith.constant 1168 : index
      %swap3A_157 = tpu.vector_load %arg17[%swap3A_156] {strides = array<i32>} : memref<4096xf32, #tpu.memory_space<vmem>>, vector<16xf32>,
      tpu.vector_store %arg17[%swap3A_156], %broadcast_in_dim3A_10 {strides = array<i32>} : memref<4096xf32, #tpu.memory_space<vmem>>, vector<16xf32>,
      %swap3A_158 = arith.constant 1184 : index
      %swap3A_159 = tpu.vector_load %arg17[%swap3A_158] {strides = array<i32>} : memref<4096xf32, #tpu.memory_space<vmem>>, vector<16xf32>,
      tpu.vector_store %arg17[%swap3A_158], %broadcast_in_dim3A_10 {strides = array<i32>} : memref<4096xf32, #tpu.memory_space<vmem>>, vector<16xf32>,
      %swap3A_160 = arith.constant 1200 : index
      %swap3A_161 = tpu.vector_load %arg17[%swap3A_160] {strides = array<i32>} : memref<4096xf32, #tpu.memory_space<vmem>>, vector<16xf32>,
      tpu.vector_store %arg17[%swap3A_160], %broadcast_in_dim3A_10 {strides = array<i32>} : memref<4096xf32, #tpu.memory_space<vmem>>, vector<16xf32>,
      %swap3A_162 = arith.constant 1216 : index
      %swap3A_163 = tpu.vector_load %arg17[%swap3A_162] {strides = array<i32>} : memref<4096xf32, #tpu.memory_space<vmem>>, vector<16xf32>,
      tpu.vector_store %arg17[%swap3A_162], %broadcast_in_dim3A_10 {strides = array<i32>} : memref<4096xf32, #tpu.memory_space<vmem>>, vector<16xf32>,
      %swap3A_164 = arith.constant 1232 : index
      %swap3A_165 = tpu.vector_load %arg17[%swap3A_164] {strides = array<i32>} : memref<4096xf32, #tpu.memory_space<vmem>>, vector<16xf32>,
      tpu.vector_store %arg17[%swap3A_164], %broadcast_in_dim3A_10 {strides = array<i32>} : memref<4096xf32, #tpu.memory_space<vmem>>, vector<16xf32>,
      %swap3A_166 = arith.constant 1248 : index
      %swap3A_167 = tpu.vector_load %arg17[%swap3A_166] {strides = array<i32>} : memref<4096xf32, #tpu.memory_space<vmem>>, vector<16xf32>,
      tpu.vector_store %arg17[%swap3A_166], %broadcast_in_dim3A_10 {strides = array<i32>} : memref<4096xf32, #tpu.memory_space<vmem>>, vector<16xf32>,
      %swap3A_168 = arith.constant 1264 : index
      %swap3A_169 = tpu.vector_load %arg17[%swap3A_168] {strides = array<i32>} : memref<4096xf32, #tpu.memory_space<vmem>>, vector<16xf32>,
      tpu.vector_store %arg17[%swap3A_168], %broadcast_in_dim3A_10 {strides = array<i32>} : memref<4096xf32, #tpu.memory_space<vmem>>, vector<16xf32>,
      %swap3A_170 = arith.constant 1280 : index
      %swap3A_171 = tpu.vector_load %arg17[%swap3A_170] {strides = array<i32>} : memref<4096xf32, #tpu.memory_space<vmem>>, vector<16xf32>,
      tpu.vector_store %arg17[%swap3A_170], %broadcast_in_dim3A_10 {strides = array<i32>} : memref<4096xf32, #tpu.memory_space<vmem>>, vector<16xf32>,
      %swap3A_172 = arith.constant 1296 : index
      %swap3A_173 = tpu.vector_load %arg17[%swap3A_172] {strides = array<i32>} : memref<4096xf32, #tpu.memory_space<vmem>>, vector<16xf32>,
      tpu.vector_store %arg17[%swap3A_172], %broadcast_in_dim3A_10 {strides = array<i32>} : memref<4096xf32, #tpu.memory_space<vmem>>, vector<16xf32>,
      %swap3A_174 = arith.constant 1312 : index
      %swap3A_175 = tpu.vector_load %arg17[%swap3A_174] {strides = array<i32>} : memref<4096xf32, #tpu.memory_space<vmem>>, vector<16xf32>,
      tpu.vector_store %arg17[%swap3A_174], %broadcast_in_dim3A_10 {strides = array<i32>} : memref<4096xf32, #tpu.memory_space<vmem>>, vector<16xf32>,
      %swap3A_176 = arith.constant 1328 : index
      %swap3A_177 = tpu.vector_load %arg17[%swap3A_176] {strides = array<i32>} : memref<4096xf32, #tpu.memory_space<vmem>>, vector<16xf32>,
      tpu.vector_store %arg17[%swap3A_176], %broadcast_in_dim3A_10 {strides = array<i32>} : memref<4096xf32, #tpu.memory_space<vmem>>, vector<16xf32>,
      %swap3A_178 = arith.constant 1344 : index
      %swap3A_179 = tpu.vector_load %arg17[%swap3A_178] {strides = array<i32>} : memref<4096xf32, #tpu.memory_space<vmem>>, vector<16xf32>,
      tpu.vector_store %arg17[%swap3A_178], %broadcast_in_dim3A_10 {strides = array<i32>} : memref<4096xf32, #tpu.memory_space<vmem>>, vector<16xf32>,
      %swap3A_180 = arith.constant 1360 : index
      %swap3A_181 = tpu.vector_load %arg17[%swap3A_180] {strides = array<i32>} : memref<4096xf32, #tpu.memory_space<vmem>>, vector<16xf32>,
      tpu.vector_store %arg17[%swap3A_180], %broadcast_in_dim3A_10 {strides = array<i32>} : memref<4096xf32, #tpu.memory_space<vmem>>, vector<16xf32>,
      %swap3A_182 = arith.constant 1376 : index
      %swap3A_183 = tpu.vector_load %arg17[%swap3A_182] {strides = array<i32>} : memref<4096xf32, #tpu.memory_space<vmem>>, vector<16xf32>,
      tpu.vector_store %arg17[%swap3A_182], %broadcast_in_dim3A_10 {strides = array<i32>} : memref<4096xf32, #tpu.memory_space<vmem>>, vector<16xf32>,
      %swap3A_184 = arith.constant 1392 : index
      %swap3A_185 = tpu.vector_load %arg17[%swap3A_184] {strides = array<i32>} : memref<4096xf32, #tpu.memory_space<vmem>>, vector<16xf32>,
      tpu.vector_store %arg17[%swap3A_184], %broadcast_in_dim3A_10 {strides = array<i32>} : memref<4096xf32, #tpu.memory_space<vmem>>, vector<16xf32>,
      %swap3A_186 = arith.constant 1408 : index
      %swap3A_187 = tpu.vector_load %arg17[%swap3A_186] {strides = array<i32>} : memref<4096xf32, #tpu.memory_space<vmem>>, vector<16xf32>,
      tpu.vector_store %arg17[%swap3A_186], %broadcast_in_dim3A_10 {strides = array<i32>} : memref<4096xf32, #tpu.memory_space<vmem>>, vector<16xf32>,
      %swap3A_188 = arith.constant 1424 : index
      %swap3A_189 = tpu.vector_load %arg17[%swap3A_188] {strides = array<i32>} : memref<4096xf32, #tpu.memory_space<vmem>>, vector<16xf32>,
      tpu.vector_store %arg17[%swap3A_188], %broadcast_in_dim3A_10 {strides = array<i32>} : memref<4096xf32, #tpu.memory_space<vmem>>, vector<16xf32>,
      %swap3A_190 = arith.constant 1440 : index
      %swap3A_191 = tpu.vector_load %arg17[%swap3A_190] {strides = array<i32>} : memref<4096xf32, #tpu.memory_space<vmem>>, vector<16xf32>,
      tpu.vector_store %arg17[%swap3A_190], %broadcast_in_dim3A_10 {strides = array<i32>} : memref<4096xf32, #tpu.memory_space<vmem>>, vector<16xf32>,
      %swap3A_192 = arith.constant 1456 : index
      %swap3A_193 = tpu.vector_load %arg17[%swap3A_192] {strides = array<i32>} : memref<4096xf32, #tpu.memory_space<vmem>>, vector<16xf32>,
      tpu.vector_store %arg17[%swap3A_192], %broadcast_in_dim3A_10 {strides = array<i32>} : memref<4096xf32, #tpu.memory_space<vmem>>, vector<16xf32>,
      %swap3A_194 = arith.constant 1472 : index
      %swap3A_195 = tpu.vector_load %arg17[%swap3A_194] {strides = array<i32>} : memref<4096xf32, #tpu.memory_space<vmem>>, vector<16xf32>,
      tpu.vector_store %arg17[%swap3A_194], %broadcast_in_dim3A_10 {strides = array<i32>} : memref<4096xf32, #tpu.memory_space<vmem>>, vector<16xf32>,
      %swap3A_196 = arith.constant 1488 : index
      %swap3A_197 = tpu.vector_load %arg17[%swap3A_196] {strides = array<i32>} : memref<4096xf32, #tpu.memory_space<vmem>>, vector<16xf32>,
      tpu.vector_store %arg17[%swap3A_196], %broadcast_in_dim3A_10 {strides = array<i32>} : memref<4096xf32, #tpu.memory_space<vmem>>, vector<16xf32>,
      %swap3A_198 = arith.constant 1504 : index
      %swap3A_199 = tpu.vector_load %arg17[%swap3A_198] {strides = array<i32>} : memref<4096xf32, #tpu.memory_space<vmem>>, vector<16xf32>,
      tpu.vector_store %arg17[%swap3A_198], %broadcast_in_dim3A_10 {strides = array<i32>} : memref<4096xf32, #tpu.memory_space<vmem>>, vector<16xf32>,
      %swap3A_200 = arith.constant 1520 : index
      %swap3A_201 = tpu.vector_load %arg17[%swap3A_200] {strides = array<i32>} : memref<4096xf32, #tpu.memory_space<vmem>>, vector<16xf32>,
      tpu.vector_store %arg17[%swap3A_200], %broadcast_in_dim3A_10 {strides = array<i32>} : memref<4096xf32, #tpu.memory_space<vmem>>, vector<16xf32>,
      %swap3A_202 = arith.constant 1536 : index
      %swap3A_203 = tpu.vector_load %arg17[%swap3A_202] {strides = array<i32>} : memref<4096xf32, #tpu.memory_space<vmem>>, vector<16xf32>,
      tpu.vector_store %arg17[%swap3A_202], %broadcast_in_dim3A_10 {strides = array<i32>} : memref<4096xf32, #tpu.memory_space<vmem>>, vector<16xf32>,
      %swap3A_204 = arith.constant 1552 : index
      %swap3A_205 = tpu.vector_load %arg17[%swap3A_204] {strides = array<i32>} : memref<4096xf32, #tpu.memory_space<vmem>>, vector<16xf32>,
      tpu.vector_store %arg17[%swap3A_204], %broadcast_in_dim3A_10 {strides = array<i32>} : memref<4096xf32, #tpu.memory_space<vmem>>, vector<16xf32>,
      %swap3A_206 = arith.constant 1568 : index
      %swap3A_207 = tpu.vector_load %arg17[%swap3A_206] {strides = array<i32>} : memref<4096xf32, #tpu.memory_space<vmem>>, vector<16xf32>,
      tpu.vector_store %arg17[%swap3A_206], %broadcast_in_dim3A_10 {strides = array<i32>} : memref<4096xf32, #tpu.memory_space<vmem>>, vector<16xf32>,
      %swap3A_208 = arith.constant 1584 : index
      %swap3A_209 = tpu.vector_load %arg17[%swap3A_208] {strides = array<i32>} : memref<4096xf32, #tpu.memory_space<vmem>>, vector<16xf32>,
      tpu.vector_store %arg17[%swap3A_208], %broadcast_in_dim3A_10 {strides = array<i32>} : memref<4096xf32, #tpu.memory_space<vmem>>, vector<16xf32>,
      %swap3A_210 = arith.constant 1600 : index
      %swap3A_211 = tpu.vector_load %arg17[%swap3A_210] {strides = array<i32>} : memref<4096xf32, #tpu.memory_space<vmem>>, vector<16xf32>,
      tpu.vector_store %arg17[%swap3A_210], %broadcast_in_dim3A_10 {strides = array<i32>} : memref<4096xf32, #tpu.memory_space<vmem>>, vector<16xf32>,
      %swap3A_212 = arith.constant 1616 : index
      %swap3A_213 = tpu.vector_load %arg17[%swap3A_212] {strides = array<i32>} : memref<4096xf32, #tpu.memory_space<vmem>>, vector<16xf32>,
      tpu.vector_store %arg17[%swap3A_212], %broadcast_in_dim3A_10 {strides = array<i32>} : memref<4096xf32, #tpu.memory_space<vmem>>, vector<16xf32>,
      %swap3A_214 = arith.constant 1632 : index
      %swap3A_215 = tpu.vector_load %arg17[%swap3A_214] {strides = array<i32>} : memref<4096xf32, #tpu.memory_space<vmem>>, vector<16xf32>,
      tpu.vector_store %arg17[%swap3A_214], %broadcast_in_dim3A_10 {strides = array<i32>} : memref<4096xf32, #tpu.memory_space<vmem>>, vector<16xf32>,
      %swap3A_216 = arith.constant 1648 : index
      %swap3A_217 = tpu.vector_load %arg17[%swap3A_216] {strides = array<i32>} : memref<4096xf32, #tpu.memory_space<vmem>>, vector<16xf32>,
      tpu.vector_store %arg17[%swap3A_216], %broadcast_in_dim3A_10 {strides = array<i32>} : memref<4096xf32, #tpu.memory_space<vmem>>, vector<16xf32>,
      %swap3A_218 = arith.constant 1664 : index
      %swap3A_219 = tpu.vector_load %arg17[%swap3A_218] {strides = array<i32>} : memref<4096xf32, #tpu.memory_space<vmem>>, vector<16xf32>,
      tpu.vector_store %arg17[%swap3A_218], %broadcast_in_dim3A_10 {strides = array<i32>} : memref<4096xf32, #tpu.memory_space<vmem>>, vector<16xf32>,
      %swap3A_220 = arith.constant 1680 : index
      %swap3A_221 = tpu.vector_load %arg17[%swap3A_220] {strides = array<i32>} : memref<4096xf32, #tpu.memory_space<vmem>>, vector<16xf32>,
      tpu.vector_store %arg17[%swap3A_220], %broadcast_in_dim3A_10 {strides = array<i32>} : memref<4096xf32, #tpu.memory_space<vmem>>, vector<16xf32>,
      %swap3A_222 = arith.constant 1696 : index
      %swap3A_223 = tpu.vector_load %arg17[%swap3A_222] {strides = array<i32>} : memref<4096xf32, #tpu.memory_space<vmem>>, vector<16xf32>,
      tpu.vector_store %arg17[%swap3A_222], %broadcast_in_dim3A_10 {strides = array<i32>} : memref<4096xf32, #tpu.memory_space<vmem>>, vector<16xf32>,
      %swap3A_224 = arith.constant 1712 : index
      %swap3A_225 = tpu.vector_load %arg17[%swap3A_224] {strides = array<i32>} : memref<4096xf32, #tpu.memory_space<vmem>>, vector<16xf32>,
      tpu.vector_store %arg17[%swap3A_224], %broadcast_in_dim3A_10 {strides = array<i32>} : memref<4096xf32, #tpu.memory_space<vmem>>, vector<16xf32>,
      %swap3A_226 = arith.constant 1728 : index
      %swap3A_227 = tpu.vector_load %arg17[%swap3A_226] {strides = array<i32>} : memref<4096xf32, #tpu.memory_space<vmem>>, vector<16xf32>,
      tpu.vector_store %arg17[%swap3A_226], %broadcast_in_dim3A_10 {strides = array<i32>} : memref<4096xf32, #tpu.memory_space<vmem>>, vector<16xf32>,
      %swap3A_228 = arith.constant 1744 : index
      %swap3A_229 = tpu.vector_load %arg17[%swap3A_228] {strides = array<i32>} : memref<4096xf32, #tpu.memory_space<vmem>>, vector<16xf32>,
      tpu.vector_store %arg17[%swap3A_228], %broadcast_in_dim3A_10 {strides = array<i32>} : memref<4096xf32, #tpu.memory_space<vmem>>, vector<16xf32>,
      %swap3A_230 = arith.constant 1760 : index
      %swap3A_231 = tpu.vector_load %arg17[%swap3A_230] {strides = array<i32>} : memref<4096xf32, #tpu.memory_space<vmem>>, vector<16xf32>,
      tpu.vector_store %arg17[%swap3A_230], %broadcast_in_dim3A_10 {strides = array<i32>} : memref<4096xf32, #tpu.memory_space<vmem>>, vector<16xf32>,
      %swap3A_232 = arith.constant 1776 : index
      %swap3A_233 = tpu.vector_load %arg17[%swap3A_232] {strides = array<i32>} : memref<4096xf32, #tpu.memory_space<vmem>>, vector<16xf32>,
      tpu.vector_store %arg17[%swap3A_232], %broadcast_in_dim3A_10 {strides = array<i32>} : memref<4096xf32, #tpu.memory_space<vmem>>, vector<16xf32>,
      %swap3A_234 = arith.constant 1792 : index
      %swap3A_235 = tpu.vector_load %arg17[%swap3A_234] {strides = array<i32>} : memref<4096xf32, #tpu.memory_space<vmem>>, vector<16xf32>,
      tpu.vector_store %arg17[%swap3A_234], %broadcast_in_dim3A_10 {strides = array<i32>} : memref<4096xf32, #tpu.memory_space<vmem>>, vector<16xf32>,
      %swap3A_236 = arith.constant 1808 : index
      %swap3A_237 = tpu.vector_load %arg17[%swap3A_236] {strides = array<i32>} : memref<4096xf32, #tpu.memory_space<vmem>>, vector<16xf32>,
      tpu.vector_store %arg17[%swap3A_236], %broadcast_in_dim3A_10 {strides = array<i32>} : memref<4096xf32, #tpu.memory_space<vmem>>, vector<16xf32>,
      %swap3A_238 = arith.constant 1824 : index
      %swap3A_239 = tpu.vector_load %arg17[%swap3A_238] {strides = array<i32>} : memref<4096xf32, #tpu.memory_space<vmem>>, vector<16xf32>,
      tpu.vector_store %arg17[%swap3A_238], %broadcast_in_dim3A_10 {strides = array<i32>} : memref<4096xf32, #tpu.memory_space<vmem>>, vector<16xf32>,
      %swap3A_240 = arith.constant 1840 : index
      %swap3A_241 = tpu.vector_load %arg17[%swap3A_240] {strides = array<i32>} : memref<4096xf32, #tpu.memory_space<vmem>>, vector<16xf32>,
      tpu.vector_store %arg17[%swap3A_240], %broadcast_in_dim3A_10 {strides = array<i32>} : memref<4096xf32, #tpu.memory_space<vmem>>, vector<16xf32>,
      %swap3A_242 = arith.constant 1856 : index
      %swap3A_243 = tpu.vector_load %arg17[%swap3A_242] {strides = array<i32>} : memref<4096xf32, #tpu.memory_space<vmem>>, vector<16xf32>,
      tpu.vector_store %arg17[%swap3A_242], %broadcast_in_dim3A_10 {strides = array<i32>} : memref<4096xf32, #tpu.memory_space<vmem>>, vector<16xf32>,
      %swap3A_244 = arith.constant 1872 : index
      %swap3A_245 = tpu.vector_load %arg17[%swap3A_244] {strides = array<i32>} : memref<4096xf32, #tpu.memory_space<vmem>>, vector<16xf32>,
      tpu.vector_store %arg17[%swap3A_244], %broadcast_in_dim3A_10 {strides = array<i32>} : memref<4096xf32, #tpu.memory_space<vmem>>, vector<16xf32>,
      %swap3A_246 = arith.constant 1888 : index
      %swap3A_247 = tpu.vector_load %arg17[%swap3A_246] {strides = array<i32>} : memref<4096xf32, #tpu.memory_space<vmem>>, vector<16xf32>,
      tpu.vector_store %arg17[%swap3A_246], %broadcast_in_dim3A_10 {strides = array<i32>} : memref<4096xf32, #tpu.memory_space<vmem>>, vector<16xf32>,
      %swap3A_248 = arith.constant 1904 : index
      %swap3A_249 = tpu.vector_load %arg17[%swap3A_248] {strides = array<i32>} : memref<4096xf32, #tpu.memory_space<vmem>>, vector<16xf32>,
      tpu.vector_store %arg17[%swap3A_248], %broadcast_in_dim3A_10 {strides = array<i32>} : memref<4096xf32, #tpu.memory_space<vmem>>, vector<16xf32>,
      %swap3A_250 = arith.constant 1920 : index
      %swap3A_251 = tpu.vector_load %arg17[%swap3A_250] {strides = array<i32>} : memref<4096xf32, #tpu.memory_space<vmem>>, vector<16xf32>,
      tpu.vector_store %arg17[%swap3A_250], %broadcast_in_dim3A_10 {strides = array<i32>} : memref<4096xf32, #tpu.memory_space<vmem>>, vector<16xf32>,
      %swap3A_252 = arith.constant 1936 : index
      %swap3A_253 = tpu.vector_load %arg17[%swap3A_252] {strides = array<i32>} : memref<4096xf32, #tpu.memory_space<vmem>>, vector<16xf32>,
      tpu.vector_store %arg17[%swap3A_252], %broadcast_in_dim3A_10 {strides = array<i32>} : memref<4096xf32, #tpu.memory_space<vmem>>, vector<16xf32>,
      %swap3A_254 = arith.constant 1952 : index
      %swap3A_255 = tpu.vector_load %arg17[%swap3A_254] {strides = array<i32>} : memref<4096xf32, #tpu.memory_space<vmem>>, vector<16xf32>,
      tpu.vector_store %arg17[%swap3A_254], %broadcast_in_dim3A_10 {strides = array<i32>} : memref<4096xf32, #tpu.memory_space<vmem>>, vector<16xf32>,
      %swap3A_256 = arith.constant 1968 : index
      %swap3A_257 = tpu.vector_load %arg17[%swap3A_256] {strides = array<i32>} : memref<4096xf32, #tpu.memory_space<vmem>>, vector<16xf32>,
      tpu.vector_store %arg17[%swap3A_256], %broadcast_in_dim3A_10 {strides = array<i32>} : memref<4096xf32, #tpu.memory_space<vmem>>, vector<16xf32>,
      %swap3A_258 = arith.constant 1984 : index
      %swap3A_259 = tpu.vector_load %arg17[%swap3A_258] {strides = array<i32>} : memref<4096xf32, #tpu.memory_space<vmem>>, vector<16xf32>,
      tpu.vector_store %arg17[%swap3A_258], %broadcast_in_dim3A_10 {strides = array<i32>} : memref<4096xf32, #tpu.memory_space<vmem>>, vector<16xf32>,
      %swap3A_260 = arith.constant 2000 : index
      %swap3A_261 = tpu.vector_load %arg17[%swap3A_260] {strides = array<i32>} : memref<4096xf32, #tpu.memory_space<vmem>>, vector<16xf32>,
      tpu.vector_store %arg17[%swap3A_260], %broadcast_in_dim3A_10 {strides = array<i32>} : memref<4096xf32, #tpu.memory_space<vmem>>, vector<16xf32>,
      %swap3A_262 = arith.constant 2016 : index
      %swap3A_263 = tpu.vector_load %arg17[%swap3A_262] {strides = array<i32>} : memref<4096xf32, #tpu.memory_space<vmem>>, vector<16xf32>,
      tpu.vector_store %arg17[%swap3A_262], %broadcast_in_dim3A_10 {strides = array<i32>} : memref<4096xf32, #tpu.memory_space<vmem>>, vector<16xf32>,
      %swap3A_264 = arith.constant 2032 : index
      %swap3A_265 = tpu.vector_load %arg17[%swap3A_264] {strides = array<i32>} : memref<4096xf32, #tpu.memory_space<vmem>>, vector<16xf32>,
      tpu.vector_store %arg17[%swap3A_264], %broadcast_in_dim3A_10 {strides = array<i32>} : memref<4096xf32, #tpu.memory_space<vmem>>, vector<16xf32>,
      %swap3A_266 = arith.constant 2048 : index
      %swap3A_267 = tpu.vector_load %arg17[%swap3A_266] {strides = array<i32>} : memref<4096xf32, #tpu.memory_space<vmem>>, vector<16xf32>,
      tpu.vector_store %arg17[%swap3A_266], %broadcast_in_dim3A_10 {strides = array<i32>} : memref<4096xf32, #tpu.memory_space<vmem>>, vector<16xf32>,
      %swap3A_268 = arith.constant 2064 : index
      %swap3A_269 = tpu.vector_load %arg17[%swap3A_268] {strides = array<i32>} : memref<4096xf32, #tpu.memory_space<vmem>>, vector<16xf32>,
      tpu.vector_store %arg17[%swap3A_268], %broadcast_in_dim3A_10 {strides = array<i32>} : memref<4096xf32, #tpu.memory_space<vmem>>, vector<16xf32>,
      %swap3A_270 = arith.constant 2080 : index
      %swap3A_271 = tpu.vector_load %arg17[%swap3A_270] {strides = array<i32>} : memref<4096xf32, #tpu.memory_space<vmem>>, vector<16xf32>,
      tpu.vector_store %arg17[%swap3A_270], %broadcast_in_dim3A_10 {strides = array<i32>} : memref<4096xf32, #tpu.memory_space<vmem>>, vector<16xf32>,
      %swap3A_272 = arith.constant 2096 : index
      %swap3A_273 = tpu.vector_load %arg17[%swap3A_272] {strides = array<i32>} : memref<4096xf32, #tpu.memory_space<vmem>>, vector<16xf32>,
      tpu.vector_store %arg17[%swap3A_272], %broadcast_in_dim3A_10 {strides = array<i32>} : memref<4096xf32, #tpu.memory_space<vmem>>, vector<16xf32>,
      %swap3A_274 = arith.constant 2112 : index
      %swap3A_275 = tpu.vector_load %arg17[%swap3A_274] {strides = array<i32>} : memref<4096xf32, #tpu.memory_space<vmem>>, vector<16xf32>,
      tpu.vector_store %arg17[%swap3A_274], %broadcast_in_dim3A_10 {strides = array<i32>} : memref<4096xf32, #tpu.memory_space<vmem>>, vector<16xf32>,
      %swap3A_276 = arith.constant 2128 : index
      %swap3A_277 = tpu.vector_load %arg17[%swap3A_276] {strides = array<i32>} : memref<4096xf32, #tpu.memory_space<vmem>>, vector<16xf32>,
      tpu.vector_store %arg17[%swap3A_276], %broadcast_in_dim3A_10 {strides = array<i32>} : memref<4096xf32, #tpu.memory_space<vmem>>, vector<16xf32>,
      %swap3A_278 = arith.constant 2144 : index
      %swap3A_279 = tpu.vector_load %arg17[%swap3A_278] {strides = array<i32>} : memref<4096xf32, #tpu.memory_space<vmem>>, vector<16xf32>,
      tpu.vector_store %arg17[%swap3A_278], %broadcast_in_dim3A_10 {strides = array<i32>} : memref<4096xf32, #tpu.memory_space<vmem>>, vector<16xf32>,
      %swap3A_280 = arith.constant 2160 : index
      %swap3A_281 = tpu.vector_load %arg17[%swap3A_280] {strides = array<i32>} : memref<4096xf32, #tpu.memory_space<vmem>>, vector<16xf32>,
      tpu.vector_store %arg17[%swap3A_280], %broadcast_in_dim3A_10 {strides = array<i32>} : memref<4096xf32, #tpu.memory_space<vmem>>, vector<16xf32>,
      %swap3A_282 = arith.constant 2176 : index
      %swap3A_283 = tpu.vector_load %arg17[%swap3A_282] {strides = array<i32>} : memref<4096xf32, #tpu.memory_space<vmem>>, vector<16xf32>,
      tpu.vector_store %arg17[%swap3A_282], %broadcast_in_dim3A_10 {strides = array<i32>} : memref<4096xf32, #tpu.memory_space<vmem>>, vector<16xf32>,
      %swap3A_284 = arith.constant 2192 : index
      %swap3A_285 = tpu.vector_load %arg17[%swap3A_284] {strides = array<i32>} : memref<4096xf32, #tpu.memory_space<vmem>>, vector<16xf32>,
      tpu.vector_store %arg17[%swap3A_284], %broadcast_in_dim3A_10 {strides = array<i32>} : memref<4096xf32, #tpu.memory_space<vmem>>, vector<16xf32>,
      %swap3A_286 = arith.constant 2208 : index
      %swap3A_287 = tpu.vector_load %arg17[%swap3A_286] {strides = array<i32>} : memref<4096xf32, #tpu.memory_space<vmem>>, vector<16xf32>,
      tpu.vector_store %arg17[%swap3A_286], %broadcast_in_dim3A_10 {strides = array<i32>} : memref<4096xf32, #tpu.memory_space<vmem>>, vector<16xf32>,
      %swap3A_288 = arith.constant 2224 : index
      %swap3A_289 = tpu.vector_load %arg17[%swap3A_288] {strides = array<i32>} : memref<4096xf32, #tpu.memory_space<vmem>>, vector<16xf32>,
      tpu.vector_store %arg17[%swap3A_288], %broadcast_in_dim3A_10 {strides = array<i32>} : memref<4096xf32, #tpu.memory_space<vmem>>, vector<16xf32>,
      %swap3A_290 = arith.constant 2240 : index
      %swap3A_291 = tpu.vector_load %arg17[%swap3A_290] {strides = array<i32>} : memref<4096xf32, #tpu.memory_space<vmem>>, vector<16xf32>,
      tpu.vector_store %arg17[%swap3A_290], %broadcast_in_dim3A_10 {strides = array<i32>} : memref<4096xf32, #tpu.memory_space<vmem>>, vector<16xf32>,
      %swap3A_292 = arith.constant 2256 : index
      %swap3A_293 = tpu.vector_load %arg17[%swap3A_292] {strides = array<i32>} : memref<4096xf32, #tpu.memory_space<vmem>>, vector<16xf32>,
      tpu.vector_store %arg17[%swap3A_292], %broadcast_in_dim3A_10 {strides = array<i32>} : memref<4096xf32, #tpu.memory_space<vmem>>, vector<16xf32>,
      %swap3A_294 = arith.constant 2272 : index
      %swap3A_295 = tpu.vector_load %arg17[%swap3A_294] {strides = array<i32>} : memref<4096xf32, #tpu.memory_space<vmem>>, vector<16xf32>,
      tpu.vector_store %arg17[%swap3A_294], %broadcast_in_dim3A_10 {strides = array<i32>} : memref<4096xf32, #tpu.memory_space<vmem>>, vector<16xf32>,
      %swap3A_296 = arith.constant 2288 : index
      %swap3A_297 = tpu.vector_load %arg17[%swap3A_296] {strides = array<i32>} : memref<4096xf32, #tpu.memory_space<vmem>>, vector<16xf32>,
      tpu.vector_store %arg17[%swap3A_296], %broadcast_in_dim3A_10 {strides = array<i32>} : memref<4096xf32, #tpu.memory_space<vmem>>, vector<16xf32>,
      %swap3A_298 = arith.constant 2304 : index
      %swap3A_299 = tpu.vector_load %arg17[%swap3A_298] {strides = array<i32>} : memref<4096xf32, #tpu.memory_space<vmem>>, vector<16xf32>,
      tpu.vector_store %arg17[%swap3A_298], %broadcast_in_dim3A_10 {strides = array<i32>} : memref<4096xf32, #tpu.memory_space<vmem>>, vector<16xf32>,
      %swap3A_300 = arith.constant 2320 : index
      %swap3A_301 = tpu.vector_load %arg17[%swap3A_300] {strides = array<i32>} : memref<4096xf32, #tpu.memory_space<vmem>>, vector<16xf32>,
      tpu.vector_store %arg17[%swap3A_300], %broadcast_in_dim3A_10 {strides = array<i32>} : memref<4096xf32, #tpu.memory_space<vmem>>, vector<16xf32>,
      %swap3A_302 = arith.constant 2336 : index
      %swap3A_303 = tpu.vector_load %arg17[%swap3A_302] {strides = array<i32>} : memref<4096xf32, #tpu.memory_space<vmem>>, vector<16xf32>,
      tpu.vector_store %arg17[%swap3A_302], %broadcast_in_dim3A_10 {strides = array<i32>} : memref<4096xf32, #tpu.memory_space<vmem>>, vector<16xf32>,
      %swap3A_304 = arith.constant 2352 : index
      %swap3A_305 = tpu.vector_load %arg17[%swap3A_304] {strides = array<i32>} : memref<4096xf32, #tpu.memory_space<vmem>>, vector<16xf32>,
      tpu.vector_store %arg17[%swap3A_304], %broadcast_in_dim3A_10 {strides = array<i32>} : memref<4096xf32, #tpu.memory_space<vmem>>, vector<16xf32>,
      %swap3A_306 = arith.constant 2368 : index
      %swap3A_307 = tpu.vector_load %arg17[%swap3A_306] {strides = array<i32>} : memref<4096xf32, #tpu.memory_space<vmem>>, vector<16xf32>,
      tpu.vector_store %arg17[%swap3A_306], %broadcast_in_dim3A_10 {strides = array<i32>} : memref<4096xf32, #tpu.memory_space<vmem>>, vector<16xf32>,
      %swap3A_308 = arith.constant 2384 : index
      %swap3A_309 = tpu.vector_load %arg17[%swap3A_308] {strides = array<i32>} : memref<4096xf32, #tpu.memory_space<vmem>>, vector<16xf32>,
      tpu.vector_store %arg17[%swap3A_308], %broadcast_in_dim3A_10 {strides = array<i32>} : memref<4096xf32, #tpu.memory_space<vmem>>, vector<16xf32>,
      %swap3A_310 = arith.constant 2400 : index
      %swap3A_311 = tpu.vector_load %arg17[%swap3A_310] {strides = array<i32>} : memref<4096xf32, #tpu.memory_space<vmem>>, vector<16xf32>,
      tpu.vector_store %arg17[%swap3A_310], %broadcast_in_dim3A_10 {strides = array<i32>} : memref<4096xf32, #tpu.memory_space<vmem>>, vector<16xf32>,
      %swap3A_312 = arith.constant 2416 : index
      %swap3A_313 = tpu.vector_load %arg17[%swap3A_312] {strides = array<i32>} : memref<4096xf32, #tpu.memory_space<vmem>>, vector<16xf32>,
      tpu.vector_store %arg17[%swap3A_312], %broadcast_in_dim3A_10 {strides = array<i32>} : memref<4096xf32, #tpu.memory_space<vmem>>, vector<16xf32>,
      %swap3A_314 = arith.constant 2432 : index
      %swap3A_315 = tpu.vector_load %arg17[%swap3A_314] {strides = array<i32>} : memref<4096xf32, #tpu.memory_space<vmem>>, vector<16xf32>,
      tpu.vector_store %arg17[%swap3A_314], %broadcast_in_dim3A_10 {strides = array<i32>} : memref<4096xf32, #tpu.memory_space<vmem>>, vector<16xf32>,
      %swap3A_316 = arith.constant 2448 : index
      %swap3A_317 = tpu.vector_load %arg17[%swap3A_316] {strides = array<i32>} : memref<4096xf32, #tpu.memory_space<vmem>>, vector<16xf32>,
      tpu.vector_store %arg17[%swap3A_316], %broadcast_in_dim3A_10 {strides = array<i32>} : memref<4096xf32, #tpu.memory_space<vmem>>, vector<16xf32>,
      %swap3A_318 = arith.constant 2464 : index
      %swap3A_319 = tpu.vector_load %arg17[%swap3A_318] {strides = array<i32>} : memref<4096xf32, #tpu.memory_space<vmem>>, vector<16xf32>,
      tpu.vector_store %arg17[%swap3A_318], %broadcast_in_dim3A_10 {strides = array<i32>} : memref<4096xf32, #tpu.memory_space<vmem>>, vector<16xf32>,
      %swap3A_320 = arith.constant 2480 : index
      %swap3A_321 = tpu.vector_load %arg17[%swap3A_320] {strides = array<i32>} : memref<4096xf32, #tpu.memory_space<vmem>>, vector<16xf32>,
      tpu.vector_store %arg17[%swap3A_320], %broadcast_in_dim3A_10 {strides = array<i32>} : memref<4096xf32, #tpu.memory_space<vmem>>, vector<16xf32>,
      %swap3A_322 = arith.constant 2496 : index
      %swap3A_323 = tpu.vector_load %arg17[%swap3A_322] {strides = array<i32>} : memref<4096xf32, #tpu.memory_space<vmem>>, vector<16xf32>,
      tpu.vector_store %arg17[%swap3A_322], %broadcast_in_dim3A_10 {strides = array<i32>} : memref<4096xf32, #tpu.memory_space<vmem>>, vector<16xf32>,
      %swap3A_324 = arith.constant 2512 : index
      %swap3A_325 = tpu.vector_load %arg17[%swap3A_324] {strides = array<i32>} : memref<4096xf32, #tpu.memory_space<vmem>>, vector<16xf32>,
      tpu.vector_store %arg17[%swap3A_324], %broadcast_in_dim3A_10 {strides = array<i32>} : memref<4096xf32, #tpu.memory_space<vmem>>, vector<16xf32>,
      %swap3A_326 = arith.constant 2528 : index
      %swap3A_327 = tpu.vector_load %arg17[%swap3A_326] {strides = array<i32>} : memref<4096xf32, #tpu.memory_space<vmem>>, vector<16xf32>,
      tpu.vector_store %arg17[%swap3A_326], %broadcast_in_dim3A_10 {strides = array<i32>} : memref<4096xf32, #tpu.memory_space<vmem>>, vector<16xf32>,
      %swap3A_328 = arith.constant 2544 : index
      %swap3A_329 = tpu.vector_load %arg17[%swap3A_328] {strides = array<i32>} : memref<4096xf32, #tpu.memory_space<vmem>>, vector<16xf32>,
      tpu.vector_store %arg17[%swap3A_328], %broadcast_in_dim3A_10 {strides = array<i32>} : memref<4096xf32, #tpu.memory_space<vmem>>, vector<16xf32>,
      %swap3A_330 = arith.constant 2560 : index
      %swap3A_331 = tpu.vector_load %arg17[%swap3A_330] {strides = array<i32>} : memref<4096xf32, #tpu.memory_space<vmem>>, vector<16xf32>,
      tpu.vector_store %arg17[%swap3A_330], %broadcast_in_dim3A_10 {strides = array<i32>} : memref<4096xf32, #tpu.memory_space<vmem>>, vector<16xf32>,
      %swap3A_332 = arith.constant 2576 : index
      %swap3A_333 = tpu.vector_load %arg17[%swap3A_332] {strides = array<i32>} : memref<4096xf32, #tpu.memory_space<vmem>>, vector<16xf32>,
      tpu.vector_store %arg17[%swap3A_332], %broadcast_in_dim3A_10 {strides = array<i32>} : memref<4096xf32, #tpu.memory_space<vmem>>, vector<16xf32>,
      %swap3A_334 = arith.constant 2592 : index
      %swap3A_335 = tpu.vector_load %arg17[%swap3A_334] {strides = array<i32>} : memref<4096xf32, #tpu.memory_space<vmem>>, vector<16xf32>,
      tpu.vector_store %arg17[%swap3A_334], %broadcast_in_dim3A_10 {strides = array<i32>} : memref<4096xf32, #tpu.memory_space<vmem>>, vector<16xf32>,
      %swap3A_336 = arith.constant 2608 : index
      %swap3A_337 = tpu.vector_load %arg17[%swap3A_336] {strides = array<i32>} : memref<4096xf32, #tpu.memory_space<vmem>>, vector<16xf32>,
      tpu.vector_store %arg17[%swap3A_336], %broadcast_in_dim3A_10 {strides = array<i32>} : memref<4096xf32, #tpu.memory_space<vmem>>, vector<16xf32>,
      %swap3A_338 = arith.constant 2624 : index
      %swap3A_339 = tpu.vector_load %arg17[%swap3A_338] {strides = array<i32>} : memref<4096xf32, #tpu.memory_space<vmem>>, vector<16xf32>,
      tpu.vector_store %arg17[%swap3A_338], %broadcast_in_dim3A_10 {strides = array<i32>} : memref<4096xf32, #tpu.memory_space<vmem>>, vector<16xf32>,
      %swap3A_340 = arith.constant 2640 : index
      %swap3A_341 = tpu.vector_load %arg17[%swap3A_340] {strides = array<i32>} : memref<4096xf32, #tpu.memory_space<vmem>>, vector<16xf32>,
      tpu.vector_store %arg17[%swap3A_340], %broadcast_in_dim3A_10 {strides = array<i32>} : memref<4096xf32, #tpu.memory_space<vmem>>, vector<16xf32>,
      %swap3A_342 = arith.constant 2656 : index
      %swap3A_343 = tpu.vector_load %arg17[%swap3A_342] {strides = array<i32>} : memref<4096xf32, #tpu.memory_space<vmem>>, vector<16xf32>,
      tpu.vector_store %arg17[%swap3A_342], %broadcast_in_dim3A_10 {strides = array<i32>} : memref<4096xf32, #tpu.memory_space<vmem>>, vector<16xf32>,
      %swap3A_344 = arith.constant 2672 : index
      %swap3A_345 = tpu.vector_load %arg17[%swap3A_344] {strides = array<i32>} : memref<4096xf32, #tpu.memory_space<vmem>>, vector<16xf32>,
      tpu.vector_store %arg17[%swap3A_344], %broadcast_in_dim3A_10 {strides = array<i32>} : memref<4096xf32, #tpu.memory_space<vmem>>, vector<16xf32>,
      %swap3A_346 = arith.constant 2688 : index
      %swap3A_347 = tpu.vector_load %arg17[%swap3A_346] {strides = array<i32>} : memref<4096xf32, #tpu.memory_space<vmem>>, vector<16xf32>,
      tpu.vector_store %arg17[%swap3A_346], %broadcast_in_dim3A_10 {strides = array<i32>} : memref<4096xf32, #tpu.memory_space<vmem>>, vector<16xf32>,
      %swap3A_348 = arith.constant 2704 : index
      %swap3A_349 = tpu.vector_load %arg17[%swap3A_348] {strides = array<i32>} : memref<4096xf32, #tpu.memory_space<vmem>>, vector<16xf32>,
      tpu.vector_store %arg17[%swap3A_348], %broadcast_in_dim3A_10 {strides = array<i32>} : memref<4096xf32, #tpu.memory_space<vmem>>, vector<16xf32>,
      %swap3A_350 = arith.constant 2720 : index
      %swap3A_351 = tpu.vector_load %arg17[%swap3A_350] {strides = array<i32>} : memref<4096xf32, #tpu.memory_space<vmem>>, vector<16xf32>,
      tpu.vector_store %arg17[%swap3A_350], %broadcast_in_dim3A_10 {strides = array<i32>} : memref<4096xf32, #tpu.memory_space<vmem>>, vector<16xf32>,
      %swap3A_352 = arith.constant 2736 : index
      %swap3A_353 = tpu.vector_load %arg17[%swap3A_352] {strides = array<i32>} : memref<4096xf32, #tpu.memory_space<vmem>>, vector<16xf32>,
      tpu.vector_store %arg17[%swap3A_352], %broadcast_in_dim3A_10 {strides = array<i32>} : memref<4096xf32, #tpu.memory_space<vmem>>, vector<16xf32>,
      %swap3A_354 = arith.constant 2752 : index
      %swap3A_355 = tpu.vector_load %arg17[%swap3A_354] {strides = array<i32>} : memref<4096xf32, #tpu.memory_space<vmem>>, vector<16xf32>,
      tpu.vector_store %arg17[%swap3A_354], %broadcast_in_dim3A_10 {strides = array<i32>} : memref<4096xf32, #tpu.memory_space<vmem>>, vector<16xf32>,
      %swap3A_356 = arith.constant 2768 : index
      %swap3A_357 = tpu.vector_load %arg17[%swap3A_356] {strides = array<i32>} : memref<4096xf32, #tpu.memory_space<vmem>>, vector<16xf32>,
      tpu.vector_store %arg17[%swap3A_356], %broadcast_in_dim3A_10 {strides = array<i32>} : memref<4096xf32, #tpu.memory_space<vmem>>, vector<16xf32>,
      %swap3A_358 = arith.constant 2784 : index
      %swap3A_359 = tpu.vector_load %arg17[%swap3A_358] {strides = array<i32>} : memref<4096xf32, #tpu.memory_space<vmem>>, vector<16xf32>,
      tpu.vector_store %arg17[%swap3A_358], %broadcast_in_dim3A_10 {strides = array<i32>} : memref<4096xf32, #tpu.memory_space<vmem>>, vector<16xf32>,
      %swap3A_360 = arith.constant 2800 : index
      %swap3A_361 = tpu.vector_load %arg17[%swap3A_360] {strides = array<i32>} : memref<4096xf32, #tpu.memory_space<vmem>>, vector<16xf32>,
      tpu.vector_store %arg17[%swap3A_360], %broadcast_in_dim3A_10 {strides = array<i32>} : memref<4096xf32, #tpu.memory_space<vmem>>, vector<16xf32>,
      %swap3A_362 = arith.constant 2816 : index
      %swap3A_363 = tpu.vector_load %arg17[%swap3A_362] {strides = array<i32>} : memref<4096xf32, #tpu.memory_space<vmem>>, vector<16xf32>,
      tpu.vector_store %arg17[%swap3A_362], %broadcast_in_dim3A_10 {strides = array<i32>} : memref<4096xf32, #tpu.memory_space<vmem>>, vector<16xf32>,
      %swap3A_364 = arith.constant 2832 : index
      %swap3A_365 = tpu.vector_load %arg17[%swap3A_364] {strides = array<i32>} : memref<4096xf32, #tpu.memory_space<vmem>>, vector<16xf32>,
      tpu.vector_store %arg17[%swap3A_364], %broadcast_in_dim3A_10 {strides = array<i32>} : memref<4096xf32, #tpu.memory_space<vmem>>, vector<16xf32>,
      %swap3A_366 = arith.constant 2848 : index
      %swap3A_367 = tpu.vector_load %arg17[%swap3A_366] {strides = array<i32>} : memref<4096xf32, #tpu.memory_space<vmem>>, vector<16xf32>,
      tpu.vector_store %arg17[%swap3A_366], %broadcast_in_dim3A_10 {strides = array<i32>} : memref<4096xf32, #tpu.memory_space<vmem>>, vector<16xf32>,
      %swap3A_368 = arith.constant 2864 : index
      %swap3A_369 = tpu.vector_load %arg17[%swap3A_368] {strides = array<i32>} : memref<4096xf32, #tpu.memory_space<vmem>>, vector<16xf32>,
      tpu.vector_store %arg17[%swap3A_368], %broadcast_in_dim3A_10 {strides = array<i32>} : memref<4096xf32, #tpu.memory_space<vmem>>, vector<16xf32>,
      %swap3A_370 = arith.constant 2880 : index
      %swap3A_371 = tpu.vector_load %arg17[%swap3A_370] {strides = array<i32>} : memref<4096xf32, #tpu.memory_space<vmem>>, vector<16xf32>,
      tpu.vector_store %arg17[%swap3A_370], %broadcast_in_dim3A_10 {strides = array<i32>} : memref<4096xf32, #tpu.memory_space<vmem>>, vector<16xf32>,
      %swap3A_372 = arith.constant 2896 : index
      %swap3A_373 = tpu.vector_load %arg17[%swap3A_372] {strides = array<i32>} : memref<4096xf32, #tpu.memory_space<vmem>>, vector<16xf32>,
      tpu.vector_store %arg17[%swap3A_372], %broadcast_in_dim3A_10 {strides = array<i32>} : memref<4096xf32, #tpu.memory_space<vmem>>, vector<16xf32>,
      %swap3A_374 = arith.constant 2912 : index
      %swap3A_375 = tpu.vector_load %arg17[%swap3A_374] {strides = array<i32>} : memref<4096xf32, #tpu.memory_space<vmem>>, vector<16xf32>,
      tpu.vector_store %arg17[%swap3A_374], %broadcast_in_dim3A_10 {strides = array<i32>} : memref<4096xf32, #tpu.memory_space<vmem>>, vector<16xf32>,
      %swap3A_376 = arith.constant 2928 : index
      %swap3A_377 = tpu.vector_load %arg17[%swap3A_376] {strides = array<i32>} : memref<4096xf32, #tpu.memory_space<vmem>>, vector<16xf32>,
      tpu.vector_store %arg17[%swap3A_376], %broadcast_in_dim3A_10 {strides = array<i32>} : memref<4096xf32, #tpu.memory_space<vmem>>, vector<16xf32>,
      %swap3A_378 = arith.constant 2944 : index
      %swap3A_379 = tpu.vector_load %arg17[%swap3A_378] {strides = array<i32>} : memref<4096xf32, #tpu.memory_space<vmem>>, vector<16xf32>,
      tpu.vector_store %arg17[%swap3A_378], %broadcast_in_dim3A_10 {strides = array<i32>} : memref<4096xf32, #tpu.memory_space<vmem>>, vector<16xf32>,
      %swap3A_380 = arith.constant 2960 : index
      %swap3A_381 = tpu.vector_load %arg17[%swap3A_380] {strides = array<i32>} : memref<4096xf32, #tpu.memory_space<vmem>>, vector<16xf32>,
      tpu.vector_store %arg17[%swap3A_380], %broadcast_in_dim3A_10 {strides = array<i32>} : memref<4096xf32, #tpu.memory_space<vmem>>, vector<16xf32>,
      %swap3A_382 = arith.constant 2976 : index
      %swap3A_383 = tpu.vector_load %arg17[%swap3A_382] {strides = array<i32>} : memref<4096xf32, #tpu.memory_space<vmem>>, vector<16xf32>,
      tpu.vector_store %arg17[%swap3A_382], %broadcast_in_dim3A_10 {strides = array<i32>} : memref<4096xf32, #tpu.memory_space<vmem>>, vector<16xf32>,
      %swap3A_384 = arith.constant 2992 : index
      %swap3A_385 = tpu.vector_load %arg17[%swap3A_384] {strides = array<i32>} : memref<4096xf32, #tpu.memory_space<vmem>>, vector<16xf32>,
      tpu.vector_store %arg17[%swap3A_384], %broadcast_in_dim3A_10 {strides = array<i32>} : memref<4096xf32, #tpu.memory_space<vmem>>, vector<16xf32>,
      %swap3A_386 = arith.constant 3008 : index
      %swap3A_387 = tpu.vector_load %arg17[%swap3A_386] {strides = array<i32>} : memref<4096xf32, #tpu.memory_space<vmem>>, vector<16xf32>,
      tpu.vector_store %arg17[%swap3A_386], %broadcast_in_dim3A_10 {strides = array<i32>} : memref<4096xf32, #tpu.memory_space<vmem>>, vector<16xf32>,
      %swap3A_388 = arith.constant 3024 : index
      %swap3A_389 = tpu.vector_load %arg17[%swap3A_388] {strides = array<i32>} : memref<4096xf32, #tpu.memory_space<vmem>>, vector<16xf32>,
      tpu.vector_store %arg17[%swap3A_388], %broadcast_in_dim3A_10 {strides = array<i32>} : memref<4096xf32, #tpu.memory_space<vmem>>, vector<16xf32>,
      %swap3A_390 = arith.constant 3040 : index
      %swap3A_391 = tpu.vector_load %arg17[%swap3A_390] {strides = array<i32>} : memref<4096xf32, #tpu.memory_space<vmem>>, vector<16xf32>,
      tpu.vector_store %arg17[%swap3A_390], %broadcast_in_dim3A_10 {strides = array<i32>} : memref<4096xf32, #tpu.memory_space<vmem>>, vector<16xf32>,
      %swap3A_392 = arith.constant 3056 : index
      %swap3A_393 = tpu.vector_load %arg17[%swap3A_392] {strides = array<i32>} : memref<4096xf32, #tpu.memory_space<vmem>>, vector<16xf32>,
      tpu.vector_store %arg17[%swap3A_392], %broadcast_in_dim3A_10 {strides = array<i32>} : memref<4096xf32, #tpu.memory_space<vmem>>, vector<16xf32>,
      %swap3A_394 = arith.constant 3072 : index
      %swap3A_395 = tpu.vector_load %arg17[%swap3A_394] {strides = array<i32>} : memref<4096xf32, #tpu.memory_space<vmem>>, vector<16xf32>,
      tpu.vector_store %arg17[%swap3A_394], %broadcast_in_dim3A_10 {strides = array<i32>} : memref<4096xf32, #tpu.memory_space<vmem>>, vector<16xf32>,
      %swap3A_396 = arith.constant 3088 : index
      %swap3A_397 = tpu.vector_load %arg17[%swap3A_396] {strides = array<i32>} : memref<4096xf32, #tpu.memory_space<vmem>>, vector<16xf32>,
      tpu.vector_store %arg17[%swap3A_396], %broadcast_in_dim3A_10 {strides = array<i32>} : memref<4096xf32, #tpu.memory_space<vmem>>, vector<16xf32>,
      %swap3A_398 = arith.constant 3104 : index
      %swap3A_399 = tpu.vector_load %arg17[%swap3A_398] {strides = array<i32>} : memref<4096xf32, #tpu.memory_space<vmem>>, vector<16xf32>,
      tpu.vector_store %arg17[%swap3A_398], %broadcast_in_dim3A_10 {strides = array<i32>} : memref<4096xf32, #tpu.memory_space<vmem>>, vector<16xf32>,
      %swap3A_400 = arith.constant 3120 : index
      %swap3A_401 = tpu.vector_load %arg17[%swap3A_400] {strides = array<i32>} : memref<4096xf32, #tpu.memory_space<vmem>>, vector<16xf32>,
      tpu.vector_store %arg17[%swap3A_400], %broadcast_in_dim3A_10 {strides = array<i32>} : memref<4096xf32, #tpu.memory_space<vmem>>, vector<16xf32>,
      %swap3A_402 = arith.constant 3136 : index
      %swap3A_403 = tpu.vector_load %arg17[%swap3A_402] {strides = array<i32>} : memref<4096xf32, #tpu.memory_space<vmem>>, vector<16xf32>,
      tpu.vector_store %arg17[%swap3A_402], %broadcast_in_dim3A_10 {strides = array<i32>} : memref<4096xf32, #tpu.memory_space<vmem>>, vector<16xf32>,
      %swap3A_404 = arith.constant 3152 : index
      %swap3A_405 = tpu.vector_load %arg17[%swap3A_404] {strides = array<i32>} : memref<4096xf32, #tpu.memory_space<vmem>>, vector<16xf32>,
      tpu.vector_store %arg17[%swap3A_404], %broadcast_in_dim3A_10 {strides = array<i32>} : memref<4096xf32, #tpu.memory_space<vmem>>, vector<16xf32>,
      %swap3A_406 = arith.constant 3168 : index
      %swap3A_407 = tpu.vector_load %arg17[%swap3A_406] {strides = array<i32>} : memref<4096xf32, #tpu.memory_space<vmem>>, vector<16xf32>,
      tpu.vector_store %arg17[%swap3A_406], %broadcast_in_dim3A_10 {strides = array<i32>} : memref<4096xf32, #tpu.memory_space<vmem>>, vector<16xf32>,
      %swap3A_408 = arith.constant 3184 : index
      %swap3A_409 = tpu.vector_load %arg17[%swap3A_408] {strides = array<i32>} : memref<4096xf32, #tpu.memory_space<vmem>>, vector<16xf32>,
      tpu.vector_store %arg17[%swap3A_408], %broadcast_in_dim3A_10 {strides = array<i32>} : memref<4096xf32, #tpu.memory_space<vmem>>, vector<16xf32>,
      %swap3A_410 = arith.constant 3200 : index
      %swap3A_411 = tpu.vector_load %arg17[%swap3A_410] {strides = array<i32>} : memref<4096xf32, #tpu.memory_space<vmem>>, vector<16xf32>,
      tpu.vector_store %arg17[%swap3A_410], %broadcast_in_dim3A_10 {strides = array<i32>} : memref<4096xf32, #tpu.memory_space<vmem>>, vector<16xf32>,
      %swap3A_412 = arith.constant 3216 : index
      %swap3A_413 = tpu.vector_load %arg17[%swap3A_412] {strides = array<i32>} : memref<4096xf32, #tpu.memory_space<vmem>>, vector<16xf32>,
      tpu.vector_store %arg17[%swap3A_412], %broadcast_in_dim3A_10 {strides = array<i32>} : memref<4096xf32, #tpu.memory_space<vmem>>, vector<16xf32>,
      %swap3A_414 = arith.constant 3232 : index
      %swap3A_415 = tpu.vector_load %arg17[%swap3A_414] {strides = array<i32>} : memref<4096xf32, #tpu.memory_space<vmem>>, vector<16xf32>,
      tpu.vector_store %arg17[%swap3A_414], %broadcast_in_dim3A_10 {strides = array<i32>} : memref<4096xf32, #tpu.memory_space<vmem>>, vector<16xf32>,
      %swap3A_416 = arith.constant 3248 : index
      %swap3A_417 = tpu.vector_load %arg17[%swap3A_416] {strides = array<i32>} : memref<4096xf32, #tpu.memory_space<vmem>>, vector<16xf32>,
      tpu.vector_store %arg17[%swap3A_416], %broadcast_in_dim3A_10 {strides = array<i32>} : memref<4096xf32, #tpu.memory_space<vmem>>, vector<16xf32>,
      %swap3A_418 = arith.constant 3264 : index
      %swap3A_419 = tpu.vector_load %arg17[%swap3A_418] {strides = array<i32>} : memref<4096xf32, #tpu.memory_space<vmem>>, vector<16xf32>,
      tpu.vector_store %arg17[%swap3A_418], %broadcast_in_dim3A_10 {strides = array<i32>} : memref<4096xf32, #tpu.memory_space<vmem>>, vector<16xf32>,
      %swap3A_420 = arith.constant 3280 : index
      %swap3A_421 = tpu.vector_load %arg17[%swap3A_420] {strides = array<i32>} : memref<4096xf32, #tpu.memory_space<vmem>>, vector<16xf32>,
      tpu.vector_store %arg17[%swap3A_420], %broadcast_in_dim3A_10 {strides = array<i32>} : memref<4096xf32, #tpu.memory_space<vmem>>, vector<16xf32>,
      %swap3A_422 = arith.constant 3296 : index
      %swap3A_423 = tpu.vector_load %arg17[%swap3A_422] {strides = array<i32>} : memref<4096xf32, #tpu.memory_space<vmem>>, vector<16xf32>,
      tpu.vector_store %arg17[%swap3A_422], %broadcast_in_dim3A_10 {strides = array<i32>} : memref<4096xf32, #tpu.memory_space<vmem>>, vector<16xf32>,
      %swap3A_424 = arith.constant 3312 : index
      %swap3A_425 = tpu.vector_load %arg17[%swap3A_424] {strides = array<i32>} : memref<4096xf32, #tpu.memory_space<vmem>>, vector<16xf32>,
      tpu.vector_store %arg17[%swap3A_424], %broadcast_in_dim3A_10 {strides = array<i32>} : memref<4096xf32, #tpu.memory_space<vmem>>, vector<16xf32>,
      %swap3A_426 = arith.constant 3328 : index
      %swap3A_427 = tpu.vector_load %arg17[%swap3A_426] {strides = array<i32>} : memref<4096xf32, #tpu.memory_space<vmem>>, vector<16xf32>,
      tpu.vector_store %arg17[%swap3A_426], %broadcast_in_dim3A_10 {strides = array<i32>} : memref<4096xf32, #tpu.memory_space<vmem>>, vector<16xf32>,
      %swap3A_428 = arith.constant 3344 : index
      %swap3A_429 = tpu.vector_load %arg17[%swap3A_428] {strides = array<i32>} : memref<4096xf32, #tpu.memory_space<vmem>>, vector<16xf32>,
      tpu.vector_store %arg17[%swap3A_428], %broadcast_in_dim3A_10 {strides = array<i32>} : memref<4096xf32, #tpu.memory_space<vmem>>, vector<16xf32>,
      %swap3A_430 = arith.constant 3360 : index
      %swap3A_431 = tpu.vector_load %arg17[%swap3A_430] {strides = array<i32>} : memref<4096xf32, #tpu.memory_space<vmem>>, vector<16xf32>,
      tpu.vector_store %arg17[%swap3A_430], %broadcast_in_dim3A_10 {strides = array<i32>} : memref<4096xf32, #tpu.memory_space<vmem>>, vector<16xf32>,
      %swap3A_432 = arith.constant 3376 : index
      %swap3A_433 = tpu.vector_load %arg17[%swap3A_432] {strides = array<i32>} : memref<4096xf32, #tpu.memory_space<vmem>>, vector<16xf32>,
      tpu.vector_store %arg17[%swap3A_432], %broadcast_in_dim3A_10 {strides = array<i32>} : memref<4096xf32, #tpu.memory_space<vmem>>, vector<16xf32>,
      %swap3A_434 = arith.constant 3392 : index
      %swap3A_435 = tpu.vector_load %arg17[%swap3A_434] {strides = array<i32>} : memref<4096xf32, #tpu.memory_space<vmem>>, vector<16xf32>,
      tpu.vector_store %arg17[%swap3A_434], %broadcast_in_dim3A_10 {strides = array<i32>} : memref<4096xf32, #tpu.memory_space<vmem>>, vector<16xf32>,
      %swap3A_436 = arith.constant 3408 : index
      %swap3A_437 = tpu.vector_load %arg17[%swap3A_436] {strides = array<i32>} : memref<4096xf32, #tpu.memory_space<vmem>>, vector<16xf32>,
      tpu.vector_store %arg17[%swap3A_436], %broadcast_in_dim3A_10 {strides = array<i32>} : memref<4096xf32, #tpu.memory_space<vmem>>, vector<16xf32>,
      %swap3A_438 = arith.constant 3424 : index
      %swap3A_439 = tpu.vector_load %arg17[%swap3A_438] {strides = array<i32>} : memref<4096xf32, #tpu.memory_space<vmem>>, vector<16xf32>,
      tpu.vector_store %arg17[%swap3A_438], %broadcast_in_dim3A_10 {strides = array<i32>} : memref<4096xf32, #tpu.memory_space<vmem>>, vector<16xf32>,
      %swap3A_440 = arith.constant 3440 : index
      %swap3A_441 = tpu.vector_load %arg17[%swap3A_440] {strides = array<i32>} : memref<4096xf32, #tpu.memory_space<vmem>>, vector<16xf32>,
      tpu.vector_store %arg17[%swap3A_440], %broadcast_in_dim3A_10 {strides = array<i32>} : memref<4096xf32, #tpu.memory_space<vmem>>, vector<16xf32>,
      %swap3A_442 = arith.constant 3456 : index
      %swap3A_443 = tpu.vector_load %arg17[%swap3A_442] {strides = array<i32>} : memref<4096xf32, #tpu.memory_space<vmem>>, vector<16xf32>,
      tpu.vector_store %arg17[%swap3A_442], %broadcast_in_dim3A_10 {strides = array<i32>} : memref<4096xf32, #tpu.memory_space<vmem>>, vector<16xf32>,
      %swap3A_444 = arith.constant 3472 : index
      %swap3A_445 = tpu.vector_load %arg17[%swap3A_444] {strides = array<i32>} : memref<4096xf32, #tpu.memory_space<vmem>>, vector<16xf32>,
      tpu.vector_store %arg17[%swap3A_444], %broadcast_in_dim3A_10 {strides = array<i32>} : memref<4096xf32, #tpu.memory_space<vmem>>, vector<16xf32>,
      %swap3A_446 = arith.constant 3488 : index
      %swap3A_447 = tpu.vector_load %arg17[%swap3A_446] {strides = array<i32>} : memref<4096xf32, #tpu.memory_space<vmem>>, vector<16xf32>,
      tpu.vector_store %arg17[%swap3A_446], %broadcast_in_dim3A_10 {strides = array<i32>} : memref<4096xf32, #tpu.memory_space<vmem>>, vector<16xf32>,
      %swap3A_448 = arith.constant 3504 : index
      %swap3A_449 = tpu.vector_load %arg17[%swap3A_448] {strides = array<i32>} : memref<4096xf32, #tpu.memory_space<vmem>>, vector<16xf32>,
      tpu.vector_store %arg17[%swap3A_448], %broadcast_in_dim3A_10 {strides = array<i32>} : memref<4096xf32, #tpu.memory_space<vmem>>, vector<16xf32>,
      %swap3A_450 = arith.constant 3520 : index
      %swap3A_451 = tpu.vector_load %arg17[%swap3A_450] {strides = array<i32>} : memref<4096xf32, #tpu.memory_space<vmem>>, vector<16xf32>,
      tpu.vector_store %arg17[%swap3A_450], %broadcast_in_dim3A_10 {strides = array<i32>} : memref<4096xf32, #tpu.memory_space<vmem>>, vector<16xf32>,
      %swap3A_452 = arith.constant 3536 : index
      %swap3A_453 = tpu.vector_load %arg17[%swap3A_452] {strides = array<i32>} : memref<4096xf32, #tpu.memory_space<vmem>>, vector<16xf32>,
      tpu.vector_store %arg17[%swap3A_452], %broadcast_in_dim3A_10 {strides = array<i32>} : memref<4096xf32, #tpu.memory_space<vmem>>, vector<16xf32>,
      %swap3A_454 = arith.constant 3552 : index
      %swap3A_455 = tpu.vector_load %arg17[%swap3A_454] {strides = array<i32>} : memref<4096xf32, #tpu.memory_space<vmem>>, vector<16xf32>,
      tpu.vector_store %arg17[%swap3A_454], %broadcast_in_dim3A_10 {strides = array<i32>} : memref<4096xf32, #tpu.memory_space<vmem>>, vector<16xf32>,
      %swap3A_456 = arith.constant 3568 : index
      %swap3A_457 = tpu.vector_load %arg17[%swap3A_456] {strides = array<i32>} : memref<4096xf32, #tpu.memory_space<vmem>>, vector<16xf32>,
      tpu.vector_store %arg17[%swap3A_456], %broadcast_in_dim3A_10 {strides = array<i32>} : memref<4096xf32, #tpu.memory_space<vmem>>, vector<16xf32>,
      %swap3A_458 = arith.constant 3584 : index
      %swap3A_459 = tpu.vector_load %arg17[%swap3A_458] {strides = array<i32>} : memref<4096xf32, #tpu.memory_space<vmem>>, vector<16xf32>,
      tpu.vector_store %arg17[%swap3A_458], %broadcast_in_dim3A_10 {strides = array<i32>} : memref<4096xf32, #tpu.memory_space<vmem>>, vector<16xf32>,
      %swap3A_460 = arith.constant 3600 : index
      %swap3A_461 = tpu.vector_load %arg17[%swap3A_460] {strides = array<i32>} : memref<4096xf32, #tpu.memory_space<vmem>>, vector<16xf32>,
      tpu.vector_store %arg17[%swap3A_460], %broadcast_in_dim3A_10 {strides = array<i32>} : memref<4096xf32, #tpu.memory_space<vmem>>, vector<16xf32>,
      %swap3A_462 = arith.constant 3616 : index
      %swap3A_463 = tpu.vector_load %arg17[%swap3A_462] {strides = array<i32>} : memref<4096xf32, #tpu.memory_space<vmem>>, vector<16xf32>,
      tpu.vector_store %arg17[%swap3A_462], %broadcast_in_dim3A_10 {strides = array<i32>} : memref<4096xf32, #tpu.memory_space<vmem>>, vector<16xf32>,
      %swap3A_464 = arith.constant 3632 : index
      %swap3A_465 = tpu.vector_load %arg17[%swap3A_464] {strides = array<i32>} : memref<4096xf32, #tpu.memory_space<vmem>>, vector<16xf32>,
      tpu.vector_store %arg17[%swap3A_464], %broadcast_in_dim3A_10 {strides = array<i32>} : memref<4096xf32, #tpu.memory_space<vmem>>, vector<16xf32>,
      %swap3A_466 = arith.constant 3648 : index
      %swap3A_467 = tpu.vector_load %arg17[%swap3A_466] {strides = array<i32>} : memref<4096xf32, #tpu.memory_space<vmem>>, vector<16xf32>,
      tpu.vector_store %arg17[%swap3A_466], %broadcast_in_dim3A_10 {strides = array<i32>} : memref<4096xf32, #tpu.memory_space<vmem>>, vector<16xf32>,
      %swap3A_468 = arith.constant 3664 : index
      %swap3A_469 = tpu.vector_load %arg17[%swap3A_468] {strides = array<i32>} : memref<4096xf32, #tpu.memory_space<vmem>>, vector<16xf32>,
      tpu.vector_store %arg17[%swap3A_468], %broadcast_in_dim3A_10 {strides = array<i32>} : memref<4096xf32, #tpu.memory_space<vmem>>, vector<16xf32>,
      %swap3A_470 = arith.constant 3680 : index
      %swap3A_471 = tpu.vector_load %arg17[%swap3A_470] {strides = array<i32>} : memref<4096xf32, #tpu.memory_space<vmem>>, vector<16xf32>,
      tpu.vector_store %arg17[%swap3A_470], %broadcast_in_dim3A_10 {strides = array<i32>} : memref<4096xf32, #tpu.memory_space<vmem>>, vector<16xf32>,
      %swap3A_472 = arith.constant 3696 : index
      %swap3A_473 = tpu.vector_load %arg17[%swap3A_472] {strides = array<i32>} : memref<4096xf32, #tpu.memory_space<vmem>>, vector<16xf32>,
      tpu.vector_store %arg17[%swap3A_472], %broadcast_in_dim3A_10 {strides = array<i32>} : memref<4096xf32, #tpu.memory_space<vmem>>, vector<16xf32>,
      %swap3A_474 = arith.constant 3712 : index
      %swap3A_475 = tpu.vector_load %arg17[%swap3A_474] {strides = array<i32>} : memref<4096xf32, #tpu.memory_space<vmem>>, vector<16xf32>,
      tpu.vector_store %arg17[%swap3A_474], %broadcast_in_dim3A_10 {strides = array<i32>} : memref<4096xf32, #tpu.memory_space<vmem>>, vector<16xf32>,
      %swap3A_476 = arith.constant 3728 : index
      %swap3A_477 = tpu.vector_load %arg17[%swap3A_476] {strides = array<i32>} : memref<4096xf32, #tpu.memory_space<vmem>>, vector<16xf32>,
      tpu.vector_store %arg17[%swap3A_476], %broadcast_in_dim3A_10 {strides = array<i32>} : memref<4096xf32, #tpu.memory_space<vmem>>, vector<16xf32>,
      %swap3A_478 = arith.constant 3744 : index
      %swap3A_479 = tpu.vector_load %arg17[%swap3A_478] {strides = array<i32>} : memref<4096xf32, #tpu.memory_space<vmem>>, vector<16xf32>,
      tpu.vector_store %arg17[%swap3A_478], %broadcast_in_dim3A_10 {strides = array<i32>} : memref<4096xf32, #tpu.memory_space<vmem>>, vector<16xf32>,
      %swap3A_480 = arith.constant 3760 : index
      %swap3A_481 = tpu.vector_load %arg17[%swap3A_480] {strides = array<i32>} : memref<4096xf32, #tpu.memory_space<vmem>>, vector<16xf32>,
      tpu.vector_store %arg17[%swap3A_480], %broadcast_in_dim3A_10 {strides = array<i32>} : memref<4096xf32, #tpu.memory_space<vmem>>, vector<16xf32>,
      %swap3A_482 = arith.constant 3776 : index
      %swap3A_483 = tpu.vector_load %arg17[%swap3A_482] {strides = array<i32>} : memref<4096xf32, #tpu.memory_space<vmem>>, vector<16xf32>,
      tpu.vector_store %arg17[%swap3A_482], %broadcast_in_dim3A_10 {strides = array<i32>} : memref<4096xf32, #tpu.memory_space<vmem>>, vector<16xf32>,
      %swap3A_484 = arith.constant 3792 : index
      %swap3A_485 = tpu.vector_load %arg17[%swap3A_484] {strides = array<i32>} : memref<4096xf32, #tpu.memory_space<vmem>>, vector<16xf32>,
      tpu.vector_store %arg17[%swap3A_484], %broadcast_in_dim3A_10 {strides = array<i32>} : memref<4096xf32, #tpu.memory_space<vmem>>, vector<16xf32>,
      %swap3A_486 = arith.constant 3808 : index
      %swap3A_487 = tpu.vector_load %arg17[%swap3A_486] {strides = array<i32>} : memref<4096xf32, #tpu.memory_space<vmem>>, vector<16xf32>,
      tpu.vector_store %arg17[%swap3A_486], %broadcast_in_dim3A_10 {strides = array<i32>} : memref<4096xf32, #tpu.memory_space<vmem>>, vector<16xf32>,
      %swap3A_488 = arith.constant 3824 : index
      %swap3A_489 = tpu.vector_load %arg17[%swap3A_488] {strides = array<i32>} : memref<4096xf32, #tpu.memory_space<vmem>>, vector<16xf32>,
      tpu.vector_store %arg17[%swap3A_488], %broadcast_in_dim3A_10 {strides = array<i32>} : memref<4096xf32, #tpu.memory_space<vmem>>, vector<16xf32>,
      %swap3A_490 = arith.constant 3840 : index
      %swap3A_491 = tpu.vector_load %arg17[%swap3A_490] {strides = array<i32>} : memref<4096xf32, #tpu.memory_space<vmem>>, vector<16xf32>,
      tpu.vector_store %arg17[%swap3A_490], %broadcast_in_dim3A_10 {strides = array<i32>} : memref<4096xf32, #tpu.memory_space<vmem>>, vector<16xf32>,
      %swap3A_492 = arith.constant 3856 : index
      %swap3A_493 = tpu.vector_load %arg17[%swap3A_492] {strides = array<i32>} : memref<4096xf32, #tpu.memory_space<vmem>>, vector<16xf32>,
      tpu.vector_store %arg17[%swap3A_492], %broadcast_in_dim3A_10 {strides = array<i32>} : memref<4096xf32, #tpu.memory_space<vmem>>, vector<16xf32>,
      %swap3A_494 = arith.constant 3872 : index
      %swap3A_495 = tpu.vector_load %arg17[%swap3A_494] {strides = array<i32>} : memref<4096xf32, #tpu.memory_space<vmem>>, vector<16xf32>,
      tpu.vector_store %arg17[%swap3A_494], %broadcast_in_dim3A_10 {strides = array<i32>} : memref<4096xf32, #tpu.memory_space<vmem>>, vector<16xf32>,
      %swap3A_496 = arith.constant 3888 : index
      %swap3A_497 = tpu.vector_load %arg17[%swap3A_496] {strides = array<i32>} : memref<4096xf32, #tpu.memory_space<vmem>>, vector<16xf32>,
      tpu.vector_store %arg17[%swap3A_496], %broadcast_in_dim3A_10 {strides = array<i32>} : memref<4096xf32, #tpu.memory_space<vmem>>, vector<16xf32>,
      %swap3A_498 = arith.constant 3904 : index
      %swap3A_499 = tpu.vector_load %arg17[%swap3A_498] {strides = array<i32>} : memref<4096xf32, #tpu.memory_space<vmem>>, vector<16xf32>,
      tpu.vector_store %arg17[%swap3A_498], %broadcast_in_dim3A_10 {strides = array<i32>} : memref<4096xf32, #tpu.memory_space<vmem>>, vector<16xf32>,
      %swap3A_500 = arith.constant 3920 : index
      %swap3A_501 = tpu.vector_load %arg17[%swap3A_500] {strides = array<i32>} : memref<4096xf32, #tpu.memory_space<vmem>>, vector<16xf32>,
      tpu.vector_store %arg17[%swap3A_500], %broadcast_in_dim3A_10 {strides = array<i32>} : memref<4096xf32, #tpu.memory_space<vmem>>, vector<16xf32>,
      %swap3A_502 = arith.constant 3936 : index
      %swap3A_503 = tpu.vector_load %arg17[%swap3A_502] {strides = array<i32>} : memref<4096xf32, #tpu.memory_space<vmem>>, vector<16xf32>,
      tpu.vector_store %arg17[%swap3A_502], %broadcast_in_dim3A_10 {strides = array<i32>} : memref<4096xf32, #tpu.memory_space<vmem>>, vector<16xf32>,
      %swap3A_504 = arith.constant 3952 : index
      %swap3A_505 = tpu.vector_load %arg17[%swap3A_504] {strides = array<i32>} : memref<4096xf32, #tpu.memory_space<vmem>>, vector<16xf32>,
      tpu.vector_store %arg17[%swap3A_504], %broadcast_in_dim3A_10 {strides = array<i32>} : memref<4096xf32, #tpu.memory_space<vmem>>, vector<16xf32>,
      %swap3A_506 = arith.constant 3968 : index
      %swap3A_507 = tpu.vector_load %arg17[%swap3A_506] {strides = array<i32>} : memref<4096xf32, #tpu.memory_space<vmem>>, vector<16xf32>,
      tpu.vector_store %arg17[%swap3A_506], %broadcast_in_dim3A_10 {strides = array<i32>} : memref<4096xf32, #tpu.memory_space<vmem>>, vector<16xf32>,
      %swap3A_508 = arith.constant 3984 : index
      %swap3A_509 = tpu.vector_load %arg17[%swap3A_508] {strides = array<i32>} : memref<4096xf32, #tpu.memory_space<vmem>>, vector<16xf32>,
      tpu.vector_store %arg17[%swap3A_508], %broadcast_in_dim3A_10 {strides = array<i32>} : memref<4096xf32, #tpu.memory_space<vmem>>, vector<16xf32>,
      %swap3A_510 = arith.constant 4000 : index
      %swap3A_511 = tpu.vector_load %arg17[%swap3A_510] {strides = array<i32>} : memref<4096xf32, #tpu.memory_space<vmem>>, vector<16xf32>,
      tpu.vector_store %arg17[%swap3A_510], %broadcast_in_dim3A_10 {strides = array<i32>} : memref<4096xf32, #tpu.memory_space<vmem>>, vector<16xf32>,
      %swap3A_512 = arith.constant 4016 : index
      %swap3A_513 = tpu.vector_load %arg17[%swap3A_512] {strides = array<i32>} : memref<4096xf32, #tpu.memory_space<vmem>>, vector<16xf32>,
      tpu.vector_store %arg17[%swap3A_512], %broadcast_in_dim3A_10 {strides = array<i32>} : memref<4096xf32, #tpu.memory_space<vmem>>, vector<16xf32>,
      %swap3A_514 = arith.constant 4032 : index
      %swap3A_515 = tpu.vector_load %arg17[%swap3A_514] {strides = array<i32>} : memref<4096xf32, #tpu.memory_space<vmem>>, vector<16xf32>,
      tpu.vector_store %arg17[%swap3A_514], %broadcast_in_dim3A_10 {strides = array<i32>} : memref<4096xf32, #tpu.memory_space<vmem>>, vector<16xf32>,
      %swap3A_516 = arith.constant 4048 : index
      %swap3A_517 = tpu.vector_load %arg17[%swap3A_516] {strides = array<i32>} : memref<4096xf32, #tpu.memory_space<vmem>>, vector<16xf32>,
      tpu.vector_store %arg17[%swap3A_516], %broadcast_in_dim3A_10 {strides = array<i32>} : memref<4096xf32, #tpu.memory_space<vmem>>, vector<16xf32>,
      %swap3A_518 = arith.constant 4064 : index
      %swap3A_519 = tpu.vector_load %arg17[%swap3A_518] {strides = array<i32>} : memref<4096xf32, #tpu.memory_space<vmem>>, vector<16xf32>,
      tpu.vector_store %arg17[%swap3A_518], %broadcast_in_dim3A_10 {strides = array<i32>} : memref<4096xf32, #tpu.memory_space<vmem>>, vector<16xf32>,
      %swap3A_520 = arith.constant 4080 : index
      %swap3A_521 = tpu.vector_load %arg17[%swap3A_520] {strides = array<i32>} : memref<4096xf32, #tpu.memory_space<vmem>>, vector<16xf32>,
      tpu.vector_store %arg17[%swap3A_520], %broadcast_in_dim3A_10 {strides = array<i32>} : memref<4096xf32, #tpu.memory_space<vmem>>, vector<16xf32>,
      %swap3A_522 = arith.constant 0 : index
      %swap3A_523 = tpu.vector_load %arg16[%swap3A_522] {strides = array<i32>} : memref<512xf32, #tpu.memory_space<vmem>>, vector<16xf32>,
      tpu.vector_store %arg16[%swap3A_522], %broadcast_in_dim3A_8 {strides = array<i32>} : memref<512xf32, #tpu.memory_space<vmem>>, vector<16xf32>,
      %swap3A_524 = arith.constant 16 : index
      %swap3A_525 = tpu.vector_load %arg16[%swap3A_524] {strides = array<i32>} : memref<512xf32, #tpu.memory_space<vmem>>, vector<16xf32>,
      tpu.vector_store %arg16[%swap3A_524], %broadcast_in_dim3A_8 {strides = array<i32>} : memref<512xf32, #tpu.memory_space<vmem>>, vector<16xf32>,
      %swap3A_526 = arith.constant 32 : index
      %swap3A_527 = tpu.vector_load %arg16[%swap3A_526] {strides = array<i32>} : memref<512xf32, #tpu.memory_space<vmem>>, vector<16xf32>,
      tpu.vector_store %arg16[%swap3A_526], %broadcast_in_dim3A_8 {strides = array<i32>} : memref<512xf32, #tpu.memory_space<vmem>>, vector<16xf32>,
      %swap3A_528 = arith.constant 48 : index
      %swap3A_529 = tpu.vector_load %arg16[%swap3A_528] {strides = array<i32>} : memref<512xf32, #tpu.memory_space<vmem>>, vector<16xf32>,
      tpu.vector_store %arg16[%swap3A_528], %broadcast_in_dim3A_8 {strides = array<i32>} : memref<512xf32, #tpu.memory_space<vmem>>, vector<16xf32>,
      %swap3A_530 = arith.constant 64 : index
      %swap3A_531 = tpu.vector_load %arg16[%swap3A_530] {strides = array<i32>} : memref<512xf32, #tpu.memory_space<vmem>>, vector<16xf32>,
      tpu.vector_store %arg16[%swap3A_530], %broadcast_in_dim3A_8 {strides = array<i32>} : memref<512xf32, #tpu.memory_space<vmem>>, vector<16xf32>,
      %swap3A_532 = arith.constant 80 : index
      %swap3A_533 = tpu.vector_load %arg16[%swap3A_532] {strides = array<i32>} : memref<512xf32, #tpu.memory_space<vmem>>, vector<16xf32>,
      tpu.vector_store %arg16[%swap3A_532], %broadcast_in_dim3A_8 {strides = array<i32>} : memref<512xf32, #tpu.memory_space<vmem>>, vector<16xf32>,
      %swap3A_534 = arith.constant 96 : index
      %swap3A_535 = tpu.vector_load %arg16[%swap3A_534] {strides = array<i32>} : memref<512xf32, #tpu.memory_space<vmem>>, vector<16xf32>,
      tpu.vector_store %arg16[%swap3A_534], %broadcast_in_dim3A_8 {strides = array<i32>} : memref<512xf32, #tpu.memory_space<vmem>>, vector<16xf32>,
      %swap3A_536 = arith.constant 112 : index
      %swap3A_537 = tpu.vector_load %arg16[%swap3A_536] {strides = array<i32>} : memref<512xf32, #tpu.memory_space<vmem>>, vector<16xf32>,
      tpu.vector_store %arg16[%swap3A_536], %broadcast_in_dim3A_8 {strides = array<i32>} : memref<512xf32, #tpu.memory_space<vmem>>, vector<16xf32>,
      %swap3A_538 = arith.constant 128 : index
      %swap3A_539 = tpu.vector_load %arg16[%swap3A_538] {strides = array<i32>} : memref<512xf32, #tpu.memory_space<vmem>>, vector<16xf32>,
      tpu.vector_store %arg16[%swap3A_538], %broadcast_in_dim3A_8 {strides = array<i32>} : memref<512xf32, #tpu.memory_space<vmem>>, vector<16xf32>,
      %swap3A_540 = arith.constant 144 : index
      %swap3A_541 = tpu.vector_load %arg16[%swap3A_540] {strides = array<i32>} : memref<512xf32, #tpu.memory_space<vmem>>, vector<16xf32>,
      tpu.vector_store %arg16[%swap3A_540], %broadcast_in_dim3A_8 {strides = array<i32>} : memref<512xf32, #tpu.memory_space<vmem>>, vector<16xf32>,
      %swap3A_542 = arith.constant 160 : index
      %swap3A_543 = tpu.vector_load %arg16[%swap3A_542] {strides = array<i32>} : memref<512xf32, #tpu.memory_space<vmem>>, vector<16xf32>,
      tpu.vector_store %arg16[%swap3A_542], %broadcast_in_dim3A_8 {strides = array<i32>} : memref<512xf32, #tpu.memory_space<vmem>>, vector<16xf32>,
      %swap3A_544 = arith.constant 176 : index
      %swap3A_545 = tpu.vector_load %arg16[%swap3A_544] {strides = array<i32>} : memref<512xf32, #tpu.memory_space<vmem>>, vector<16xf32>,
      tpu.vector_store %arg16[%swap3A_544], %broadcast_in_dim3A_8 {strides = array<i32>} : memref<512xf32, #tpu.memory_space<vmem>>, vector<16xf32>,
      %swap3A_546 = arith.constant 192 : index
      %swap3A_547 = tpu.vector_load %arg16[%swap3A_546] {strides = array<i32>} : memref<512xf32, #tpu.memory_space<vmem>>, vector<16xf32>,
      tpu.vector_store %arg16[%swap3A_546], %broadcast_in_dim3A_8 {strides = array<i32>} : memref<512xf32, #tpu.memory_space<vmem>>, vector<16xf32>,
      %swap3A_548 = arith.constant 208 : index
      %swap3A_549 = tpu.vector_load %arg16[%swap3A_548] {strides = array<i32>} : memref<512xf32, #tpu.memory_space<vmem>>, vector<16xf32>,
      tpu.vector_store %arg16[%swap3A_548], %broadcast_in_dim3A_8 {strides = array<i32>} : memref<512xf32, #tpu.memory_space<vmem>>, vector<16xf32>,
      %swap3A_550 = arith.constant 224 : index
      %swap3A_551 = tpu.vector_load %arg16[%swap3A_550] {strides = array<i32>} : memref<512xf32, #tpu.memory_space<vmem>>, vector<16xf32>,
      tpu.vector_store %arg16[%swap3A_550], %broadcast_in_dim3A_8 {strides = array<i32>} : memref<512xf32, #tpu.memory_space<vmem>>, vector<16xf32>,
      %swap3A_552 = arith.constant 240 : index
      %swap3A_553 = tpu.vector_load %arg16[%swap3A_552] {strides = array<i32>} : memref<512xf32, #tpu.memory_space<vmem>>, vector<16xf32>,
      tpu.vector_store %arg16[%swap3A_552], %broadcast_in_dim3A_8 {strides = array<i32>} : memref<512xf32, #tpu.memory_space<vmem>>, vector<16xf32>,
      %swap3A_554 = arith.constant 256 : index
      %swap3A_555 = tpu.vector_load %arg16[%swap3A_554] {strides = array<i32>} : memref<512xf32, #tpu.memory_space<vmem>>, vector<16xf32>,
      tpu.vector_store %arg16[%swap3A_554], %broadcast_in_dim3A_8 {strides = array<i32>} : memref<512xf32, #tpu.memory_space<vmem>>, vector<16xf32>,
      %swap3A_556 = arith.constant 272 : index
      %swap3A_557 = tpu.vector_load %arg16[%swap3A_556] {strides = array<i32>} : memref<512xf32, #tpu.memory_space<vmem>>, vector<16xf32>,
      tpu.vector_store %arg16[%swap3A_556], %broadcast_in_dim3A_8 {strides = array<i32>} : memref<512xf32, #tpu.memory_space<vmem>>, vector<16xf32>,
      %swap3A_558 = arith.constant 288 : index
      %swap3A_559 = tpu.vector_load %arg16[%swap3A_558] {strides = array<i32>} : memref<512xf32, #tpu.memory_space<vmem>>, vector<16xf32>,
      tpu.vector_store %arg16[%swap3A_558], %broadcast_in_dim3A_8 {strides = array<i32>} : memref<512xf32, #tpu.memory_space<vmem>>, vector<16xf32>,
      %swap3A_560 = arith.constant 304 : index
      %swap3A_561 = tpu.vector_load %arg16[%swap3A_560] {strides = array<i32>} : memref<512xf32, #tpu.memory_space<vmem>>, vector<16xf32>,
      tpu.vector_store %arg16[%swap3A_560], %broadcast_in_dim3A_8 {strides = array<i32>} : memref<512xf32, #tpu.memory_space<vmem>>, vector<16xf32>,
      %swap3A_562 = arith.constant 320 : index
      %swap3A_563 = tpu.vector_load %arg16[%swap3A_562] {strides = array<i32>} : memref<512xf32, #tpu.memory_space<vmem>>, vector<16xf32>,
      tpu.vector_store %arg16[%swap3A_562], %broadcast_in_dim3A_8 {strides = array<i32>} : memref<512xf32, #tpu.memory_space<vmem>>, vector<16xf32>,
      %swap3A_564 = arith.constant 336 : index
      %swap3A_565 = tpu.vector_load %arg16[%swap3A_564] {strides = array<i32>} : memref<512xf32, #tpu.memory_space<vmem>>, vector<16xf32>,
      tpu.vector_store %arg16[%swap3A_564], %broadcast_in_dim3A_8 {strides = array<i32>} : memref<512xf32, #tpu.memory_space<vmem>>, vector<16xf32>,
      %swap3A_566 = arith.constant 352 : index
      %swap3A_567 = tpu.vector_load %arg16[%swap3A_566] {strides = array<i32>} : memref<512xf32, #tpu.memory_space<vmem>>, vector<16xf32>,
      tpu.vector_store %arg16[%swap3A_566], %broadcast_in_dim3A_8 {strides = array<i32>} : memref<512xf32, #tpu.memory_space<vmem>>, vector<16xf32>,
      %swap3A_568 = arith.constant 368 : index
      %swap3A_569 = tpu.vector_load %arg16[%swap3A_568] {strides = array<i32>} : memref<512xf32, #tpu.memory_space<vmem>>, vector<16xf32>,
      tpu.vector_store %arg16[%swap3A_568], %broadcast_in_dim3A_8 {strides = array<i32>} : memref<512xf32, #tpu.memory_space<vmem>>, vector<16xf32>,
      %swap3A_570 = arith.constant 384 : index
      %swap3A_571 = tpu.vector_load %arg16[%swap3A_570] {strides = array<i32>} : memref<512xf32, #tpu.memory_space<vmem>>, vector<16xf32>,
      tpu.vector_store %arg16[%swap3A_570], %broadcast_in_dim3A_8 {strides = array<i32>} : memref<512xf32, #tpu.memory_space<vmem>>, vector<16xf32>,
      %swap3A_572 = arith.constant 400 : index
      %swap3A_573 = tpu.vector_load %arg16[%swap3A_572] {strides = array<i32>} : memref<512xf32, #tpu.memory_space<vmem>>, vector<16xf32>,
      tpu.vector_store %arg16[%swap3A_572], %broadcast_in_dim3A_8 {strides = array<i32>} : memref<512xf32, #tpu.memory_space<vmem>>, vector<16xf32>,
      %swap3A_574 = arith.constant 416 : index
      %swap3A_575 = tpu.vector_load %arg16[%swap3A_574] {strides = array<i32>} : memref<512xf32, #tpu.memory_space<vmem>>, vector<16xf32>,
      tpu.vector_store %arg16[%swap3A_574], %broadcast_in_dim3A_8 {strides = array<i32>} : memref<512xf32, #tpu.memory_space<vmem>>, vector<16xf32>,
      %swap3A_576 = arith.constant 432 : index
      %swap3A_577 = tpu.vector_load %arg16[%swap3A_576] {strides = array<i32>} : memref<512xf32, #tpu.memory_space<vmem>>, vector<16xf32>,
      tpu.vector_store %arg16[%swap3A_576], %broadcast_in_dim3A_8 {strides = array<i32>} : memref<512xf32, #tpu.memory_space<vmem>>, vector<16xf32>,
      %swap3A_578 = arith.constant 448 : index
      %swap3A_579 = tpu.vector_load %arg16[%swap3A_578] {strides = array<i32>} : memref<512xf32, #tpu.memory_space<vmem>>, vector<16xf32>,
      tpu.vector_store %arg16[%swap3A_578], %broadcast_in_dim3A_8 {strides = array<i32>} : memref<512xf32, #tpu.memory_space<vmem>>, vector<16xf32>,
      %swap3A_580 = arith.constant 464 : index
      %swap3A_581 = tpu.vector_load %arg16[%swap3A_580] {strides = array<i32>} : memref<512xf32, #tpu.memory_space<vmem>>, vector<16xf32>,
      tpu.vector_store %arg16[%swap3A_580], %broadcast_in_dim3A_8 {strides = array<i32>} : memref<512xf32, #tpu.memory_space<vmem>>, vector<16xf32>,
      %swap3A_582 = arith.constant 480 : index
      %swap3A_583 = tpu.vector_load %arg16[%swap3A_582] {strides = array<i32>} : memref<512xf32, #tpu.memory_space<vmem>>, vector<16xf32>,
      tpu.vector_store %arg16[%swap3A_582], %broadcast_in_dim3A_8 {strides = array<i32>} : memref<512xf32, #tpu.memory_space<vmem>>, vector<16xf32>,
      %swap3A_584 = arith.constant 496 : index
      %swap3A_585 = tpu.vector_load %arg16[%swap3A_584] {strides = array<i32>} : memref<512xf32, #tpu.memory_space<vmem>>, vector<16xf32>,
      tpu.vector_store %arg16[%swap3A_584], %broadcast_in_dim3A_8 {strides = array<i32>} : memref<512xf32, #tpu.memory_space<vmem>>, vector<16xf32>,
      %mul3A_586 = arith.constant 16384 : i32
      %mul3A_587 = arith.muli %add3A, %mul3A_586 : i32
      %add3A_588 = arith.constant 0 : i32
      %add3A_589 = arith.addi %mul3A_587, %add3A_588 : i32
      %dma_start3A_590 = tpu.memref_slice %arg7[%add3A_589] : memref<131072xf32, #tpu.memory_space<hbm>> -> memref<4096xf32, #tpu.memory_space<hbm>>
      %dma_start3A_591 = tpu.memref_slice %arg7[%add3A_589] : memref<131072xf32, #tpu.memory_space<hbm>> -> memref<4096xf32, #tpu.memory_space<hbm>>
      tpu.enqueue_dma source(%arg17 : memref<4096xf32, #tpu.memory_space<vmem>>) target(%dma_start3A_591 : memref<4096xf32, #tpu.memory_space<hbm>>) target_semaphore(%arg20 : memref<!tpu.dma_semaphore, #tpu.memory_space<semaphore_mem>>)
      %mul3A_592 = arith.constant 16384 : i32
      %mul3A_593 = arith.muli %add3A, %mul3A_592 : i32
      %add3A_594 = arith.constant 4096 : i32
      %add3A_595 = arith.addi %mul3A_593, %add3A_594 : i32
      %dma_start3A_596 = tpu.memref_slice %arg7[%add3A_595] : memref<131072xf32, #tpu.memory_space<hbm>> -> memref<4096xf32, #tpu.memory_space<hbm>>
      %dma_start3A_597 = tpu.memref_slice %arg7[%add3A_595] : memref<131072xf32, #tpu.memory_space<hbm>> -> memref<4096xf32, #tpu.memory_space<hbm>>
      tpu.enqueue_dma source(%arg17 : memref<4096xf32, #tpu.memory_space<vmem>>) target(%dma_start3A_597 : memref<4096xf32, #tpu.memory_space<hbm>>) target_semaphore(%arg20 : memref<!tpu.dma_semaphore, #tpu.memory_space<semaphore_mem>>)
      %mul3A_598 = arith.constant 16384 : i32
      %mul3A_599 = arith.muli %add3A, %mul3A_598 : i32
      %add3A_600 = arith.constant 8192 : i32
      %add3A_601 = arith.addi %mul3A_599, %add3A_600 : i32
      %dma_start3A_602 = tpu.memref_slice %arg7[%add3A_601] : memref<131072xf32, #tpu.memory_space<hbm>> -> memref<4096xf32, #tpu.memory_space<hbm>>
      %dma_start3A_603 = tpu.memref_slice %arg7[%add3A_601] : memref<131072xf32, #tpu.memory_space<hbm>> -> memref<4096xf32, #tpu.memory_space<hbm>>
      tpu.enqueue_dma source(%arg17 : memref<4096xf32, #tpu.memory_space<vmem>>) target(%dma_start3A_603 : memref<4096xf32, #tpu.memory_space<hbm>>) target_semaphore(%arg20 : memref<!tpu.dma_semaphore, #tpu.memory_space<semaphore_mem>>)
      %mul3A_604 = arith.constant 16384 : i32
      %mul3A_605 = arith.muli %add3A, %mul3A_604 : i32
      %add3A_606 = arith.constant 12288 : i32
      %add3A_607 = arith.addi %mul3A_605, %add3A_606 : i32
      %dma_start3A_608 = tpu.memref_slice %arg7[%add3A_607] : memref<131072xf32, #tpu.memory_space<hbm>> -> memref<4096xf32, #tpu.memory_space<hbm>>
      %dma_start3A_609 = tpu.memref_slice %arg7[%add3A_607] : memref<131072xf32, #tpu.memory_space<hbm>> -> memref<4096xf32, #tpu.memory_space<hbm>>
      tpu.enqueue_dma source(%arg17 : memref<4096xf32, #tpu.memory_space<vmem>>) target(%dma_start3A_609 : memref<4096xf32, #tpu.memory_space<hbm>>) target_semaphore(%arg20 : memref<!tpu.dma_semaphore, #tpu.memory_space<semaphore_mem>>)
      %dma_wait3A = tpu.memref_slice %arg2[%mul3A_6] : memref<8192xi32, #tpu.memory_space<hbm>> -> memref<1024xi32, #tpu.memory_space<hbm>>
      %dma_wait3A_610 = tpu.memref_slice %arg2[%mul3A_6] : memref<8192xi32, #tpu.memory_space<hbm>> -> memref<1024xi32, #tpu.memory_space<hbm>>
      tpu.wait_dma2 semaphore(%arg19 : memref<!tpu.dma_semaphore, #tpu.memory_space<semaphore_mem>>) src(%dma_wait3A_610 : memref<1024xi32, #tpu.memory_space<hbm>>) dst(%arg9 : memref<1024xi32, #tpu.memory_space<vmem>>)
      %get3A = arith.constant 0 : index
      %get3A_611 = tpu.vector_load %arg9[%get3A] {strides = array<i32>} : memref<1024xi32, #tpu.memory_space<vmem>>, vector<16xi32>,
      %mul3A_612 = arith.constant 16384 : i32
      %mul3A_613 = arith.muli %add3A, %mul3A_612 : i32
      %add3A_614 = vector.broadcast %mul3A_613 : i32 to vector<16xi32>
      %add3A_615 = arith.addi %get3A_611, %add3A_614 : vector<16xi32>
      %swap3A_616 = arith.constant 0 : index
      %swap3A_617 = tpu.vector_load %arg10[%swap3A_616] {strides = array<i32>} : memref<512xi32, #tpu.memory_space<vmem>>, vector<16xi32>,
      tpu.vector_store %arg10[%swap3A_616], %add3A_615 {strides = array<i32>} : memref<512xi32, #tpu.memory_space<vmem>>, vector<16xi32>,
      %get3A_618 = arith.constant 512 : index
      %get3A_619 = tpu.vector_load %arg9[%get3A_618] {strides = array<i32>} : memref<1024xi32, #tpu.memory_space<vmem>>, vector<16xi32>,
      %mul3A_620 = arith.constant 512 : i32
      %mul3A_621 = arith.muli %add3A, %mul3A_620 : i32
      %add3A_622 = vector.broadcast %mul3A_621 : i32 to vector<16xi32>
      %add3A_623 = arith.addi %get3A_619, %add3A_622 : vector<16xi32>
      %swap3A_624 = arith.constant 0 : index
      %swap3A_625 = tpu.vector_load %arg11[%swap3A_624] {strides = array<i32>} : memref<512xi32, #tpu.memory_space<vmem>>, vector<16xi32>,
      tpu.vector_store %arg11[%swap3A_624], %add3A_623 {strides = array<i32>} : memref<512xi32, #tpu.memory_space<vmem>>, vector<16xi32>,
      %get3A_626 = arith.constant 16 : index
      %get3A_627 = tpu.vector_load %arg9[%get3A_626] {strides = array<i32>} : memref<1024xi32, #tpu.memory_space<vmem>>, vector<16xi32>,
      %mul3A_628 = arith.constant 16384 : i32
      %mul3A_629 = arith.muli %add3A, %mul3A_628 : i32
      %add3A_630 = vector.broadcast %mul3A_629 : i32 to vector<16xi32>
      %add3A_631 = arith.addi %get3A_627, %add3A_630 : vector<16xi32>
      %swap3A_632 = arith.constant 16 : index
      %swap3A_633 = tpu.vector_load %arg10[%swap3A_632] {strides = array<i32>} : memref<512xi32, #tpu.memory_space<vmem>>, vector<16xi32>,
      tpu.vector_store %arg10[%swap3A_632], %add3A_631 {strides = array<i32>} : memref<512xi32, #tpu.memory_space<vmem>>, vector<16xi32>,
      %get3A_634 = arith.constant 528 : index
      %get3A_635 = tpu.vector_load %arg9[%get3A_634] {strides = array<i32>} : memref<1024xi32, #tpu.memory_space<vmem>>, vector<16xi32>,
      %mul3A_636 = arith.constant 512 : i32
      %mul3A_637 = arith.muli %add3A, %mul3A_636 : i32
      %add3A_638 = vector.broadcast %mul3A_637 : i32 to vector<16xi32>
      %add3A_639 = arith.addi %get3A_635, %add3A_638 : vector<16xi32>
      %swap3A_640 = arith.constant 16 : index
      %swap3A_641 = tpu.vector_load %arg11[%swap3A_640] {strides = array<i32>} : memref<512xi32, #tpu.memory_space<vmem>>, vector<16xi32>,
      tpu.vector_store %arg11[%swap3A_640], %add3A_639 {strides = array<i32>} : memref<512xi32, #tpu.memory_space<vmem>>, vector<16xi32>,
      %get3A_642 = arith.constant 32 : index
      %get3A_643 = tpu.vector_load %arg9[%get3A_642] {strides = array<i32>} : memref<1024xi32, #tpu.memory_space<vmem>>, vector<16xi32>,
      %mul3A_644 = arith.constant 16384 : i32
      %mul3A_645 = arith.muli %add3A, %mul3A_644 : i32
      %add3A_646 = vector.broadcast %mul3A_645 : i32 to vector<16xi32>
      %add3A_647 = arith.addi %get3A_643, %add3A_646 : vector<16xi32>
      %swap3A_648 = arith.constant 32 : index
      %swap3A_649 = tpu.vector_load %arg10[%swap3A_648] {strides = array<i32>} : memref<512xi32, #tpu.memory_space<vmem>>, vector<16xi32>,
      tpu.vector_store %arg10[%swap3A_648], %add3A_647 {strides = array<i32>} : memref<512xi32, #tpu.memory_space<vmem>>, vector<16xi32>,
      %get3A_650 = arith.constant 544 : index
      %get3A_651 = tpu.vector_load %arg9[%get3A_650] {strides = array<i32>} : memref<1024xi32, #tpu.memory_space<vmem>>, vector<16xi32>,
      %mul3A_652 = arith.constant 512 : i32
      %mul3A_653 = arith.muli %add3A, %mul3A_652 : i32
      %add3A_654 = vector.broadcast %mul3A_653 : i32 to vector<16xi32>
      %add3A_655 = arith.addi %get3A_651, %add3A_654 : vector<16xi32>
      %swap3A_656 = arith.constant 32 : index
      %swap3A_657 = tpu.vector_load %arg11[%swap3A_656] {strides = array<i32>} : memref<512xi32, #tpu.memory_space<vmem>>, vector<16xi32>,
      tpu.vector_store %arg11[%swap3A_656], %add3A_655 {strides = array<i32>} : memref<512xi32, #tpu.memory_space<vmem>>, vector<16xi32>,
      %get3A_658 = arith.constant 48 : index
      %get3A_659 = tpu.vector_load %arg9[%get3A_658] {strides = array<i32>} : memref<1024xi32, #tpu.memory_space<vmem>>, vector<16xi32>,
      %mul3A_660 = arith.constant 16384 : i32
      %mul3A_661 = arith.muli %add3A, %mul3A_660 : i32
      %add3A_662 = vector.broadcast %mul3A_661 : i32 to vector<16xi32>
      %add3A_663 = arith.addi %get3A_659, %add3A_662 : vector<16xi32>
      %swap3A_664 = arith.constant 48 : index
      %swap3A_665 = tpu.vector_load %arg10[%swap3A_664] {strides = array<i32>} : memref<512xi32, #tpu.memory_space<vmem>>, vector<16xi32>,
      tpu.vector_store %arg10[%swap3A_664], %add3A_663 {strides = array<i32>} : memref<512xi32, #tpu.memory_space<vmem>>, vector<16xi32>,
      %get3A_666 = arith.constant 560 : index
      %get3A_667 = tpu.vector_load %arg9[%get3A_666] {strides = array<i32>} : memref<1024xi32, #tpu.memory_space<vmem>>, vector<16xi32>,
      %mul3A_668 = arith.constant 512 : i32
      %mul3A_669 = arith.muli %add3A, %mul3A_668 : i32
      %add3A_670 = vector.broadcast %mul3A_669 : i32 to vector<16xi32>
      %add3A_671 = arith.addi %get3A_667, %add3A_670 : vector<16xi32>
      %swap3A_672 = arith.constant 48 : index
      %swap3A_673 = tpu.vector_load %arg11[%swap3A_672] {strides = array<i32>} : memref<512xi32, #tpu.memory_space<vmem>>, vector<16xi32>,
      tpu.vector_store %arg11[%swap3A_672], %add3A_671 {strides = array<i32>} : memref<512xi32, #tpu.memory_space<vmem>>, vector<16xi32>,
      %get3A_674 = arith.constant 64 : index
      %get3A_675 = tpu.vector_load %arg9[%get3A_674] {strides = array<i32>} : memref<1024xi32, #tpu.memory_space<vmem>>, vector<16xi32>,
      %mul3A_676 = arith.constant 16384 : i32
      %mul3A_677 = arith.muli %add3A, %mul3A_676 : i32
      %add3A_678 = vector.broadcast %mul3A_677 : i32 to vector<16xi32>
      %add3A_679 = arith.addi %get3A_675, %add3A_678 : vector<16xi32>
      %swap3A_680 = arith.constant 64 : index
      %swap3A_681 = tpu.vector_load %arg10[%swap3A_680] {strides = array<i32>} : memref<512xi32, #tpu.memory_space<vmem>>, vector<16xi32>,
      tpu.vector_store %arg10[%swap3A_680], %add3A_679 {strides = array<i32>} : memref<512xi32, #tpu.memory_space<vmem>>, vector<16xi32>,
      %get3A_682 = arith.constant 576 : index
      %get3A_683 = tpu.vector_load %arg9[%get3A_682] {strides = array<i32>} : memref<1024xi32, #tpu.memory_space<vmem>>, vector<16xi32>,
      %mul3A_684 = arith.constant 512 : i32
      %mul3A_685 = arith.muli %add3A, %mul3A_684 : i32
      %add3A_686 = vector.broadcast %mul3A_685 : i32 to vector<16xi32>
      %add3A_687 = arith.addi %get3A_683, %add3A_686 : vector<16xi32>
      %swap3A_688 = arith.constant 64 : index
      %swap3A_689 = tpu.vector_load %arg11[%swap3A_688] {strides = array<i32>} : memref<512xi32, #tpu.memory_space<vmem>>, vector<16xi32>,
      tpu.vector_store %arg11[%swap3A_688], %add3A_687 {strides = array<i32>} : memref<512xi32, #tpu.memory_space<vmem>>, vector<16xi32>,
      %get3A_690 = arith.constant 80 : index
      %get3A_691 = tpu.vector_load %arg9[%get3A_690] {strides = array<i32>} : memref<1024xi32, #tpu.memory_space<vmem>>, vector<16xi32>,
      %mul3A_692 = arith.constant 16384 : i32
      %mul3A_693 = arith.muli %add3A, %mul3A_692 : i32
      %add3A_694 = vector.broadcast %mul3A_693 : i32 to vector<16xi32>
      %add3A_695 = arith.addi %get3A_691, %add3A_694 : vector<16xi32>
      %swap3A_696 = arith.constant 80 : index
      %swap3A_697 = tpu.vector_load %arg10[%swap3A_696] {strides = array<i32>} : memref<512xi32, #tpu.memory_space<vmem>>, vector<16xi32>,
      tpu.vector_store %arg10[%swap3A_696], %add3A_695 {strides = array<i32>} : memref<512xi32, #tpu.memory_space<vmem>>, vector<16xi32>,
      %get3A_698 = arith.constant 592 : index
      %get3A_699 = tpu.vector_load %arg9[%get3A_698] {strides = array<i32>} : memref<1024xi32, #tpu.memory_space<vmem>>, vector<16xi32>,
      %mul3A_700 = arith.constant 512 : i32
      %mul3A_701 = arith.muli %add3A, %mul3A_700 : i32
      %add3A_702 = vector.broadcast %mul3A_701 : i32 to vector<16xi32>
      %add3A_703 = arith.addi %get3A_699, %add3A_702 : vector<16xi32>
      %swap3A_704 = arith.constant 80 : index
      %swap3A_705 = tpu.vector_load %arg11[%swap3A_704] {strides = array<i32>} : memref<512xi32, #tpu.memory_space<vmem>>, vector<16xi32>,
      tpu.vector_store %arg11[%swap3A_704], %add3A_703 {strides = array<i32>} : memref<512xi32, #tpu.memory_space<vmem>>, vector<16xi32>,
      %get3A_706 = arith.constant 96 : index
      %get3A_707 = tpu.vector_load %arg9[%get3A_706] {strides = array<i32>} : memref<1024xi32, #tpu.memory_space<vmem>>, vector<16xi32>,
      %mul3A_708 = arith.constant 16384 : i32
      %mul3A_709 = arith.muli %add3A, %mul3A_708 : i32
      %add3A_710 = vector.broadcast %mul3A_709 : i32 to vector<16xi32>
      %add3A_711 = arith.addi %get3A_707, %add3A_710 : vector<16xi32>
      %swap3A_712 = arith.constant 96 : index
      %swap3A_713 = tpu.vector_load %arg10[%swap3A_712] {strides = array<i32>} : memref<512xi32, #tpu.memory_space<vmem>>, vector<16xi32>,
      tpu.vector_store %arg10[%swap3A_712], %add3A_711 {strides = array<i32>} : memref<512xi32, #tpu.memory_space<vmem>>, vector<16xi32>,
      %get3A_714 = arith.constant 608 : index
      %get3A_715 = tpu.vector_load %arg9[%get3A_714] {strides = array<i32>} : memref<1024xi32, #tpu.memory_space<vmem>>, vector<16xi32>,
      %mul3A_716 = arith.constant 512 : i32
      %mul3A_717 = arith.muli %add3A, %mul3A_716 : i32
      %add3A_718 = vector.broadcast %mul3A_717 : i32 to vector<16xi32>
      %add3A_719 = arith.addi %get3A_715, %add3A_718 : vector<16xi32>
      %swap3A_720 = arith.constant 96 : index
      %swap3A_721 = tpu.vector_load %arg11[%swap3A_720] {strides = array<i32>} : memref<512xi32, #tpu.memory_space<vmem>>, vector<16xi32>,
      tpu.vector_store %arg11[%swap3A_720], %add3A_719 {strides = array<i32>} : memref<512xi32, #tpu.memory_space<vmem>>, vector<16xi32>,
      %get3A_722 = arith.constant 112 : index
      %get3A_723 = tpu.vector_load %arg9[%get3A_722] {strides = array<i32>} : memref<1024xi32, #tpu.memory_space<vmem>>, vector<16xi32>,
      %mul3A_724 = arith.constant 16384 : i32
      %mul3A_725 = arith.muli %add3A, %mul3A_724 : i32
      %add3A_726 = vector.broadcast %mul3A_725 : i32 to vector<16xi32>
      %add3A_727 = arith.addi %get3A_723, %add3A_726 : vector<16xi32>
      %swap3A_728 = arith.constant 112 : index
      %swap3A_729 = tpu.vector_load %arg10[%swap3A_728] {strides = array<i32>} : memref<512xi32, #tpu.memory_space<vmem>>, vector<16xi32>,
      tpu.vector_store %arg10[%swap3A_728], %add3A_727 {strides = array<i32>} : memref<512xi32, #tpu.memory_space<vmem>>, vector<16xi32>,
      %get3A_730 = arith.constant 624 : index
      %get3A_731 = tpu.vector_load %arg9[%get3A_730] {strides = array<i32>} : memref<1024xi32, #tpu.memory_space<vmem>>, vector<16xi32>,
      %mul3A_732 = arith.constant 512 : i32
      %mul3A_733 = arith.muli %add3A, %mul3A_732 : i32
      %add3A_734 = vector.broadcast %mul3A_733 : i32 to vector<16xi32>
      %add3A_735 = arith.addi %get3A_731, %add3A_734 : vector<16xi32>
      %swap3A_736 = arith.constant 112 : index
      %swap3A_737 = tpu.vector_load %arg11[%swap3A_736] {strides = array<i32>} : memref<512xi32, #tpu.memory_space<vmem>>, vector<16xi32>,
      tpu.vector_store %arg11[%swap3A_736], %add3A_735 {strides = array<i32>} : memref<512xi32, #tpu.memory_space<vmem>>, vector<16xi32>,
      %get3A_738 = arith.constant 128 : index
      %get3A_739 = tpu.vector_load %arg9[%get3A_738] {strides = array<i32>} : memref<1024xi32, #tpu.memory_space<vmem>>, vector<16xi32>,
      %mul3A_740 = arith.constant 16384 : i32
      %mul3A_741 = arith.muli %add3A, %mul3A_740 : i32
      %add3A_742 = vector.broadcast %mul3A_741 : i32 to vector<16xi32>
      %add3A_743 = arith.addi %get3A_739, %add3A_742 : vector<16xi32>
      %swap3A_744 = arith.constant 128 : index
      %swap3A_745 = tpu.vector_load %arg10[%swap3A_744] {strides = array<i32>} : memref<512xi32, #tpu.memory_space<vmem>>, vector<16xi32>,
      tpu.vector_store %arg10[%swap3A_744], %add3A_743 {strides = array<i32>} : memref<512xi32, #tpu.memory_space<vmem>>, vector<16xi32>,
      %get3A_746 = arith.constant 640 : index
      %get3A_747 = tpu.vector_load %arg9[%get3A_746] {strides = array<i32>} : memref<1024xi32, #tpu.memory_space<vmem>>, vector<16xi32>,
      %mul3A_748 = arith.constant 512 : i32
      %mul3A_749 = arith.muli %add3A, %mul3A_748 : i32
      %add3A_750 = vector.broadcast %mul3A_749 : i32 to vector<16xi32>
      %add3A_751 = arith.addi %get3A_747, %add3A_750 : vector<16xi32>
      %swap3A_752 = arith.constant 128 : index
      %swap3A_753 = tpu.vector_load %arg11[%swap3A_752] {strides = array<i32>} : memref<512xi32, #tpu.memory_space<vmem>>, vector<16xi32>,
      tpu.vector_store %arg11[%swap3A_752], %add3A_751 {strides = array<i32>} : memref<512xi32, #tpu.memory_space<vmem>>, vector<16xi32>,
      %get3A_754 = arith.constant 144 : index
      %get3A_755 = tpu.vector_load %arg9[%get3A_754] {strides = array<i32>} : memref<1024xi32, #tpu.memory_space<vmem>>, vector<16xi32>,
      %mul3A_756 = arith.constant 16384 : i32
      %mul3A_757 = arith.muli %add3A, %mul3A_756 : i32
      %add3A_758 = vector.broadcast %mul3A_757 : i32 to vector<16xi32>
      %add3A_759 = arith.addi %get3A_755, %add3A_758 : vector<16xi32>
      %swap3A_760 = arith.constant 144 : index
      %swap3A_761 = tpu.vector_load %arg10[%swap3A_760] {strides = array<i32>} : memref<512xi32, #tpu.memory_space<vmem>>, vector<16xi32>,
      tpu.vector_store %arg10[%swap3A_760], %add3A_759 {strides = array<i32>} : memref<512xi32, #tpu.memory_space<vmem>>, vector<16xi32>,
      %get3A_762 = arith.constant 656 : index
      %get3A_763 = tpu.vector_load %arg9[%get3A_762] {strides = array<i32>} : memref<1024xi32, #tpu.memory_space<vmem>>, vector<16xi32>,
      %mul3A_764 = arith.constant 512 : i32
      %mul3A_765 = arith.muli %add3A, %mul3A_764 : i32
      %add3A_766 = vector.broadcast %mul3A_765 : i32 to vector<16xi32>
      %add3A_767 = arith.addi %get3A_763, %add3A_766 : vector<16xi32>
      %swap3A_768 = arith.constant 144 : index
      %swap3A_769 = tpu.vector_load %arg11[%swap3A_768] {strides = array<i32>} : memref<512xi32, #tpu.memory_space<vmem>>, vector<16xi32>,
      tpu.vector_store %arg11[%swap3A_768], %add3A_767 {strides = array<i32>} : memref<512xi32, #tpu.memory_space<vmem>>, vector<16xi32>,
      %get3A_770 = arith.constant 160 : index
      %get3A_771 = tpu.vector_load %arg9[%get3A_770] {strides = array<i32>} : memref<1024xi32, #tpu.memory_space<vmem>>, vector<16xi32>,
      %mul3A_772 = arith.constant 16384 : i32
      %mul3A_773 = arith.muli %add3A, %mul3A_772 : i32
      %add3A_774 = vector.broadcast %mul3A_773 : i32 to vector<16xi32>
      %add3A_775 = arith.addi %get3A_771, %add3A_774 : vector<16xi32>
      %swap3A_776 = arith.constant 160 : index
      %swap3A_777 = tpu.vector_load %arg10[%swap3A_776] {strides = array<i32>} : memref<512xi32, #tpu.memory_space<vmem>>, vector<16xi32>,
      tpu.vector_store %arg10[%swap3A_776], %add3A_775 {strides = array<i32>} : memref<512xi32, #tpu.memory_space<vmem>>, vector<16xi32>,
      %get3A_778 = arith.constant 672 : index
      %get3A_779 = tpu.vector_load %arg9[%get3A_778] {strides = array<i32>} : memref<1024xi32, #tpu.memory_space<vmem>>, vector<16xi32>,
      %mul3A_780 = arith.constant 512 : i32
      %mul3A_781 = arith.muli %add3A, %mul3A_780 : i32
      %add3A_782 = vector.broadcast %mul3A_781 : i32 to vector<16xi32>
      %add3A_783 = arith.addi %get3A_779, %add3A_782 : vector<16xi32>
      %swap3A_784 = arith.constant 160 : index
      %swap3A_785 = tpu.vector_load %arg11[%swap3A_784] {strides = array<i32>} : memref<512xi32, #tpu.memory_space<vmem>>, vector<16xi32>,
      tpu.vector_store %arg11[%swap3A_784], %add3A_783 {strides = array<i32>} : memref<512xi32, #tpu.memory_space<vmem>>, vector<16xi32>,
      %get3A_786 = arith.constant 176 : index
      %get3A_787 = tpu.vector_load %arg9[%get3A_786] {strides = array<i32>} : memref<1024xi32, #tpu.memory_space<vmem>>, vector<16xi32>,
      %mul3A_788 = arith.constant 16384 : i32
      %mul3A_789 = arith.muli %add3A, %mul3A_788 : i32
      %add3A_790 = vector.broadcast %mul3A_789 : i32 to vector<16xi32>
      %add3A_791 = arith.addi %get3A_787, %add3A_790 : vector<16xi32>
      %swap3A_792 = arith.constant 176 : index
      %swap3A_793 = tpu.vector_load %arg10[%swap3A_792] {strides = array<i32>} : memref<512xi32, #tpu.memory_space<vmem>>, vector<16xi32>,
      tpu.vector_store %arg10[%swap3A_792], %add3A_791 {strides = array<i32>} : memref<512xi32, #tpu.memory_space<vmem>>, vector<16xi32>,
      %get3A_794 = arith.constant 688 : index
      %get3A_795 = tpu.vector_load %arg9[%get3A_794] {strides = array<i32>} : memref<1024xi32, #tpu.memory_space<vmem>>, vector<16xi32>,
      %mul3A_796 = arith.constant 512 : i32
      %mul3A_797 = arith.muli %add3A, %mul3A_796 : i32
      %add3A_798 = vector.broadcast %mul3A_797 : i32 to vector<16xi32>
      %add3A_799 = arith.addi %get3A_795, %add3A_798 : vector<16xi32>
      %swap3A_800 = arith.constant 176 : index
      %swap3A_801 = tpu.vector_load %arg11[%swap3A_800] {strides = array<i32>} : memref<512xi32, #tpu.memory_space<vmem>>, vector<16xi32>,
      tpu.vector_store %arg11[%swap3A_800], %add3A_799 {strides = array<i32>} : memref<512xi32, #tpu.memory_space<vmem>>, vector<16xi32>,
      %get3A_802 = arith.constant 192 : index
      %get3A_803 = tpu.vector_load %arg9[%get3A_802] {strides = array<i32>} : memref<1024xi32, #tpu.memory_space<vmem>>, vector<16xi32>,
      %mul3A_804 = arith.constant 16384 : i32
      %mul3A_805 = arith.muli %add3A, %mul3A_804 : i32
      %add3A_806 = vector.broadcast %mul3A_805 : i32 to vector<16xi32>
      %add3A_807 = arith.addi %get3A_803, %add3A_806 : vector<16xi32>
      %swap3A_808 = arith.constant 192 : index
      %swap3A_809 = tpu.vector_load %arg10[%swap3A_808] {strides = array<i32>} : memref<512xi32, #tpu.memory_space<vmem>>, vector<16xi32>,
      tpu.vector_store %arg10[%swap3A_808], %add3A_807 {strides = array<i32>} : memref<512xi32, #tpu.memory_space<vmem>>, vector<16xi32>,
      %get3A_810 = arith.constant 704 : index
      %get3A_811 = tpu.vector_load %arg9[%get3A_810] {strides = array<i32>} : memref<1024xi32, #tpu.memory_space<vmem>>, vector<16xi32>,
      %mul3A_812 = arith.constant 512 : i32
      %mul3A_813 = arith.muli %add3A, %mul3A_812 : i32
      %add3A_814 = vector.broadcast %mul3A_813 : i32 to vector<16xi32>
      %add3A_815 = arith.addi %get3A_811, %add3A_814 : vector<16xi32>
      %swap3A_816 = arith.constant 192 : index
      %swap3A_817 = tpu.vector_load %arg11[%swap3A_816] {strides = array<i32>} : memref<512xi32, #tpu.memory_space<vmem>>, vector<16xi32>,
      tpu.vector_store %arg11[%swap3A_816], %add3A_815 {strides = array<i32>} : memref<512xi32, #tpu.memory_space<vmem>>, vector<16xi32>,
      %get3A_818 = arith.constant 208 : index
      %get3A_819 = tpu.vector_load %arg9[%get3A_818] {strides = array<i32>} : memref<1024xi32, #tpu.memory_space<vmem>>, vector<16xi32>,
      %mul3A_820 = arith.constant 16384 : i32
      %mul3A_821 = arith.muli %add3A, %mul3A_820 : i32
      %add3A_822 = vector.broadcast %mul3A_821 : i32 to vector<16xi32>
      %add3A_823 = arith.addi %get3A_819, %add3A_822 : vector<16xi32>
      %swap3A_824 = arith.constant 208 : index
      %swap3A_825 = tpu.vector_load %arg10[%swap3A_824] {strides = array<i32>} : memref<512xi32, #tpu.memory_space<vmem>>, vector<16xi32>,
      tpu.vector_store %arg10[%swap3A_824], %add3A_823 {strides = array<i32>} : memref<512xi32, #tpu.memory_space<vmem>>, vector<16xi32>,
      %get3A_826 = arith.constant 720 : index
      %get3A_827 = tpu.vector_load %arg9[%get3A_826] {strides = array<i32>} : memref<1024xi32, #tpu.memory_space<vmem>>, vector<16xi32>,
      %mul3A_828 = arith.constant 512 : i32
      %mul3A_829 = arith.muli %add3A, %mul3A_828 : i32
      %add3A_830 = vector.broadcast %mul3A_829 : i32 to vector<16xi32>
      %add3A_831 = arith.addi %get3A_827, %add3A_830 : vector<16xi32>
      %swap3A_832 = arith.constant 208 : index
      %swap3A_833 = tpu.vector_load %arg11[%swap3A_832] {strides = array<i32>} : memref<512xi32, #tpu.memory_space<vmem>>, vector<16xi32>,
      tpu.vector_store %arg11[%swap3A_832], %add3A_831 {strides = array<i32>} : memref<512xi32, #tpu.memory_space<vmem>>, vector<16xi32>,
      %get3A_834 = arith.constant 224 : index
      %get3A_835 = tpu.vector_load %arg9[%get3A_834] {strides = array<i32>} : memref<1024xi32, #tpu.memory_space<vmem>>, vector<16xi32>,
      %mul3A_836 = arith.constant 16384 : i32
      %mul3A_837 = arith.muli %add3A, %mul3A_836 : i32
      %add3A_838 = vector.broadcast %mul3A_837 : i32 to vector<16xi32>
      %add3A_839 = arith.addi %get3A_835, %add3A_838 : vector<16xi32>
      %swap3A_840 = arith.constant 224 : index
      %swap3A_841 = tpu.vector_load %arg10[%swap3A_840] {strides = array<i32>} : memref<512xi32, #tpu.memory_space<vmem>>, vector<16xi32>,
      tpu.vector_store %arg10[%swap3A_840], %add3A_839 {strides = array<i32>} : memref<512xi32, #tpu.memory_space<vmem>>, vector<16xi32>,
      %get3A_842 = arith.constant 736 : index
      %get3A_843 = tpu.vector_load %arg9[%get3A_842] {strides = array<i32>} : memref<1024xi32, #tpu.memory_space<vmem>>, vector<16xi32>,
      %mul3A_844 = arith.constant 512 : i32
      %mul3A_845 = arith.muli %add3A, %mul3A_844 : i32
      %add3A_846 = vector.broadcast %mul3A_845 : i32 to vector<16xi32>
      %add3A_847 = arith.addi %get3A_843, %add3A_846 : vector<16xi32>
      %swap3A_848 = arith.constant 224 : index
      %swap3A_849 = tpu.vector_load %arg11[%swap3A_848] {strides = array<i32>} : memref<512xi32, #tpu.memory_space<vmem>>, vector<16xi32>,
      tpu.vector_store %arg11[%swap3A_848], %add3A_847 {strides = array<i32>} : memref<512xi32, #tpu.memory_space<vmem>>, vector<16xi32>,
      %get3A_850 = arith.constant 240 : index
      %get3A_851 = tpu.vector_load %arg9[%get3A_850] {strides = array<i32>} : memref<1024xi32, #tpu.memory_space<vmem>>, vector<16xi32>,
      %mul3A_852 = arith.constant 16384 : i32
      %mul3A_853 = arith.muli %add3A, %mul3A_852 : i32
      %add3A_854 = vector.broadcast %mul3A_853 : i32 to vector<16xi32>
      %add3A_855 = arith.addi %get3A_851, %add3A_854 : vector<16xi32>
      %swap3A_856 = arith.constant 240 : index
      %swap3A_857 = tpu.vector_load %arg10[%swap3A_856] {strides = array<i32>} : memref<512xi32, #tpu.memory_space<vmem>>, vector<16xi32>,
      tpu.vector_store %arg10[%swap3A_856], %add3A_855 {strides = array<i32>} : memref<512xi32, #tpu.memory_space<vmem>>, vector<16xi32>,
      %get3A_858 = arith.constant 752 : index
      %get3A_859 = tpu.vector_load %arg9[%get3A_858] {strides = array<i32>} : memref<1024xi32, #tpu.memory_space<vmem>>, vector<16xi32>,
      %mul3A_860 = arith.constant 512 : i32
      %mul3A_861 = arith.muli %add3A, %mul3A_860 : i32
      %add3A_862 = vector.broadcast %mul3A_861 : i32 to vector<16xi32>
      %add3A_863 = arith.addi %get3A_859, %add3A_862 : vector<16xi32>
      %swap3A_864 = arith.constant 240 : index
      %swap3A_865 = tpu.vector_load %arg11[%swap3A_864] {strides = array<i32>} : memref<512xi32, #tpu.memory_space<vmem>>, vector<16xi32>,
      tpu.vector_store %arg11[%swap3A_864], %add3A_863 {strides = array<i32>} : memref<512xi32, #tpu.memory_space<vmem>>, vector<16xi32>,
      %get3A_866 = arith.constant 256 : index
      %get3A_867 = tpu.vector_load %arg9[%get3A_866] {strides = array<i32>} : memref<1024xi32, #tpu.memory_space<vmem>>, vector<16xi32>,
      %mul3A_868 = arith.constant 16384 : i32
      %mul3A_869 = arith.muli %add3A, %mul3A_868 : i32
      %add3A_870 = vector.broadcast %mul3A_869 : i32 to vector<16xi32>
      %add3A_871 = arith.addi %get3A_867, %add3A_870 : vector<16xi32>
      %swap3A_872 = arith.constant 256 : index
      %swap3A_873 = tpu.vector_load %arg10[%swap3A_872] {strides = array<i32>} : memref<512xi32, #tpu.memory_space<vmem>>, vector<16xi32>,
      tpu.vector_store %arg10[%swap3A_872], %add3A_871 {strides = array<i32>} : memref<512xi32, #tpu.memory_space<vmem>>, vector<16xi32>,
      %get3A_874 = arith.constant 768 : index
      %get3A_875 = tpu.vector_load %arg9[%get3A_874] {strides = array<i32>} : memref<1024xi32, #tpu.memory_space<vmem>>, vector<16xi32>,
      %mul3A_876 = arith.constant 512 : i32
      %mul3A_877 = arith.muli %add3A, %mul3A_876 : i32
      %add3A_878 = vector.broadcast %mul3A_877 : i32 to vector<16xi32>
      %add3A_879 = arith.addi %get3A_875, %add3A_878 : vector<16xi32>
      %swap3A_880 = arith.constant 256 : index
      %swap3A_881 = tpu.vector_load %arg11[%swap3A_880] {strides = array<i32>} : memref<512xi32, #tpu.memory_space<vmem>>, vector<16xi32>,
      tpu.vector_store %arg11[%swap3A_880], %add3A_879 {strides = array<i32>} : memref<512xi32, #tpu.memory_space<vmem>>, vector<16xi32>,
      %get3A_882 = arith.constant 272 : index
      %get3A_883 = tpu.vector_load %arg9[%get3A_882] {strides = array<i32>} : memref<1024xi32, #tpu.memory_space<vmem>>, vector<16xi32>,
      %mul3A_884 = arith.constant 16384 : i32
      %mul3A_885 = arith.muli %add3A, %mul3A_884 : i32
      %add3A_886 = vector.broadcast %mul3A_885 : i32 to vector<16xi32>
      %add3A_887 = arith.addi %get3A_883, %add3A_886 : vector<16xi32>
      %swap3A_888 = arith.constant 272 : index
      %swap3A_889 = tpu.vector_load %arg10[%swap3A_888] {strides = array<i32>} : memref<512xi32, #tpu.memory_space<vmem>>, vector<16xi32>,
      tpu.vector_store %arg10[%swap3A_888], %add3A_887 {strides = array<i32>} : memref<512xi32, #tpu.memory_space<vmem>>, vector<16xi32>,
      %get3A_890 = arith.constant 784 : index
      %get3A_891 = tpu.vector_load %arg9[%get3A_890] {strides = array<i32>} : memref<1024xi32, #tpu.memory_space<vmem>>, vector<16xi32>,
      %mul3A_892 = arith.constant 512 : i32
      %mul3A_893 = arith.muli %add3A, %mul3A_892 : i32
      %add3A_894 = vector.broadcast %mul3A_893 : i32 to vector<16xi32>
      %add3A_895 = arith.addi %get3A_891, %add3A_894 : vector<16xi32>
      %swap3A_896 = arith.constant 272 : index
      %swap3A_897 = tpu.vector_load %arg11[%swap3A_896] {strides = array<i32>} : memref<512xi32, #tpu.memory_space<vmem>>, vector<16xi32>,
      tpu.vector_store %arg11[%swap3A_896], %add3A_895 {strides = array<i32>} : memref<512xi32, #tpu.memory_space<vmem>>, vector<16xi32>,
      %get3A_898 = arith.constant 288 : index
      %get3A_899 = tpu.vector_load %arg9[%get3A_898] {strides = array<i32>} : memref<1024xi32, #tpu.memory_space<vmem>>, vector<16xi32>,
      %mul3A_900 = arith.constant 16384 : i32
      %mul3A_901 = arith.muli %add3A, %mul3A_900 : i32
      %add3A_902 = vector.broadcast %mul3A_901 : i32 to vector<16xi32>
      %add3A_903 = arith.addi %get3A_899, %add3A_902 : vector<16xi32>
      %swap3A_904 = arith.constant 288 : index
      %swap3A_905 = tpu.vector_load %arg10[%swap3A_904] {strides = array<i32>} : memref<512xi32, #tpu.memory_space<vmem>>, vector<16xi32>,
      tpu.vector_store %arg10[%swap3A_904], %add3A_903 {strides = array<i32>} : memref<512xi32, #tpu.memory_space<vmem>>, vector<16xi32>,
      %get3A_906 = arith.constant 800 : index
      %get3A_907 = tpu.vector_load %arg9[%get3A_906] {strides = array<i32>} : memref<1024xi32, #tpu.memory_space<vmem>>, vector<16xi32>,
      %mul3A_908 = arith.constant 512 : i32
      %mul3A_909 = arith.muli %add3A, %mul3A_908 : i32
      %add3A_910 = vector.broadcast %mul3A_909 : i32 to vector<16xi32>
      %add3A_911 = arith.addi %get3A_907, %add3A_910 : vector<16xi32>
      %swap3A_912 = arith.constant 288 : index
      %swap3A_913 = tpu.vector_load %arg11[%swap3A_912] {strides = array<i32>} : memref<512xi32, #tpu.memory_space<vmem>>, vector<16xi32>,
      tpu.vector_store %arg11[%swap3A_912], %add3A_911 {strides = array<i32>} : memref<512xi32, #tpu.memory_space<vmem>>, vector<16xi32>,
      %get3A_914 = arith.constant 304 : index
      %get3A_915 = tpu.vector_load %arg9[%get3A_914] {strides = array<i32>} : memref<1024xi32, #tpu.memory_space<vmem>>, vector<16xi32>,
      %mul3A_916 = arith.constant 16384 : i32
      %mul3A_917 = arith.muli %add3A, %mul3A_916 : i32
      %add3A_918 = vector.broadcast %mul3A_917 : i32 to vector<16xi32>
      %add3A_919 = arith.addi %get3A_915, %add3A_918 : vector<16xi32>
      %swap3A_920 = arith.constant 304 : index
      %swap3A_921 = tpu.vector_load %arg10[%swap3A_920] {strides = array<i32>} : memref<512xi32, #tpu.memory_space<vmem>>, vector<16xi32>,
      tpu.vector_store %arg10[%swap3A_920], %add3A_919 {strides = array<i32>} : memref<512xi32, #tpu.memory_space<vmem>>, vector<16xi32>,
      %get3A_922 = arith.constant 816 : index
      %get3A_923 = tpu.vector_load %arg9[%get3A_922] {strides = array<i32>} : memref<1024xi32, #tpu.memory_space<vmem>>, vector<16xi32>,
      %mul3A_924 = arith.constant 512 : i32
      %mul3A_925 = arith.muli %add3A, %mul3A_924 : i32
      %add3A_926 = vector.broadcast %mul3A_925 : i32 to vector<16xi32>
      %add3A_927 = arith.addi %get3A_923, %add3A_926 : vector<16xi32>
      %swap3A_928 = arith.constant 304 : index
      %swap3A_929 = tpu.vector_load %arg11[%swap3A_928] {strides = array<i32>} : memref<512xi32, #tpu.memory_space<vmem>>, vector<16xi32>,
      tpu.vector_store %arg11[%swap3A_928], %add3A_927 {strides = array<i32>} : memref<512xi32, #tpu.memory_space<vmem>>, vector<16xi32>,
      %get3A_930 = arith.constant 320 : index
      %get3A_931 = tpu.vector_load %arg9[%get3A_930] {strides = array<i32>} : memref<1024xi32, #tpu.memory_space<vmem>>, vector<16xi32>,
      %mul3A_932 = arith.constant 16384 : i32
      %mul3A_933 = arith.muli %add3A, %mul3A_932 : i32
      %add3A_934 = vector.broadcast %mul3A_933 : i32 to vector<16xi32>
      %add3A_935 = arith.addi %get3A_931, %add3A_934 : vector<16xi32>
      %swap3A_936 = arith.constant 320 : index
      %swap3A_937 = tpu.vector_load %arg10[%swap3A_936] {strides = array<i32>} : memref<512xi32, #tpu.memory_space<vmem>>, vector<16xi32>,
      tpu.vector_store %arg10[%swap3A_936], %add3A_935 {strides = array<i32>} : memref<512xi32, #tpu.memory_space<vmem>>, vector<16xi32>,
      %get3A_938 = arith.constant 832 : index
      %get3A_939 = tpu.vector_load %arg9[%get3A_938] {strides = array<i32>} : memref<1024xi32, #tpu.memory_space<vmem>>, vector<16xi32>,
      %mul3A_940 = arith.constant 512 : i32
      %mul3A_941 = arith.muli %add3A, %mul3A_940 : i32
      %add3A_942 = vector.broadcast %mul3A_941 : i32 to vector<16xi32>
      %add3A_943 = arith.addi %get3A_939, %add3A_942 : vector<16xi32>
      %swap3A_944 = arith.constant 320 : index
      %swap3A_945 = tpu.vector_load %arg11[%swap3A_944] {strides = array<i32>} : memref<512xi32, #tpu.memory_space<vmem>>, vector<16xi32>,
      tpu.vector_store %arg11[%swap3A_944], %add3A_943 {strides = array<i32>} : memref<512xi32, #tpu.memory_space<vmem>>, vector<16xi32>,
      %get3A_946 = arith.constant 336 : index
      %get3A_947 = tpu.vector_load %arg9[%get3A_946] {strides = array<i32>} : memref<1024xi32, #tpu.memory_space<vmem>>, vector<16xi32>,
      %mul3A_948 = arith.constant 16384 : i32
      %mul3A_949 = arith.muli %add3A, %mul3A_948 : i32
      %add3A_950 = vector.broadcast %mul3A_949 : i32 to vector<16xi32>
      %add3A_951 = arith.addi %get3A_947, %add3A_950 : vector<16xi32>
      %swap3A_952 = arith.constant 336 : index
      %swap3A_953 = tpu.vector_load %arg10[%swap3A_952] {strides = array<i32>} : memref<512xi32, #tpu.memory_space<vmem>>, vector<16xi32>,
      tpu.vector_store %arg10[%swap3A_952], %add3A_951 {strides = array<i32>} : memref<512xi32, #tpu.memory_space<vmem>>, vector<16xi32>,
      %get3A_954 = arith.constant 848 : index
      %get3A_955 = tpu.vector_load %arg9[%get3A_954] {strides = array<i32>} : memref<1024xi32, #tpu.memory_space<vmem>>, vector<16xi32>,
      %mul3A_956 = arith.constant 512 : i32
      %mul3A_957 = arith.muli %add3A, %mul3A_956 : i32
      %add3A_958 = vector.broadcast %mul3A_957 : i32 to vector<16xi32>
      %add3A_959 = arith.addi %get3A_955, %add3A_958 : vector<16xi32>
      %swap3A_960 = arith.constant 336 : index
      %swap3A_961 = tpu.vector_load %arg11[%swap3A_960] {strides = array<i32>} : memref<512xi32, #tpu.memory_space<vmem>>, vector<16xi32>,
      tpu.vector_store %arg11[%swap3A_960], %add3A_959 {strides = array<i32>} : memref<512xi32, #tpu.memory_space<vmem>>, vector<16xi32>,
      %get3A_962 = arith.constant 352 : index
      %get3A_963 = tpu.vector_load %arg9[%get3A_962] {strides = array<i32>} : memref<1024xi32, #tpu.memory_space<vmem>>, vector<16xi32>,
      %mul3A_964 = arith.constant 16384 : i32
      %mul3A_965 = arith.muli %add3A, %mul3A_964 : i32
      %add3A_966 = vector.broadcast %mul3A_965 : i32 to vector<16xi32>
      %add3A_967 = arith.addi %get3A_963, %add3A_966 : vector<16xi32>
      %swap3A_968 = arith.constant 352 : index
      %swap3A_969 = tpu.vector_load %arg10[%swap3A_968] {strides = array<i32>} : memref<512xi32, #tpu.memory_space<vmem>>, vector<16xi32>,
      tpu.vector_store %arg10[%swap3A_968], %add3A_967 {strides = array<i32>} : memref<512xi32, #tpu.memory_space<vmem>>, vector<16xi32>,
      %get3A_970 = arith.constant 864 : index
      %get3A_971 = tpu.vector_load %arg9[%get3A_970] {strides = array<i32>} : memref<1024xi32, #tpu.memory_space<vmem>>, vector<16xi32>,
      %mul3A_972 = arith.constant 512 : i32
      %mul3A_973 = arith.muli %add3A, %mul3A_972 : i32
      %add3A_974 = vector.broadcast %mul3A_973 : i32 to vector<16xi32>
      %add3A_975 = arith.addi %get3A_971, %add3A_974 : vector<16xi32>
      %swap3A_976 = arith.constant 352 : index
      %swap3A_977 = tpu.vector_load %arg11[%swap3A_976] {strides = array<i32>} : memref<512xi32, #tpu.memory_space<vmem>>, vector<16xi32>,
      tpu.vector_store %arg11[%swap3A_976], %add3A_975 {strides = array<i32>} : memref<512xi32, #tpu.memory_space<vmem>>, vector<16xi32>,
      %get3A_978 = arith.constant 368 : index
      %get3A_979 = tpu.vector_load %arg9[%get3A_978] {strides = array<i32>} : memref<1024xi32, #tpu.memory_space<vmem>>, vector<16xi32>,
      %mul3A_980 = arith.constant 16384 : i32
      %mul3A_981 = arith.muli %add3A, %mul3A_980 : i32
      %add3A_982 = vector.broadcast %mul3A_981 : i32 to vector<16xi32>
      %add3A_983 = arith.addi %get3A_979, %add3A_982 : vector<16xi32>
      %swap3A_984 = arith.constant 368 : index
      %swap3A_985 = tpu.vector_load %arg10[%swap3A_984] {strides = array<i32>} : memref<512xi32, #tpu.memory_space<vmem>>, vector<16xi32>,
      tpu.vector_store %arg10[%swap3A_984], %add3A_983 {strides = array<i32>} : memref<512xi32, #tpu.memory_space<vmem>>, vector<16xi32>,
      %get3A_986 = arith.constant 880 : index
      %get3A_987 = tpu.vector_load %arg9[%get3A_986] {strides = array<i32>} : memref<1024xi32, #tpu.memory_space<vmem>>, vector<16xi32>,
      %mul3A_988 = arith.constant 512 : i32
      %mul3A_989 = arith.muli %add3A, %mul3A_988 : i32
      %add3A_990 = vector.broadcast %mul3A_989 : i32 to vector<16xi32>
      %add3A_991 = arith.addi %get3A_987, %add3A_990 : vector<16xi32>
      %swap3A_992 = arith.constant 368 : index
      %swap3A_993 = tpu.vector_load %arg11[%swap3A_992] {strides = array<i32>} : memref<512xi32, #tpu.memory_space<vmem>>, vector<16xi32>,
      tpu.vector_store %arg11[%swap3A_992], %add3A_991 {strides = array<i32>} : memref<512xi32, #tpu.memory_space<vmem>>, vector<16xi32>,
      %get3A_994 = arith.constant 384 : index
      %get3A_995 = tpu.vector_load %arg9[%get3A_994] {strides = array<i32>} : memref<1024xi32, #tpu.memory_space<vmem>>, vector<16xi32>,
      %mul3A_996 = arith.constant 16384 : i32
      %mul3A_997 = arith.muli %add3A, %mul3A_996 : i32
      %add3A_998 = vector.broadcast %mul3A_997 : i32 to vector<16xi32>
      %add3A_999 = arith.addi %get3A_995, %add3A_998 : vector<16xi32>
      %swap3A_1000 = arith.constant 384 : index
      %swap3A_1001 = tpu.vector_load %arg10[%swap3A_1000] {strides = array<i32>} : memref<512xi32, #tpu.memory_space<vmem>>, vector<16xi32>,
      tpu.vector_store %arg10[%swap3A_1000], %add3A_999 {strides = array<i32>} : memref<512xi32, #tpu.memory_space<vmem>>, vector<16xi32>,
      %get3A_1002 = arith.constant 896 : index
      %get3A_1003 = tpu.vector_load %arg9[%get3A_1002] {strides = array<i32>} : memref<1024xi32, #tpu.memory_space<vmem>>, vector<16xi32>,
      %mul3A_1004 = arith.constant 512 : i32
      %mul3A_1005 = arith.muli %add3A, %mul3A_1004 : i32
      %add3A_1006 = vector.broadcast %mul3A_1005 : i32 to vector<16xi32>
      %add3A_1007 = arith.addi %get3A_1003, %add3A_1006 : vector<16xi32>
      %swap3A_1008 = arith.constant 384 : index
      %swap3A_1009 = tpu.vector_load %arg11[%swap3A_1008] {strides = array<i32>} : memref<512xi32, #tpu.memory_space<vmem>>, vector<16xi32>,
      tpu.vector_store %arg11[%swap3A_1008], %add3A_1007 {strides = array<i32>} : memref<512xi32, #tpu.memory_space<vmem>>, vector<16xi32>,
      %get3A_1010 = arith.constant 400 : index
      %get3A_1011 = tpu.vector_load %arg9[%get3A_1010] {strides = array<i32>} : memref<1024xi32, #tpu.memory_space<vmem>>, vector<16xi32>,
      %mul3A_1012 = arith.constant 16384 : i32
      %mul3A_1013 = arith.muli %add3A, %mul3A_1012 : i32
      %add3A_1014 = vector.broadcast %mul3A_1013 : i32 to vector<16xi32>
      %add3A_1015 = arith.addi %get3A_1011, %add3A_1014 : vector<16xi32>
      %swap3A_1016 = arith.constant 400 : index
      %swap3A_1017 = tpu.vector_load %arg10[%swap3A_1016] {strides = array<i32>} : memref<512xi32, #tpu.memory_space<vmem>>, vector<16xi32>,
      tpu.vector_store %arg10[%swap3A_1016], %add3A_1015 {strides = array<i32>} : memref<512xi32, #tpu.memory_space<vmem>>, vector<16xi32>,
      %get3A_1018 = arith.constant 912 : index
      %get3A_1019 = tpu.vector_load %arg9[%get3A_1018] {strides = array<i32>} : memref<1024xi32, #tpu.memory_space<vmem>>, vector<16xi32>,
      %mul3A_1020 = arith.constant 512 : i32
      %mul3A_1021 = arith.muli %add3A, %mul3A_1020 : i32
      %add3A_1022 = vector.broadcast %mul3A_1021 : i32 to vector<16xi32>
      %add3A_1023 = arith.addi %get3A_1019, %add3A_1022 : vector<16xi32>
      %swap3A_1024 = arith.constant 400 : index
      %swap3A_1025 = tpu.vector_load %arg11[%swap3A_1024] {strides = array<i32>} : memref<512xi32, #tpu.memory_space<vmem>>, vector<16xi32>,
      tpu.vector_store %arg11[%swap3A_1024], %add3A_1023 {strides = array<i32>} : memref<512xi32, #tpu.memory_space<vmem>>, vector<16xi32>,
      %get3A_1026 = arith.constant 416 : index
      %get3A_1027 = tpu.vector_load %arg9[%get3A_1026] {strides = array<i32>} : memref<1024xi32, #tpu.memory_space<vmem>>, vector<16xi32>,
      %mul3A_1028 = arith.constant 16384 : i32
      %mul3A_1029 = arith.muli %add3A, %mul3A_1028 : i32
      %add3A_1030 = vector.broadcast %mul3A_1029 : i32 to vector<16xi32>
      %add3A_1031 = arith.addi %get3A_1027, %add3A_1030 : vector<16xi32>
      %swap3A_1032 = arith.constant 416 : index
      %swap3A_1033 = tpu.vector_load %arg10[%swap3A_1032] {strides = array<i32>} : memref<512xi32, #tpu.memory_space<vmem>>, vector<16xi32>,
      tpu.vector_store %arg10[%swap3A_1032], %add3A_1031 {strides = array<i32>} : memref<512xi32, #tpu.memory_space<vmem>>, vector<16xi32>,
      %get3A_1034 = arith.constant 928 : index
      %get3A_1035 = tpu.vector_load %arg9[%get3A_1034] {strides = array<i32>} : memref<1024xi32, #tpu.memory_space<vmem>>, vector<16xi32>,
      %mul3A_1036 = arith.constant 512 : i32
      %mul3A_1037 = arith.muli %add3A, %mul3A_1036 : i32
      %add3A_1038 = vector.broadcast %mul3A_1037 : i32 to vector<16xi32>
      %add3A_1039 = arith.addi %get3A_1035, %add3A_1038 : vector<16xi32>
      %swap3A_1040 = arith.constant 416 : index
      %swap3A_1041 = tpu.vector_load %arg11[%swap3A_1040] {strides = array<i32>} : memref<512xi32, #tpu.memory_space<vmem>>, vector<16xi32>,
      tpu.vector_store %arg11[%swap3A_1040], %add3A_1039 {strides = array<i32>} : memref<512xi32, #tpu.memory_space<vmem>>, vector<16xi32>,
      %get3A_1042 = arith.constant 432 : index
      %get3A_1043 = tpu.vector_load %arg9[%get3A_1042] {strides = array<i32>} : memref<1024xi32, #tpu.memory_space<vmem>>, vector<16xi32>,
      %mul3A_1044 = arith.constant 16384 : i32
      %mul3A_1045 = arith.muli %add3A, %mul3A_1044 : i32
      %add3A_1046 = vector.broadcast %mul3A_1045 : i32 to vector<16xi32>
      %add3A_1047 = arith.addi %get3A_1043, %add3A_1046 : vector<16xi32>
      %swap3A_1048 = arith.constant 432 : index
      %swap3A_1049 = tpu.vector_load %arg10[%swap3A_1048] {strides = array<i32>} : memref<512xi32, #tpu.memory_space<vmem>>, vector<16xi32>,
      tpu.vector_store %arg10[%swap3A_1048], %add3A_1047 {strides = array<i32>} : memref<512xi32, #tpu.memory_space<vmem>>, vector<16xi32>,
      %get3A_1050 = arith.constant 944 : index
      %get3A_1051 = tpu.vector_load %arg9[%get3A_1050] {strides = array<i32>} : memref<1024xi32, #tpu.memory_space<vmem>>, vector<16xi32>,
      %mul3A_1052 = arith.constant 512 : i32
      %mul3A_1053 = arith.muli %add3A, %mul3A_1052 : i32
      %add3A_1054 = vector.broadcast %mul3A_1053 : i32 to vector<16xi32>
      %add3A_1055 = arith.addi %get3A_1051, %add3A_1054 : vector<16xi32>
      %swap3A_1056 = arith.constant 432 : index
      %swap3A_1057 = tpu.vector_load %arg11[%swap3A_1056] {strides = array<i32>} : memref<512xi32, #tpu.memory_space<vmem>>, vector<16xi32>,
      tpu.vector_store %arg11[%swap3A_1056], %add3A_1055 {strides = array<i32>} : memref<512xi32, #tpu.memory_space<vmem>>, vector<16xi32>,
      %get3A_1058 = arith.constant 448 : index
      %get3A_1059 = tpu.vector_load %arg9[%get3A_1058] {strides = array<i32>} : memref<1024xi32, #tpu.memory_space<vmem>>, vector<16xi32>,
      %mul3A_1060 = arith.constant 16384 : i32
      %mul3A_1061 = arith.muli %add3A, %mul3A_1060 : i32
      %add3A_1062 = vector.broadcast %mul3A_1061 : i32 to vector<16xi32>
      %add3A_1063 = arith.addi %get3A_1059, %add3A_1062 : vector<16xi32>
      %swap3A_1064 = arith.constant 448 : index
      %swap3A_1065 = tpu.vector_load %arg10[%swap3A_1064] {strides = array<i32>} : memref<512xi32, #tpu.memory_space<vmem>>, vector<16xi32>,
      tpu.vector_store %arg10[%swap3A_1064], %add3A_1063 {strides = array<i32>} : memref<512xi32, #tpu.memory_space<vmem>>, vector<16xi32>,
      %get3A_1066 = arith.constant 960 : index
      %get3A_1067 = tpu.vector_load %arg9[%get3A_1066] {strides = array<i32>} : memref<1024xi32, #tpu.memory_space<vmem>>, vector<16xi32>,
      %mul3A_1068 = arith.constant 512 : i32
      %mul3A_1069 = arith.muli %add3A, %mul3A_1068 : i32
      %add3A_1070 = vector.broadcast %mul3A_1069 : i32 to vector<16xi32>
      %add3A_1071 = arith.addi %get3A_1067, %add3A_1070 : vector<16xi32>
      %swap3A_1072 = arith.constant 448 : index
      %swap3A_1073 = tpu.vector_load %arg11[%swap3A_1072] {strides = array<i32>} : memref<512xi32, #tpu.memory_space<vmem>>, vector<16xi32>,
      tpu.vector_store %arg11[%swap3A_1072], %add3A_1071 {strides = array<i32>} : memref<512xi32, #tpu.memory_space<vmem>>, vector<16xi32>,
      %get3A_1074 = arith.constant 464 : index
      %get3A_1075 = tpu.vector_load %arg9[%get3A_1074] {strides = array<i32>} : memref<1024xi32, #tpu.memory_space<vmem>>, vector<16xi32>,
      %mul3A_1076 = arith.constant 16384 : i32
      %mul3A_1077 = arith.muli %add3A, %mul3A_1076 : i32
      %add3A_1078 = vector.broadcast %mul3A_1077 : i32 to vector<16xi32>
      %add3A_1079 = arith.addi %get3A_1075, %add3A_1078 : vector<16xi32>
      %swap3A_1080 = arith.constant 464 : index
      %swap3A_1081 = tpu.vector_load %arg10[%swap3A_1080] {strides = array<i32>} : memref<512xi32, #tpu.memory_space<vmem>>, vector<16xi32>,
      tpu.vector_store %arg10[%swap3A_1080], %add3A_1079 {strides = array<i32>} : memref<512xi32, #tpu.memory_space<vmem>>, vector<16xi32>,
      %get3A_1082 = arith.constant 976 : index
      %get3A_1083 = tpu.vector_load %arg9[%get3A_1082] {strides = array<i32>} : memref<1024xi32, #tpu.memory_space<vmem>>, vector<16xi32>,
      %mul3A_1084 = arith.constant 512 : i32
      %mul3A_1085 = arith.muli %add3A, %mul3A_1084 : i32
      %add3A_1086 = vector.broadcast %mul3A_1085 : i32 to vector<16xi32>
      %add3A_1087 = arith.addi %get3A_1083, %add3A_1086 : vector<16xi32>
      %swap3A_1088 = arith.constant 464 : index
      %swap3A_1089 = tpu.vector_load %arg11[%swap3A_1088] {strides = array<i32>} : memref<512xi32, #tpu.memory_space<vmem>>, vector<16xi32>,
      tpu.vector_store %arg11[%swap3A_1088], %add3A_1087 {strides = array<i32>} : memref<512xi32, #tpu.memory_space<vmem>>, vector<16xi32>,
      %get3A_1090 = arith.constant 480 : index
      %get3A_1091 = tpu.vector_load %arg9[%get3A_1090] {strides = array<i32>} : memref<1024xi32, #tpu.memory_space<vmem>>, vector<16xi32>,
      %mul3A_1092 = arith.constant 16384 : i32
      %mul3A_1093 = arith.muli %add3A, %mul3A_1092 : i32
      %add3A_1094 = vector.broadcast %mul3A_1093 : i32 to vector<16xi32>
      %add3A_1095 = arith.addi %get3A_1091, %add3A_1094 : vector<16xi32>
      %swap3A_1096 = arith.constant 480 : index
      %swap3A_1097 = tpu.vector_load %arg10[%swap3A_1096] {strides = array<i32>} : memref<512xi32, #tpu.memory_space<vmem>>, vector<16xi32>,
      tpu.vector_store %arg10[%swap3A_1096], %add3A_1095 {strides = array<i32>} : memref<512xi32, #tpu.memory_space<vmem>>, vector<16xi32>,
      %get3A_1098 = arith.constant 992 : index
      %get3A_1099 = tpu.vector_load %arg9[%get3A_1098] {strides = array<i32>} : memref<1024xi32, #tpu.memory_space<vmem>>, vector<16xi32>,
      %mul3A_1100 = arith.constant 512 : i32
      %mul3A_1101 = arith.muli %add3A, %mul3A_1100 : i32
      %add3A_1102 = vector.broadcast %mul3A_1101 : i32 to vector<16xi32>
      %add3A_1103 = arith.addi %get3A_1099, %add3A_1102 : vector<16xi32>
      %swap3A_1104 = arith.constant 480 : index
      %swap3A_1105 = tpu.vector_load %arg11[%swap3A_1104] {strides = array<i32>} : memref<512xi32, #tpu.memory_space<vmem>>, vector<16xi32>,
      tpu.vector_store %arg11[%swap3A_1104], %add3A_1103 {strides = array<i32>} : memref<512xi32, #tpu.memory_space<vmem>>, vector<16xi32>,
      %get3A_1106 = arith.constant 496 : index
      %get3A_1107 = tpu.vector_load %arg9[%get3A_1106] {strides = array<i32>} : memref<1024xi32, #tpu.memory_space<vmem>>, vector<16xi32>,
      %mul3A_1108 = arith.constant 16384 : i32
      %mul3A_1109 = arith.muli %add3A, %mul3A_1108 : i32
      %add3A_1110 = vector.broadcast %mul3A_1109 : i32 to vector<16xi32>
      %add3A_1111 = arith.addi %get3A_1107, %add3A_1110 : vector<16xi32>
      %swap3A_1112 = arith.constant 496 : index
      %swap3A_1113 = tpu.vector_load %arg10[%swap3A_1112] {strides = array<i32>} : memref<512xi32, #tpu.memory_space<vmem>>, vector<16xi32>,
      tpu.vector_store %arg10[%swap3A_1112], %add3A_1111 {strides = array<i32>} : memref<512xi32, #tpu.memory_space<vmem>>, vector<16xi32>,
      %get3A_1114 = arith.constant 1008 : index
      %get3A_1115 = tpu.vector_load %arg9[%get3A_1114] {strides = array<i32>} : memref<1024xi32, #tpu.memory_space<vmem>>, vector<16xi32>,
      %mul3A_1116 = arith.constant 512 : i32
      %mul3A_1117 = arith.muli %add3A, %mul3A_1116 : i32
      %add3A_1118 = vector.broadcast %mul3A_1117 : i32 to vector<16xi32>
      %add3A_1119 = arith.addi %get3A_1115, %add3A_1118 : vector<16xi32>
      %swap3A_1120 = arith.constant 496 : index
      %swap3A_1121 = tpu.vector_load %arg11[%swap3A_1120] {strides = array<i32>} : memref<512xi32, #tpu.memory_space<vmem>>, vector<16xi32>,
      tpu.vector_store %arg11[%swap3A_1120], %add3A_1119 {strides = array<i32>} : memref<512xi32, #tpu.memory_space<vmem>>, vector<16xi32>,
      %dma_start3A_1122 = arith.constant 0 : i32
      %dma_start3A_1123 = tpu.memref_slice %arg3[%dma_start3A_1122] : memref<131072xf32, #tpu.memory_space<hbm>> -> memref<131072xf32, #tpu.memory_space<hbm>>
      tpu.enqueue_indirect_dma source(%dma_start3A_1123 : memref<131072xf32, #tpu.memory_space<hbm>>) target(%arg12 : memref<512xf32, #tpu.memory_space<vmem>>) offsets(%arg10 : memref<512xi32, #tpu.memory_space<vmem>>) semaphore(%arg19 : memref<!tpu.dma_semaphore, #tpu.memory_space<semaphore_mem>>)
      %dma_start3A_1124 = arith.constant 0 : i32
      %dma_start3A_1125 = tpu.memref_slice %arg4[%dma_start3A_1124] : memref<131072xf32, #tpu.memory_space<hbm>> -> memref<131072xf32, #tpu.memory_space<hbm>>
      tpu.enqueue_indirect_dma source(%dma_start3A_1125 : memref<131072xf32, #tpu.memory_space<hbm>>) target(%arg13 : memref<512xf32, #tpu.memory_space<vmem>>) offsets(%arg10 : memref<512xi32, #tpu.memory_space<vmem>>) semaphore(%arg19 : memref<!tpu.dma_semaphore, #tpu.memory_space<semaphore_mem>>)
      %dma_start3A_1126 = arith.constant 0 : i32
      %dma_start3A_1127 = tpu.memref_slice %arg5[%dma_start3A_1126] : memref<4096xf32, #tpu.memory_space<hbm>> -> memref<4096xf32, #tpu.memory_space<hbm>>
      tpu.enqueue_indirect_dma source(%dma_start3A_1127 : memref<4096xf32, #tpu.memory_space<hbm>>) target(%arg14 : memref<512xf32, #tpu.memory_space<vmem>>) offsets(%arg11 : memref<512xi32, #tpu.memory_space<vmem>>) semaphore(%arg19 : memref<!tpu.dma_semaphore, #tpu.memory_space<semaphore_mem>>)
      %dma_start3A_1128 = arith.constant 0 : i32
      %dma_start3A_1129 = tpu.memref_slice %arg6[%dma_start3A_1128] : memref<4096xf32, #tpu.memory_space<hbm>> -> memref<4096xf32, #tpu.memory_space<hbm>>
      tpu.enqueue_indirect_dma source(%dma_start3A_1129 : memref<4096xf32, #tpu.memory_space<hbm>>) target(%arg15 : memref<512xf32, #tpu.memory_space<vmem>>) offsets(%arg11 : memref<512xi32, #tpu.memory_space<vmem>>) semaphore(%arg19 : memref<!tpu.dma_semaphore, #tpu.memory_space<semaphore_mem>>)
      %dma_wait3A_1130 = tpu.memref_slice %arg7[%add3A_589] : memref<131072xf32, #tpu.memory_space<hbm>> -> memref<4096xf32, #tpu.memory_space<hbm>>
      %dma_wait3A_1131 = tpu.memref_slice %arg7[%add3A_589] : memref<131072xf32, #tpu.memory_space<hbm>> -> memref<4096xf32, #tpu.memory_space<hbm>>
      tpu.wait_dma2 semaphore(%arg20 : memref<!tpu.dma_semaphore, #tpu.memory_space<semaphore_mem>>) src(%arg17 : memref<4096xf32, #tpu.memory_space<vmem>>) dst(%dma_wait3A_1131 : memref<4096xf32, #tpu.memory_space<hbm>>)
      %dma_wait3A_1132 = tpu.memref_slice %arg7[%add3A_595] : memref<131072xf32, #tpu.memory_space<hbm>> -> memref<4096xf32, #tpu.memory_space<hbm>>
      %dma_wait3A_1133 = tpu.memref_slice %arg7[%add3A_595] : memref<131072xf32, #tpu.memory_space<hbm>> -> memref<4096xf32, #tpu.memory_space<hbm>>
      tpu.wait_dma2 semaphore(%arg20 : memref<!tpu.dma_semaphore, #tpu.memory_space<semaphore_mem>>) src(%arg17 : memref<4096xf32, #tpu.memory_space<vmem>>) dst(%dma_wait3A_1133 : memref<4096xf32, #tpu.memory_space<hbm>>)
      %dma_wait3A_1134 = tpu.memref_slice %arg7[%add3A_601] : memref<131072xf32, #tpu.memory_space<hbm>> -> memref<4096xf32, #tpu.memory_space<hbm>>
      %dma_wait3A_1135 = tpu.memref_slice %arg7[%add3A_601] : memref<131072xf32, #tpu.memory_space<hbm>> -> memref<4096xf32, #tpu.memory_space<hbm>>
      tpu.wait_dma2 semaphore(%arg20 : memref<!tpu.dma_semaphore, #tpu.memory_space<semaphore_mem>>) src(%arg17 : memref<4096xf32, #tpu.memory_space<vmem>>) dst(%dma_wait3A_1135 : memref<4096xf32, #tpu.memory_space<hbm>>)
      %dma_wait3A_1136 = tpu.memref_slice %arg7[%add3A_607] : memref<131072xf32, #tpu.memory_space<hbm>> -> memref<4096xf32, #tpu.memory_space<hbm>>
      %dma_wait3A_1137 = tpu.memref_slice %arg7[%add3A_607] : memref<131072xf32, #tpu.memory_space<hbm>> -> memref<4096xf32, #tpu.memory_space<hbm>>
      tpu.wait_dma2 semaphore(%arg20 : memref<!tpu.dma_semaphore, #tpu.memory_space<semaphore_mem>>) src(%arg17 : memref<4096xf32, #tpu.memory_space<vmem>>) dst(%dma_wait3A_1137 : memref<4096xf32, #tpu.memory_space<hbm>>)
      %dma_start3A_1138 = arith.constant 0 : i32
      %dma_start3A_1139 = tpu.memref_slice %arg7[%dma_start3A_1138] : memref<131072xf32, #tpu.memory_space<hbm>> -> memref<131072xf32, #tpu.memory_space<hbm>>
      tpu.enqueue_indirect_dma source(%arg16 : memref<512xf32, #tpu.memory_space<vmem>>) target(%dma_start3A_1139 : memref<131072xf32, #tpu.memory_space<hbm>>) offsets(%arg10 : memref<512xi32, #tpu.memory_space<vmem>>) semaphore(%arg20 : memref<!tpu.dma_semaphore, #tpu.memory_space<semaphore_mem>>)
      %dma_wait3A_1140 = arith.constant 0 : i32
      %dma_wait3A_1141 = tpu.memref_slice %arg3[%dma_wait3A_1140] : memref<131072xf32, #tpu.memory_space<hbm>> -> memref<131072xf32, #tpu.memory_space<hbm>>
      tpu.wait_indirect_dma semaphore(%arg19 : memref<!tpu.dma_semaphore, #tpu.memory_space<semaphore_mem>>) src(%dma_wait3A_1141 : memref<131072xf32, #tpu.memory_space<hbm>>) dst(%arg12 : memref<512xf32, #tpu.memory_space<vmem>>)
      %dma_wait3A_1142 = arith.constant 0 : i32
      %dma_wait3A_1143 = tpu.memref_slice %arg4[%dma_wait3A_1142] : memref<131072xf32, #tpu.memory_space<hbm>> -> memref<131072xf32, #tpu.memory_space<hbm>>
      tpu.wait_indirect_dma semaphore(%arg19 : memref<!tpu.dma_semaphore, #tpu.memory_space<semaphore_mem>>) src(%dma_wait3A_1143 : memref<131072xf32, #tpu.memory_space<hbm>>) dst(%arg13 : memref<512xf32, #tpu.memory_space<vmem>>)
      %dma_wait3A_1144 = arith.constant 0 : i32
      %dma_wait3A_1145 = tpu.memref_slice %arg5[%dma_wait3A_1144] : memref<4096xf32, #tpu.memory_space<hbm>> -> memref<4096xf32, #tpu.memory_space<hbm>>
      tpu.wait_indirect_dma semaphore(%arg19 : memref<!tpu.dma_semaphore, #tpu.memory_space<semaphore_mem>>) src(%dma_wait3A_1145 : memref<4096xf32, #tpu.memory_space<hbm>>) dst(%arg14 : memref<512xf32, #tpu.memory_space<vmem>>)
      %dma_wait3A_1146 = arith.constant 0 : i32
      %dma_wait3A_1147 = tpu.memref_slice %arg6[%dma_wait3A_1146] : memref<4096xf32, #tpu.memory_space<hbm>> -> memref<4096xf32, #tpu.memory_space<hbm>>
      tpu.wait_indirect_dma semaphore(%arg19 : memref<!tpu.dma_semaphore, #tpu.memory_space<semaphore_mem>>) src(%dma_wait3A_1147 : memref<4096xf32, #tpu.memory_space<hbm>>) dst(%arg15 : memref<512xf32, #tpu.memory_space<vmem>>)
      %broadcast_in_dim3A_1148 = arith.constant 0.000000e+00 : f32
      %broadcast_in_dim3A_1149 = vector.broadcast %broadcast_in_dim3A_1148 : f32 to vector<16xf32>
      %get3A_1150 = arith.constant 0 : index
      %get3A_1151 = tpu.vector_load %arg12[%get3A_1150] {strides = array<i32>} : memref<512xf32, #tpu.memory_space<vmem>>, vector<16xf32>,
      %get3A_1152 = arith.constant 0 : index
      %get3A_1153 = tpu.vector_load %arg14[%get3A_1152] {strides = array<i32>} : memref<512xf32, #tpu.memory_space<vmem>>, vector<16xf32>,
      %sub3A = arith.subf %get3A_1151, %get3A_1153 : vector<16xf32>
      %mul3A_1154 = arith.mulf %sub3A, %sub3A : vector<16xf32>
      %add3A_1155 = arith.addf %broadcast_in_dim3A_1149, %mul3A_1154 : vector<16xf32>
      %get3A_1156 = arith.constant 16 : index
      %get3A_1157 = tpu.vector_load %arg12[%get3A_1156] {strides = array<i32>} : memref<512xf32, #tpu.memory_space<vmem>>, vector<16xf32>,
      %get3A_1158 = arith.constant 16 : index
      %get3A_1159 = tpu.vector_load %arg14[%get3A_1158] {strides = array<i32>} : memref<512xf32, #tpu.memory_space<vmem>>, vector<16xf32>,
      %sub3A_1160 = arith.subf %get3A_1157, %get3A_1159 : vector<16xf32>
      %mul3A_1161 = arith.mulf %sub3A_1160, %sub3A_1160 : vector<16xf32>
      %add3A_1162 = arith.addf %add3A_1155, %mul3A_1161 : vector<16xf32>
      %get3A_1163 = arith.constant 32 : index
      %get3A_1164 = tpu.vector_load %arg12[%get3A_1163] {strides = array<i32>} : memref<512xf32, #tpu.memory_space<vmem>>, vector<16xf32>,
      %get3A_1165 = arith.constant 32 : index
      %get3A_1166 = tpu.vector_load %arg14[%get3A_1165] {strides = array<i32>} : memref<512xf32, #tpu.memory_space<vmem>>, vector<16xf32>,
      %sub3A_1167 = arith.subf %get3A_1164, %get3A_1166 : vector<16xf32>
      %mul3A_1168 = arith.mulf %sub3A_1167, %sub3A_1167 : vector<16xf32>
      %add3A_1169 = arith.addf %add3A_1162, %mul3A_1168 : vector<16xf32>
      %get3A_1170 = arith.constant 48 : index
      %get3A_1171 = tpu.vector_load %arg12[%get3A_1170] {strides = array<i32>} : memref<512xf32, #tpu.memory_space<vmem>>, vector<16xf32>,
      %get3A_1172 = arith.constant 48 : index
      %get3A_1173 = tpu.vector_load %arg14[%get3A_1172] {strides = array<i32>} : memref<512xf32, #tpu.memory_space<vmem>>, vector<16xf32>,
      %sub3A_1174 = arith.subf %get3A_1171, %get3A_1173 : vector<16xf32>
      %mul3A_1175 = arith.mulf %sub3A_1174, %sub3A_1174 : vector<16xf32>
      %add3A_1176 = arith.addf %add3A_1169, %mul3A_1175 : vector<16xf32>
      %get3A_1177 = arith.constant 64 : index
      %get3A_1178 = tpu.vector_load %arg12[%get3A_1177] {strides = array<i32>} : memref<512xf32, #tpu.memory_space<vmem>>, vector<16xf32>,
      %get3A_1179 = arith.constant 64 : index
      %get3A_1180 = tpu.vector_load %arg14[%get3A_1179] {strides = array<i32>} : memref<512xf32, #tpu.memory_space<vmem>>, vector<16xf32>,
      %sub3A_1181 = arith.subf %get3A_1178, %get3A_1180 : vector<16xf32>
      %mul3A_1182 = arith.mulf %sub3A_1181, %sub3A_1181 : vector<16xf32>
      %add3A_1183 = arith.addf %add3A_1176, %mul3A_1182 : vector<16xf32>
      %get3A_1184 = arith.constant 80 : index
      %get3A_1185 = tpu.vector_load %arg12[%get3A_1184] {strides = array<i32>} : memref<512xf32, #tpu.memory_space<vmem>>, vector<16xf32>,
      %get3A_1186 = arith.constant 80 : index
      %get3A_1187 = tpu.vector_load %arg14[%get3A_1186] {strides = array<i32>} : memref<512xf32, #tpu.memory_space<vmem>>, vector<16xf32>,
      %sub3A_1188 = arith.subf %get3A_1185, %get3A_1187 : vector<16xf32>
      %mul3A_1189 = arith.mulf %sub3A_1188, %sub3A_1188 : vector<16xf32>
      %add3A_1190 = arith.addf %add3A_1183, %mul3A_1189 : vector<16xf32>
      %get3A_1191 = arith.constant 96 : index
      %get3A_1192 = tpu.vector_load %arg12[%get3A_1191] {strides = array<i32>} : memref<512xf32, #tpu.memory_space<vmem>>, vector<16xf32>,
      %get3A_1193 = arith.constant 96 : index
      %get3A_1194 = tpu.vector_load %arg14[%get3A_1193] {strides = array<i32>} : memref<512xf32, #tpu.memory_space<vmem>>, vector<16xf32>,
      %sub3A_1195 = arith.subf %get3A_1192, %get3A_1194 : vector<16xf32>
      %mul3A_1196 = arith.mulf %sub3A_1195, %sub3A_1195 : vector<16xf32>
      %add3A_1197 = arith.addf %add3A_1190, %mul3A_1196 : vector<16xf32>
      %get3A_1198 = arith.constant 112 : index
      %get3A_1199 = tpu.vector_load %arg12[%get3A_1198] {strides = array<i32>} : memref<512xf32, #tpu.memory_space<vmem>>, vector<16xf32>,
      %get3A_1200 = arith.constant 112 : index
      %get3A_1201 = tpu.vector_load %arg14[%get3A_1200] {strides = array<i32>} : memref<512xf32, #tpu.memory_space<vmem>>, vector<16xf32>,
      %sub3A_1202 = arith.subf %get3A_1199, %get3A_1201 : vector<16xf32>
      %mul3A_1203 = arith.mulf %sub3A_1202, %sub3A_1202 : vector<16xf32>
      %add3A_1204 = arith.addf %add3A_1197, %mul3A_1203 : vector<16xf32>
      %get3A_1205 = arith.constant 128 : index
      %get3A_1206 = tpu.vector_load %arg12[%get3A_1205] {strides = array<i32>} : memref<512xf32, #tpu.memory_space<vmem>>, vector<16xf32>,
      %get3A_1207 = arith.constant 128 : index
      %get3A_1208 = tpu.vector_load %arg14[%get3A_1207] {strides = array<i32>} : memref<512xf32, #tpu.memory_space<vmem>>, vector<16xf32>,
      %sub3A_1209 = arith.subf %get3A_1206, %get3A_1208 : vector<16xf32>
      %mul3A_1210 = arith.mulf %sub3A_1209, %sub3A_1209 : vector<16xf32>
      %add3A_1211 = arith.addf %add3A_1204, %mul3A_1210 : vector<16xf32>
      %get3A_1212 = arith.constant 144 : index
      %get3A_1213 = tpu.vector_load %arg12[%get3A_1212] {strides = array<i32>} : memref<512xf32, #tpu.memory_space<vmem>>, vector<16xf32>,
      %get3A_1214 = arith.constant 144 : index
      %get3A_1215 = tpu.vector_load %arg14[%get3A_1214] {strides = array<i32>} : memref<512xf32, #tpu.memory_space<vmem>>, vector<16xf32>,
      %sub3A_1216 = arith.subf %get3A_1213, %get3A_1215 : vector<16xf32>
      %mul3A_1217 = arith.mulf %sub3A_1216, %sub3A_1216 : vector<16xf32>
      %add3A_1218 = arith.addf %add3A_1211, %mul3A_1217 : vector<16xf32>
      %get3A_1219 = arith.constant 160 : index
      %get3A_1220 = tpu.vector_load %arg12[%get3A_1219] {strides = array<i32>} : memref<512xf32, #tpu.memory_space<vmem>>, vector<16xf32>,
      %get3A_1221 = arith.constant 160 : index
      %get3A_1222 = tpu.vector_load %arg14[%get3A_1221] {strides = array<i32>} : memref<512xf32, #tpu.memory_space<vmem>>, vector<16xf32>,
      %sub3A_1223 = arith.subf %get3A_1220, %get3A_1222 : vector<16xf32>
      %mul3A_1224 = arith.mulf %sub3A_1223, %sub3A_1223 : vector<16xf32>
      %add3A_1225 = arith.addf %add3A_1218, %mul3A_1224 : vector<16xf32>
      %get3A_1226 = arith.constant 176 : index
      %get3A_1227 = tpu.vector_load %arg12[%get3A_1226] {strides = array<i32>} : memref<512xf32, #tpu.memory_space<vmem>>, vector<16xf32>,
      %get3A_1228 = arith.constant 176 : index
      %get3A_1229 = tpu.vector_load %arg14[%get3A_1228] {strides = array<i32>} : memref<512xf32, #tpu.memory_space<vmem>>, vector<16xf32>,
      %sub3A_1230 = arith.subf %get3A_1227, %get3A_1229 : vector<16xf32>
      %mul3A_1231 = arith.mulf %sub3A_1230, %sub3A_1230 : vector<16xf32>
      %add3A_1232 = arith.addf %add3A_1225, %mul3A_1231 : vector<16xf32>
      %get3A_1233 = arith.constant 192 : index
      %get3A_1234 = tpu.vector_load %arg12[%get3A_1233] {strides = array<i32>} : memref<512xf32, #tpu.memory_space<vmem>>, vector<16xf32>,
      %get3A_1235 = arith.constant 192 : index
      %get3A_1236 = tpu.vector_load %arg14[%get3A_1235] {strides = array<i32>} : memref<512xf32, #tpu.memory_space<vmem>>, vector<16xf32>,
      %sub3A_1237 = arith.subf %get3A_1234, %get3A_1236 : vector<16xf32>
      %mul3A_1238 = arith.mulf %sub3A_1237, %sub3A_1237 : vector<16xf32>
      %add3A_1239 = arith.addf %add3A_1232, %mul3A_1238 : vector<16xf32>
      %get3A_1240 = arith.constant 208 : index
      %get3A_1241 = tpu.vector_load %arg12[%get3A_1240] {strides = array<i32>} : memref<512xf32, #tpu.memory_space<vmem>>, vector<16xf32>,
      %get3A_1242 = arith.constant 208 : index
      %get3A_1243 = tpu.vector_load %arg14[%get3A_1242] {strides = array<i32>} : memref<512xf32, #tpu.memory_space<vmem>>, vector<16xf32>,
      %sub3A_1244 = arith.subf %get3A_1241, %get3A_1243 : vector<16xf32>
      %mul3A_1245 = arith.mulf %sub3A_1244, %sub3A_1244 : vector<16xf32>
      %add3A_1246 = arith.addf %add3A_1239, %mul3A_1245 : vector<16xf32>
      %get3A_1247 = arith.constant 224 : index
      %get3A_1248 = tpu.vector_load %arg12[%get3A_1247] {strides = array<i32>} : memref<512xf32, #tpu.memory_space<vmem>>, vector<16xf32>,
      %get3A_1249 = arith.constant 224 : index
      %get3A_1250 = tpu.vector_load %arg14[%get3A_1249] {strides = array<i32>} : memref<512xf32, #tpu.memory_space<vmem>>, vector<16xf32>,
      %sub3A_1251 = arith.subf %get3A_1248, %get3A_1250 : vector<16xf32>
      %mul3A_1252 = arith.mulf %sub3A_1251, %sub3A_1251 : vector<16xf32>
      %add3A_1253 = arith.addf %add3A_1246, %mul3A_1252 : vector<16xf32>
      %get3A_1254 = arith.constant 240 : index
      %get3A_1255 = tpu.vector_load %arg12[%get3A_1254] {strides = array<i32>} : memref<512xf32, #tpu.memory_space<vmem>>, vector<16xf32>,
      %get3A_1256 = arith.constant 240 : index
      %get3A_1257 = tpu.vector_load %arg14[%get3A_1256] {strides = array<i32>} : memref<512xf32, #tpu.memory_space<vmem>>, vector<16xf32>,
      %sub3A_1258 = arith.subf %get3A_1255, %get3A_1257 : vector<16xf32>
      %mul3A_1259 = arith.mulf %sub3A_1258, %sub3A_1258 : vector<16xf32>
      %add3A_1260 = arith.addf %add3A_1253, %mul3A_1259 : vector<16xf32>
      %get3A_1261 = arith.constant 256 : index
      %get3A_1262 = tpu.vector_load %arg12[%get3A_1261] {strides = array<i32>} : memref<512xf32, #tpu.memory_space<vmem>>, vector<16xf32>,
      %get3A_1263 = arith.constant 256 : index
      %get3A_1264 = tpu.vector_load %arg14[%get3A_1263] {strides = array<i32>} : memref<512xf32, #tpu.memory_space<vmem>>, vector<16xf32>,
      %sub3A_1265 = arith.subf %get3A_1262, %get3A_1264 : vector<16xf32>
      %mul3A_1266 = arith.mulf %sub3A_1265, %sub3A_1265 : vector<16xf32>
      %add3A_1267 = arith.addf %add3A_1260, %mul3A_1266 : vector<16xf32>
      %get3A_1268 = arith.constant 272 : index
      %get3A_1269 = tpu.vector_load %arg12[%get3A_1268] {strides = array<i32>} : memref<512xf32, #tpu.memory_space<vmem>>, vector<16xf32>,
      %get3A_1270 = arith.constant 272 : index
      %get3A_1271 = tpu.vector_load %arg14[%get3A_1270] {strides = array<i32>} : memref<512xf32, #tpu.memory_space<vmem>>, vector<16xf32>,
      %sub3A_1272 = arith.subf %get3A_1269, %get3A_1271 : vector<16xf32>
      %mul3A_1273 = arith.mulf %sub3A_1272, %sub3A_1272 : vector<16xf32>
      %add3A_1274 = arith.addf %add3A_1267, %mul3A_1273 : vector<16xf32>
      %get3A_1275 = arith.constant 288 : index
      %get3A_1276 = tpu.vector_load %arg12[%get3A_1275] {strides = array<i32>} : memref<512xf32, #tpu.memory_space<vmem>>, vector<16xf32>,
      %get3A_1277 = arith.constant 288 : index
      %get3A_1278 = tpu.vector_load %arg14[%get3A_1277] {strides = array<i32>} : memref<512xf32, #tpu.memory_space<vmem>>, vector<16xf32>,
      %sub3A_1279 = arith.subf %get3A_1276, %get3A_1278 : vector<16xf32>
      %mul3A_1280 = arith.mulf %sub3A_1279, %sub3A_1279 : vector<16xf32>
      %add3A_1281 = arith.addf %add3A_1274, %mul3A_1280 : vector<16xf32>
      %get3A_1282 = arith.constant 304 : index
      %get3A_1283 = tpu.vector_load %arg12[%get3A_1282] {strides = array<i32>} : memref<512xf32, #tpu.memory_space<vmem>>, vector<16xf32>,
      %get3A_1284 = arith.constant 304 : index
      %get3A_1285 = tpu.vector_load %arg14[%get3A_1284] {strides = array<i32>} : memref<512xf32, #tpu.memory_space<vmem>>, vector<16xf32>,
      %sub3A_1286 = arith.subf %get3A_1283, %get3A_1285 : vector<16xf32>
      %mul3A_1287 = arith.mulf %sub3A_1286, %sub3A_1286 : vector<16xf32>
      %add3A_1288 = arith.addf %add3A_1281, %mul3A_1287 : vector<16xf32>
      %get3A_1289 = arith.constant 320 : index
      %get3A_1290 = tpu.vector_load %arg12[%get3A_1289] {strides = array<i32>} : memref<512xf32, #tpu.memory_space<vmem>>, vector<16xf32>,
      %get3A_1291 = arith.constant 320 : index
      %get3A_1292 = tpu.vector_load %arg14[%get3A_1291] {strides = array<i32>} : memref<512xf32, #tpu.memory_space<vmem>>, vector<16xf32>,
      %sub3A_1293 = arith.subf %get3A_1290, %get3A_1292 : vector<16xf32>
      %mul3A_1294 = arith.mulf %sub3A_1293, %sub3A_1293 : vector<16xf32>
      %add3A_1295 = arith.addf %add3A_1288, %mul3A_1294 : vector<16xf32>
      %get3A_1296 = arith.constant 336 : index
      %get3A_1297 = tpu.vector_load %arg12[%get3A_1296] {strides = array<i32>} : memref<512xf32, #tpu.memory_space<vmem>>, vector<16xf32>,
      %get3A_1298 = arith.constant 336 : index
      %get3A_1299 = tpu.vector_load %arg14[%get3A_1298] {strides = array<i32>} : memref<512xf32, #tpu.memory_space<vmem>>, vector<16xf32>,
      %sub3A_1300 = arith.subf %get3A_1297, %get3A_1299 : vector<16xf32>
      %mul3A_1301 = arith.mulf %sub3A_1300, %sub3A_1300 : vector<16xf32>
      %add3A_1302 = arith.addf %add3A_1295, %mul3A_1301 : vector<16xf32>
      %get3A_1303 = arith.constant 352 : index
      %get3A_1304 = tpu.vector_load %arg12[%get3A_1303] {strides = array<i32>} : memref<512xf32, #tpu.memory_space<vmem>>, vector<16xf32>,
      %get3A_1305 = arith.constant 352 : index
      %get3A_1306 = tpu.vector_load %arg14[%get3A_1305] {strides = array<i32>} : memref<512xf32, #tpu.memory_space<vmem>>, vector<16xf32>,
      %sub3A_1307 = arith.subf %get3A_1304, %get3A_1306 : vector<16xf32>
      %mul3A_1308 = arith.mulf %sub3A_1307, %sub3A_1307 : vector<16xf32>
      %add3A_1309 = arith.addf %add3A_1302, %mul3A_1308 : vector<16xf32>
      %get3A_1310 = arith.constant 368 : index
      %get3A_1311 = tpu.vector_load %arg12[%get3A_1310] {strides = array<i32>} : memref<512xf32, #tpu.memory_space<vmem>>, vector<16xf32>,
      %get3A_1312 = arith.constant 368 : index
      %get3A_1313 = tpu.vector_load %arg14[%get3A_1312] {strides = array<i32>} : memref<512xf32, #tpu.memory_space<vmem>>, vector<16xf32>,
      %sub3A_1314 = arith.subf %get3A_1311, %get3A_1313 : vector<16xf32>
      %mul3A_1315 = arith.mulf %sub3A_1314, %sub3A_1314 : vector<16xf32>
      %add3A_1316 = arith.addf %add3A_1309, %mul3A_1315 : vector<16xf32>
      %get3A_1317 = arith.constant 384 : index
      %get3A_1318 = tpu.vector_load %arg12[%get3A_1317] {strides = array<i32>} : memref<512xf32, #tpu.memory_space<vmem>>, vector<16xf32>,
      %get3A_1319 = arith.constant 384 : index
      %get3A_1320 = tpu.vector_load %arg14[%get3A_1319] {strides = array<i32>} : memref<512xf32, #tpu.memory_space<vmem>>, vector<16xf32>,
      %sub3A_1321 = arith.subf %get3A_1318, %get3A_1320 : vector<16xf32>
      %mul3A_1322 = arith.mulf %sub3A_1321, %sub3A_1321 : vector<16xf32>
      %add3A_1323 = arith.addf %add3A_1316, %mul3A_1322 : vector<16xf32>
      %get3A_1324 = arith.constant 400 : index
      %get3A_1325 = tpu.vector_load %arg12[%get3A_1324] {strides = array<i32>} : memref<512xf32, #tpu.memory_space<vmem>>, vector<16xf32>,
      %get3A_1326 = arith.constant 400 : index
      %get3A_1327 = tpu.vector_load %arg14[%get3A_1326] {strides = array<i32>} : memref<512xf32, #tpu.memory_space<vmem>>, vector<16xf32>,
      %sub3A_1328 = arith.subf %get3A_1325, %get3A_1327 : vector<16xf32>
      %mul3A_1329 = arith.mulf %sub3A_1328, %sub3A_1328 : vector<16xf32>
      %add3A_1330 = arith.addf %add3A_1323, %mul3A_1329 : vector<16xf32>
      %get3A_1331 = arith.constant 416 : index
      %get3A_1332 = tpu.vector_load %arg12[%get3A_1331] {strides = array<i32>} : memref<512xf32, #tpu.memory_space<vmem>>, vector<16xf32>,
      %get3A_1333 = arith.constant 416 : index
      %get3A_1334 = tpu.vector_load %arg14[%get3A_1333] {strides = array<i32>} : memref<512xf32, #tpu.memory_space<vmem>>, vector<16xf32>,
      %sub3A_1335 = arith.subf %get3A_1332, %get3A_1334 : vector<16xf32>
      %mul3A_1336 = arith.mulf %sub3A_1335, %sub3A_1335 : vector<16xf32>
      %add3A_1337 = arith.addf %add3A_1330, %mul3A_1336 : vector<16xf32>
      %get3A_1338 = arith.constant 432 : index
      %get3A_1339 = tpu.vector_load %arg12[%get3A_1338] {strides = array<i32>} : memref<512xf32, #tpu.memory_space<vmem>>, vector<16xf32>,
      %get3A_1340 = arith.constant 432 : index
      %get3A_1341 = tpu.vector_load %arg14[%get3A_1340] {strides = array<i32>} : memref<512xf32, #tpu.memory_space<vmem>>, vector<16xf32>,
      %sub3A_1342 = arith.subf %get3A_1339, %get3A_1341 : vector<16xf32>
      %mul3A_1343 = arith.mulf %sub3A_1342, %sub3A_1342 : vector<16xf32>
      %add3A_1344 = arith.addf %add3A_1337, %mul3A_1343 : vector<16xf32>
      %get3A_1345 = arith.constant 448 : index
      %get3A_1346 = tpu.vector_load %arg12[%get3A_1345] {strides = array<i32>} : memref<512xf32, #tpu.memory_space<vmem>>, vector<16xf32>,
      %get3A_1347 = arith.constant 448 : index
      %get3A_1348 = tpu.vector_load %arg14[%get3A_1347] {strides = array<i32>} : memref<512xf32, #tpu.memory_space<vmem>>, vector<16xf32>,
      %sub3A_1349 = arith.subf %get3A_1346, %get3A_1348 : vector<16xf32>
      %mul3A_1350 = arith.mulf %sub3A_1349, %sub3A_1349 : vector<16xf32>
      %add3A_1351 = arith.addf %add3A_1344, %mul3A_1350 : vector<16xf32>
      %get3A_1352 = arith.constant 464 : index
      %get3A_1353 = tpu.vector_load %arg12[%get3A_1352] {strides = array<i32>} : memref<512xf32, #tpu.memory_space<vmem>>, vector<16xf32>,
      %get3A_1354 = arith.constant 464 : index
      %get3A_1355 = tpu.vector_load %arg14[%get3A_1354] {strides = array<i32>} : memref<512xf32, #tpu.memory_space<vmem>>, vector<16xf32>,
      %sub3A_1356 = arith.subf %get3A_1353, %get3A_1355 : vector<16xf32>
      %mul3A_1357 = arith.mulf %sub3A_1356, %sub3A_1356 : vector<16xf32>
      %add3A_1358 = arith.addf %add3A_1351, %mul3A_1357 : vector<16xf32>
      %get3A_1359 = arith.constant 480 : index
      %get3A_1360 = tpu.vector_load %arg12[%get3A_1359] {strides = array<i32>} : memref<512xf32, #tpu.memory_space<vmem>>, vector<16xf32>,
      %get3A_1361 = arith.constant 480 : index
      %get3A_1362 = tpu.vector_load %arg14[%get3A_1361] {strides = array<i32>} : memref<512xf32, #tpu.memory_space<vmem>>, vector<16xf32>,
      %sub3A_1363 = arith.subf %get3A_1360, %get3A_1362 : vector<16xf32>
      %mul3A_1364 = arith.mulf %sub3A_1363, %sub3A_1363 : vector<16xf32>
      %add3A_1365 = arith.addf %add3A_1358, %mul3A_1364 : vector<16xf32>
      %get3A_1366 = arith.constant 496 : index
      %get3A_1367 = tpu.vector_load %arg12[%get3A_1366] {strides = array<i32>} : memref<512xf32, #tpu.memory_space<vmem>>, vector<16xf32>,
      %get3A_1368 = arith.constant 496 : index
      %get3A_1369 = tpu.vector_load %arg14[%get3A_1368] {strides = array<i32>} : memref<512xf32, #tpu.memory_space<vmem>>, vector<16xf32>,
      %sub3A_1370 = arith.subf %get3A_1367, %get3A_1369 : vector<16xf32>
      %mul3A_1371 = arith.mulf %sub3A_1370, %sub3A_1370 : vector<16xf32>
      %add3A_1372 = arith.addf %add3A_1365, %mul3A_1371 : vector<16xf32>
      %get3A_1373 = arith.constant 0 : index
      %get3A_1374 = tpu.vector_load %arg13[%get3A_1373] {strides = array<i32>} : memref<512xf32, #tpu.memory_space<vmem>>, vector<16xf32>,
      %get3A_1375 = arith.constant 0 : index
      %get3A_1376 = tpu.vector_load %arg15[%get3A_1375] {strides = array<i32>} : memref<512xf32, #tpu.memory_space<vmem>>, vector<16xf32>,
      %sub3A_1377 = arith.subf %get3A_1374, %get3A_1376 : vector<16xf32>
      %mul3A_1378 = arith.mulf %sub3A_1377, %sub3A_1377 : vector<16xf32>
      %add3A_1379 = arith.addf %add3A_1372, %mul3A_1378 : vector<16xf32>
      %get3A_1380 = arith.constant 16 : index
      %get3A_1381 = tpu.vector_load %arg13[%get3A_1380] {strides = array<i32>} : memref<512xf32, #tpu.memory_space<vmem>>, vector<16xf32>,
      %get3A_1382 = arith.constant 16 : index
      %get3A_1383 = tpu.vector_load %arg15[%get3A_1382] {strides = array<i32>} : memref<512xf32, #tpu.memory_space<vmem>>, vector<16xf32>,
      %sub3A_1384 = arith.subf %get3A_1381, %get3A_1383 : vector<16xf32>
      %mul3A_1385 = arith.mulf %sub3A_1384, %sub3A_1384 : vector<16xf32>
      %add3A_1386 = arith.addf %add3A_1379, %mul3A_1385 : vector<16xf32>
      %get3A_1387 = arith.constant 32 : index
      %get3A_1388 = tpu.vector_load %arg13[%get3A_1387] {strides = array<i32>} : memref<512xf32, #tpu.memory_space<vmem>>, vector<16xf32>,
      %get3A_1389 = arith.constant 32 : index
      %get3A_1390 = tpu.vector_load %arg15[%get3A_1389] {strides = array<i32>} : memref<512xf32, #tpu.memory_space<vmem>>, vector<16xf32>,
      %sub3A_1391 = arith.subf %get3A_1388, %get3A_1390 : vector<16xf32>
      %mul3A_1392 = arith.mulf %sub3A_1391, %sub3A_1391 : vector<16xf32>
      %add3A_1393 = arith.addf %add3A_1386, %mul3A_1392 : vector<16xf32>
      %get3A_1394 = arith.constant 48 : index
      %get3A_1395 = tpu.vector_load %arg13[%get3A_1394] {strides = array<i32>} : memref<512xf32, #tpu.memory_space<vmem>>, vector<16xf32>,
      %get3A_1396 = arith.constant 48 : index
      %get3A_1397 = tpu.vector_load %arg15[%get3A_1396] {strides = array<i32>} : memref<512xf32, #tpu.memory_space<vmem>>, vector<16xf32>,
      %sub3A_1398 = arith.subf %get3A_1395, %get3A_1397 : vector<16xf32>
      %mul3A_1399 = arith.mulf %sub3A_1398, %sub3A_1398 : vector<16xf32>
      %add3A_1400 = arith.addf %add3A_1393, %mul3A_1399 : vector<16xf32>
      %get3A_1401 = arith.constant 64 : index
      %get3A_1402 = tpu.vector_load %arg13[%get3A_1401] {strides = array<i32>} : memref<512xf32, #tpu.memory_space<vmem>>, vector<16xf32>,
      %get3A_1403 = arith.constant 64 : index
      %get3A_1404 = tpu.vector_load %arg15[%get3A_1403] {strides = array<i32>} : memref<512xf32, #tpu.memory_space<vmem>>, vector<16xf32>,
      %sub3A_1405 = arith.subf %get3A_1402, %get3A_1404 : vector<16xf32>
      %mul3A_1406 = arith.mulf %sub3A_1405, %sub3A_1405 : vector<16xf32>
      %add3A_1407 = arith.addf %add3A_1400, %mul3A_1406 : vector<16xf32>
      %get3A_1408 = arith.constant 80 : index
      %get3A_1409 = tpu.vector_load %arg13[%get3A_1408] {strides = array<i32>} : memref<512xf32, #tpu.memory_space<vmem>>, vector<16xf32>,
      %get3A_1410 = arith.constant 80 : index
      %get3A_1411 = tpu.vector_load %arg15[%get3A_1410] {strides = array<i32>} : memref<512xf32, #tpu.memory_space<vmem>>, vector<16xf32>,
      %sub3A_1412 = arith.subf %get3A_1409, %get3A_1411 : vector<16xf32>
      %mul3A_1413 = arith.mulf %sub3A_1412, %sub3A_1412 : vector<16xf32>
      %add3A_1414 = arith.addf %add3A_1407, %mul3A_1413 : vector<16xf32>
      %get3A_1415 = arith.constant 96 : index
      %get3A_1416 = tpu.vector_load %arg13[%get3A_1415] {strides = array<i32>} : memref<512xf32, #tpu.memory_space<vmem>>, vector<16xf32>,
      %get3A_1417 = arith.constant 96 : index
      %get3A_1418 = tpu.vector_load %arg15[%get3A_1417] {strides = array<i32>} : memref<512xf32, #tpu.memory_space<vmem>>, vector<16xf32>,
      %sub3A_1419 = arith.subf %get3A_1416, %get3A_1418 : vector<16xf32>
      %mul3A_1420 = arith.mulf %sub3A_1419, %sub3A_1419 : vector<16xf32>
      %add3A_1421 = arith.addf %add3A_1414, %mul3A_1420 : vector<16xf32>
      %get3A_1422 = arith.constant 112 : index
      %get3A_1423 = tpu.vector_load %arg13[%get3A_1422] {strides = array<i32>} : memref<512xf32, #tpu.memory_space<vmem>>, vector<16xf32>,
      %get3A_1424 = arith.constant 112 : index
      %get3A_1425 = tpu.vector_load %arg15[%get3A_1424] {strides = array<i32>} : memref<512xf32, #tpu.memory_space<vmem>>, vector<16xf32>,
      %sub3A_1426 = arith.subf %get3A_1423, %get3A_1425 : vector<16xf32>
      %mul3A_1427 = arith.mulf %sub3A_1426, %sub3A_1426 : vector<16xf32>
      %add3A_1428 = arith.addf %add3A_1421, %mul3A_1427 : vector<16xf32>
      %get3A_1429 = arith.constant 128 : index
      %get3A_1430 = tpu.vector_load %arg13[%get3A_1429] {strides = array<i32>} : memref<512xf32, #tpu.memory_space<vmem>>, vector<16xf32>,
      %get3A_1431 = arith.constant 128 : index
      %get3A_1432 = tpu.vector_load %arg15[%get3A_1431] {strides = array<i32>} : memref<512xf32, #tpu.memory_space<vmem>>, vector<16xf32>,
      %sub3A_1433 = arith.subf %get3A_1430, %get3A_1432 : vector<16xf32>
      %mul3A_1434 = arith.mulf %sub3A_1433, %sub3A_1433 : vector<16xf32>
      %add3A_1435 = arith.addf %add3A_1428, %mul3A_1434 : vector<16xf32>
      %get3A_1436 = arith.constant 144 : index
      %get3A_1437 = tpu.vector_load %arg13[%get3A_1436] {strides = array<i32>} : memref<512xf32, #tpu.memory_space<vmem>>, vector<16xf32>,
      %get3A_1438 = arith.constant 144 : index
      %get3A_1439 = tpu.vector_load %arg15[%get3A_1438] {strides = array<i32>} : memref<512xf32, #tpu.memory_space<vmem>>, vector<16xf32>,
      %sub3A_1440 = arith.subf %get3A_1437, %get3A_1439 : vector<16xf32>
      %mul3A_1441 = arith.mulf %sub3A_1440, %sub3A_1440 : vector<16xf32>
      %add3A_1442 = arith.addf %add3A_1435, %mul3A_1441 : vector<16xf32>
      %get3A_1443 = arith.constant 160 : index
      %get3A_1444 = tpu.vector_load %arg13[%get3A_1443] {strides = array<i32>} : memref<512xf32, #tpu.memory_space<vmem>>, vector<16xf32>,
      %get3A_1445 = arith.constant 160 : index
      %get3A_1446 = tpu.vector_load %arg15[%get3A_1445] {strides = array<i32>} : memref<512xf32, #tpu.memory_space<vmem>>, vector<16xf32>,
      %sub3A_1447 = arith.subf %get3A_1444, %get3A_1446 : vector<16xf32>
      %mul3A_1448 = arith.mulf %sub3A_1447, %sub3A_1447 : vector<16xf32>
      %add3A_1449 = arith.addf %add3A_1442, %mul3A_1448 : vector<16xf32>
      %get3A_1450 = arith.constant 176 : index
      %get3A_1451 = tpu.vector_load %arg13[%get3A_1450] {strides = array<i32>} : memref<512xf32, #tpu.memory_space<vmem>>, vector<16xf32>,
      %get3A_1452 = arith.constant 176 : index
      %get3A_1453 = tpu.vector_load %arg15[%get3A_1452] {strides = array<i32>} : memref<512xf32, #tpu.memory_space<vmem>>, vector<16xf32>,
      %sub3A_1454 = arith.subf %get3A_1451, %get3A_1453 : vector<16xf32>
      %mul3A_1455 = arith.mulf %sub3A_1454, %sub3A_1454 : vector<16xf32>
      %add3A_1456 = arith.addf %add3A_1449, %mul3A_1455 : vector<16xf32>
      %get3A_1457 = arith.constant 192 : index
      %get3A_1458 = tpu.vector_load %arg13[%get3A_1457] {strides = array<i32>} : memref<512xf32, #tpu.memory_space<vmem>>, vector<16xf32>,
      %get3A_1459 = arith.constant 192 : index
      %get3A_1460 = tpu.vector_load %arg15[%get3A_1459] {strides = array<i32>} : memref<512xf32, #tpu.memory_space<vmem>>, vector<16xf32>,
      %sub3A_1461 = arith.subf %get3A_1458, %get3A_1460 : vector<16xf32>
      %mul3A_1462 = arith.mulf %sub3A_1461, %sub3A_1461 : vector<16xf32>
      %add3A_1463 = arith.addf %add3A_1456, %mul3A_1462 : vector<16xf32>
      %get3A_1464 = arith.constant 208 : index
      %get3A_1465 = tpu.vector_load %arg13[%get3A_1464] {strides = array<i32>} : memref<512xf32, #tpu.memory_space<vmem>>, vector<16xf32>,
      %get3A_1466 = arith.constant 208 : index
      %get3A_1467 = tpu.vector_load %arg15[%get3A_1466] {strides = array<i32>} : memref<512xf32, #tpu.memory_space<vmem>>, vector<16xf32>,
      %sub3A_1468 = arith.subf %get3A_1465, %get3A_1467 : vector<16xf32>
      %mul3A_1469 = arith.mulf %sub3A_1468, %sub3A_1468 : vector<16xf32>
      %add3A_1470 = arith.addf %add3A_1463, %mul3A_1469 : vector<16xf32>
      %get3A_1471 = arith.constant 224 : index
      %get3A_1472 = tpu.vector_load %arg13[%get3A_1471] {strides = array<i32>} : memref<512xf32, #tpu.memory_space<vmem>>, vector<16xf32>,
      %get3A_1473 = arith.constant 224 : index
      %get3A_1474 = tpu.vector_load %arg15[%get3A_1473] {strides = array<i32>} : memref<512xf32, #tpu.memory_space<vmem>>, vector<16xf32>,
      %sub3A_1475 = arith.subf %get3A_1472, %get3A_1474 : vector<16xf32>
      %mul3A_1476 = arith.mulf %sub3A_1475, %sub3A_1475 : vector<16xf32>
      %add3A_1477 = arith.addf %add3A_1470, %mul3A_1476 : vector<16xf32>
      %get3A_1478 = arith.constant 240 : index
      %get3A_1479 = tpu.vector_load %arg13[%get3A_1478] {strides = array<i32>} : memref<512xf32, #tpu.memory_space<vmem>>, vector<16xf32>,
      %get3A_1480 = arith.constant 240 : index
      %get3A_1481 = tpu.vector_load %arg15[%get3A_1480] {strides = array<i32>} : memref<512xf32, #tpu.memory_space<vmem>>, vector<16xf32>,
      %sub3A_1482 = arith.subf %get3A_1479, %get3A_1481 : vector<16xf32>
      %mul3A_1483 = arith.mulf %sub3A_1482, %sub3A_1482 : vector<16xf32>
      %add3A_1484 = arith.addf %add3A_1477, %mul3A_1483 : vector<16xf32>
      %get3A_1485 = arith.constant 256 : index
      %get3A_1486 = tpu.vector_load %arg13[%get3A_1485] {strides = array<i32>} : memref<512xf32, #tpu.memory_space<vmem>>, vector<16xf32>,
      %get3A_1487 = arith.constant 256 : index
      %get3A_1488 = tpu.vector_load %arg15[%get3A_1487] {strides = array<i32>} : memref<512xf32, #tpu.memory_space<vmem>>, vector<16xf32>,
      %sub3A_1489 = arith.subf %get3A_1486, %get3A_1488 : vector<16xf32>
      %mul3A_1490 = arith.mulf %sub3A_1489, %sub3A_1489 : vector<16xf32>
      %add3A_1491 = arith.addf %add3A_1484, %mul3A_1490 : vector<16xf32>
      %get3A_1492 = arith.constant 272 : index
      %get3A_1493 = tpu.vector_load %arg13[%get3A_1492] {strides = array<i32>} : memref<512xf32, #tpu.memory_space<vmem>>, vector<16xf32>,
      %get3A_1494 = arith.constant 272 : index
      %get3A_1495 = tpu.vector_load %arg15[%get3A_1494] {strides = array<i32>} : memref<512xf32, #tpu.memory_space<vmem>>, vector<16xf32>,
      %sub3A_1496 = arith.subf %get3A_1493, %get3A_1495 : vector<16xf32>
      %mul3A_1497 = arith.mulf %sub3A_1496, %sub3A_1496 : vector<16xf32>
      %add3A_1498 = arith.addf %add3A_1491, %mul3A_1497 : vector<16xf32>
      %get3A_1499 = arith.constant 288 : index
      %get3A_1500 = tpu.vector_load %arg13[%get3A_1499] {strides = array<i32>} : memref<512xf32, #tpu.memory_space<vmem>>, vector<16xf32>,
      %get3A_1501 = arith.constant 288 : index
      %get3A_1502 = tpu.vector_load %arg15[%get3A_1501] {strides = array<i32>} : memref<512xf32, #tpu.memory_space<vmem>>, vector<16xf32>,
      %sub3A_1503 = arith.subf %get3A_1500, %get3A_1502 : vector<16xf32>
      %mul3A_1504 = arith.mulf %sub3A_1503, %sub3A_1503 : vector<16xf32>
      %add3A_1505 = arith.addf %add3A_1498, %mul3A_1504 : vector<16xf32>
      %get3A_1506 = arith.constant 304 : index
      %get3A_1507 = tpu.vector_load %arg13[%get3A_1506] {strides = array<i32>} : memref<512xf32, #tpu.memory_space<vmem>>, vector<16xf32>,
      %get3A_1508 = arith.constant 304 : index
      %get3A_1509 = tpu.vector_load %arg15[%get3A_1508] {strides = array<i32>} : memref<512xf32, #tpu.memory_space<vmem>>, vector<16xf32>,
      %sub3A_1510 = arith.subf %get3A_1507, %get3A_1509 : vector<16xf32>
      %mul3A_1511 = arith.mulf %sub3A_1510, %sub3A_1510 : vector<16xf32>
      %add3A_1512 = arith.addf %add3A_1505, %mul3A_1511 : vector<16xf32>
      %get3A_1513 = arith.constant 320 : index
      %get3A_1514 = tpu.vector_load %arg13[%get3A_1513] {strides = array<i32>} : memref<512xf32, #tpu.memory_space<vmem>>, vector<16xf32>,
      %get3A_1515 = arith.constant 320 : index
      %get3A_1516 = tpu.vector_load %arg15[%get3A_1515] {strides = array<i32>} : memref<512xf32, #tpu.memory_space<vmem>>, vector<16xf32>,
      %sub3A_1517 = arith.subf %get3A_1514, %get3A_1516 : vector<16xf32>
      %mul3A_1518 = arith.mulf %sub3A_1517, %sub3A_1517 : vector<16xf32>
      %add3A_1519 = arith.addf %add3A_1512, %mul3A_1518 : vector<16xf32>
      %get3A_1520 = arith.constant 336 : index
      %get3A_1521 = tpu.vector_load %arg13[%get3A_1520] {strides = array<i32>} : memref<512xf32, #tpu.memory_space<vmem>>, vector<16xf32>,
      %get3A_1522 = arith.constant 336 : index
      %get3A_1523 = tpu.vector_load %arg15[%get3A_1522] {strides = array<i32>} : memref<512xf32, #tpu.memory_space<vmem>>, vector<16xf32>,
      %sub3A_1524 = arith.subf %get3A_1521, %get3A_1523 : vector<16xf32>
      %mul3A_1525 = arith.mulf %sub3A_1524, %sub3A_1524 : vector<16xf32>
      %add3A_1526 = arith.addf %add3A_1519, %mul3A_1525 : vector<16xf32>
      %get3A_1527 = arith.constant 352 : index
      %get3A_1528 = tpu.vector_load %arg13[%get3A_1527] {strides = array<i32>} : memref<512xf32, #tpu.memory_space<vmem>>, vector<16xf32>,
      %get3A_1529 = arith.constant 352 : index
      %get3A_1530 = tpu.vector_load %arg15[%get3A_1529] {strides = array<i32>} : memref<512xf32, #tpu.memory_space<vmem>>, vector<16xf32>,
      %sub3A_1531 = arith.subf %get3A_1528, %get3A_1530 : vector<16xf32>
      %mul3A_1532 = arith.mulf %sub3A_1531, %sub3A_1531 : vector<16xf32>
      %add3A_1533 = arith.addf %add3A_1526, %mul3A_1532 : vector<16xf32>
      %get3A_1534 = arith.constant 368 : index
      %get3A_1535 = tpu.vector_load %arg13[%get3A_1534] {strides = array<i32>} : memref<512xf32, #tpu.memory_space<vmem>>, vector<16xf32>,
      %get3A_1536 = arith.constant 368 : index
      %get3A_1537 = tpu.vector_load %arg15[%get3A_1536] {strides = array<i32>} : memref<512xf32, #tpu.memory_space<vmem>>, vector<16xf32>,
      %sub3A_1538 = arith.subf %get3A_1535, %get3A_1537 : vector<16xf32>
      %mul3A_1539 = arith.mulf %sub3A_1538, %sub3A_1538 : vector<16xf32>
      %add3A_1540 = arith.addf %add3A_1533, %mul3A_1539 : vector<16xf32>
      %get3A_1541 = arith.constant 384 : index
      %get3A_1542 = tpu.vector_load %arg13[%get3A_1541] {strides = array<i32>} : memref<512xf32, #tpu.memory_space<vmem>>, vector<16xf32>,
      %get3A_1543 = arith.constant 384 : index
      %get3A_1544 = tpu.vector_load %arg15[%get3A_1543] {strides = array<i32>} : memref<512xf32, #tpu.memory_space<vmem>>, vector<16xf32>,
      %sub3A_1545 = arith.subf %get3A_1542, %get3A_1544 : vector<16xf32>
      %mul3A_1546 = arith.mulf %sub3A_1545, %sub3A_1545 : vector<16xf32>
      %add3A_1547 = arith.addf %add3A_1540, %mul3A_1546 : vector<16xf32>
      %get3A_1548 = arith.constant 400 : index
      %get3A_1549 = tpu.vector_load %arg13[%get3A_1548] {strides = array<i32>} : memref<512xf32, #tpu.memory_space<vmem>>, vector<16xf32>,
      %get3A_1550 = arith.constant 400 : index
      %get3A_1551 = tpu.vector_load %arg15[%get3A_1550] {strides = array<i32>} : memref<512xf32, #tpu.memory_space<vmem>>, vector<16xf32>,
      %sub3A_1552 = arith.subf %get3A_1549, %get3A_1551 : vector<16xf32>
      %mul3A_1553 = arith.mulf %sub3A_1552, %sub3A_1552 : vector<16xf32>
      %add3A_1554 = arith.addf %add3A_1547, %mul3A_1553 : vector<16xf32>
      %get3A_1555 = arith.constant 416 : index
      %get3A_1556 = tpu.vector_load %arg13[%get3A_1555] {strides = array<i32>} : memref<512xf32, #tpu.memory_space<vmem>>, vector<16xf32>,
      %get3A_1557 = arith.constant 416 : index
      %get3A_1558 = tpu.vector_load %arg15[%get3A_1557] {strides = array<i32>} : memref<512xf32, #tpu.memory_space<vmem>>, vector<16xf32>,
      %sub3A_1559 = arith.subf %get3A_1556, %get3A_1558 : vector<16xf32>
      %mul3A_1560 = arith.mulf %sub3A_1559, %sub3A_1559 : vector<16xf32>
      %add3A_1561 = arith.addf %add3A_1554, %mul3A_1560 : vector<16xf32>
      %get3A_1562 = arith.constant 432 : index
      %get3A_1563 = tpu.vector_load %arg13[%get3A_1562] {strides = array<i32>} : memref<512xf32, #tpu.memory_space<vmem>>, vector<16xf32>,
      %get3A_1564 = arith.constant 432 : index
      %get3A_1565 = tpu.vector_load %arg15[%get3A_1564] {strides = array<i32>} : memref<512xf32, #tpu.memory_space<vmem>>, vector<16xf32>,
      %sub3A_1566 = arith.subf %get3A_1563, %get3A_1565 : vector<16xf32>
      %mul3A_1567 = arith.mulf %sub3A_1566, %sub3A_1566 : vector<16xf32>
      %add3A_1568 = arith.addf %add3A_1561, %mul3A_1567 : vector<16xf32>
      %get3A_1569 = arith.constant 448 : index
      %get3A_1570 = tpu.vector_load %arg13[%get3A_1569] {strides = array<i32>} : memref<512xf32, #tpu.memory_space<vmem>>, vector<16xf32>,
      %get3A_1571 = arith.constant 448 : index
      %get3A_1572 = tpu.vector_load %arg15[%get3A_1571] {strides = array<i32>} : memref<512xf32, #tpu.memory_space<vmem>>, vector<16xf32>,
      %sub3A_1573 = arith.subf %get3A_1570, %get3A_1572 : vector<16xf32>
      %mul3A_1574 = arith.mulf %sub3A_1573, %sub3A_1573 : vector<16xf32>
      %add3A_1575 = arith.addf %add3A_1568, %mul3A_1574 : vector<16xf32>
      %get3A_1576 = arith.constant 464 : index
      %get3A_1577 = tpu.vector_load %arg13[%get3A_1576] {strides = array<i32>} : memref<512xf32, #tpu.memory_space<vmem>>, vector<16xf32>,
      %get3A_1578 = arith.constant 464 : index
      %get3A_1579 = tpu.vector_load %arg15[%get3A_1578] {strides = array<i32>} : memref<512xf32, #tpu.memory_space<vmem>>, vector<16xf32>,
      %sub3A_1580 = arith.subf %get3A_1577, %get3A_1579 : vector<16xf32>
      %mul3A_1581 = arith.mulf %sub3A_1580, %sub3A_1580 : vector<16xf32>
      %add3A_1582 = arith.addf %add3A_1575, %mul3A_1581 : vector<16xf32>
      %get3A_1583 = arith.constant 480 : index
      %get3A_1584 = tpu.vector_load %arg13[%get3A_1583] {strides = array<i32>} : memref<512xf32, #tpu.memory_space<vmem>>, vector<16xf32>,
      %get3A_1585 = arith.constant 480 : index
      %get3A_1586 = tpu.vector_load %arg15[%get3A_1585] {strides = array<i32>} : memref<512xf32, #tpu.memory_space<vmem>>, vector<16xf32>,
      %sub3A_1587 = arith.subf %get3A_1584, %get3A_1586 : vector<16xf32>
      %mul3A_1588 = arith.mulf %sub3A_1587, %sub3A_1587 : vector<16xf32>
      %add3A_1589 = arith.addf %add3A_1582, %mul3A_1588 : vector<16xf32>
      %get3A_1590 = arith.constant 496 : index
      %get3A_1591 = tpu.vector_load %arg13[%get3A_1590] {strides = array<i32>} : memref<512xf32, #tpu.memory_space<vmem>>, vector<16xf32>,
      %get3A_1592 = arith.constant 496 : index
      %get3A_1593 = tpu.vector_load %arg15[%get3A_1592] {strides = array<i32>} : memref<512xf32, #tpu.memory_space<vmem>>, vector<16xf32>,
      %sub3A_1594 = arith.subf %get3A_1591, %get3A_1593 : vector<16xf32>
      %mul3A_1595 = arith.mulf %sub3A_1594, %sub3A_1594 : vector<16xf32>
      %add3A_1596 = arith.addf %add3A_1589, %mul3A_1595 : vector<16xf32>
      %swap3A_1597 = arith.constant 0 : index
      %swap3A_1598 = tpu.vector_load %arg18[%swap3A_1597] {strides = array<i32>} : memref<16xf32, #tpu.memory_space<vmem>>, vector<16xf32>,
      tpu.vector_store %arg18[%swap3A_1597], %add3A_1596 {strides = array<i32>} : memref<16xf32, #tpu.memory_space<vmem>>, vector<16xf32>,
      %mul3A_1599 = arith.constant 16 : i32
      %mul3A_1600 = arith.muli %add3A, %mul3A_1599 : i32
      %dma_start3A_1601 = tpu.memref_slice %arg8[%mul3A_1600] : memref<128xf32, #tpu.memory_space<hbm>> -> memref<16xf32, #tpu.memory_space<hbm>>
      %dma_start3A_1602 = tpu.memref_slice %arg8[%mul3A_1600] : memref<128xf32, #tpu.memory_space<hbm>> -> memref<16xf32, #tpu.memory_space<hbm>>
      tpu.enqueue_dma source(%arg18 : memref<16xf32, #tpu.memory_space<vmem>>) target(%dma_start3A_1602 : memref<16xf32, #tpu.memory_space<hbm>>) target_semaphore(%arg19 : memref<!tpu.dma_semaphore, #tpu.memory_space<semaphore_mem>>)
      %dma_wait3A_1603 = tpu.memref_slice %arg8[%mul3A_1600] : memref<128xf32, #tpu.memory_space<hbm>> -> memref<16xf32, #tpu.memory_space<hbm>>
      %dma_wait3A_1604 = tpu.memref_slice %arg8[%mul3A_1600] : memref<128xf32, #tpu.memory_space<hbm>> -> memref<16xf32, #tpu.memory_space<hbm>>
      tpu.wait_dma2 semaphore(%arg19 : memref<!tpu.dma_semaphore, #tpu.memory_space<semaphore_mem>>) src(%arg18 : memref<16xf32, #tpu.memory_space<vmem>>) dst(%dma_wait3A_1604 : memref<16xf32, #tpu.memory_space<hbm>>)
      %dma_wait3A_1605 = arith.constant 0 : i32
      %dma_wait3A_1606 = tpu.memref_slice %arg7[%dma_wait3A_1605] : memref<131072xf32, #tpu.memory_space<hbm>> -> memref<131072xf32, #tpu.memory_space<hbm>>
      tpu.wait_indirect_dma semaphore(%arg20 : memref<!tpu.dma_semaphore, #tpu.memory_space<semaphore_mem>>) src(%arg16 : memref<512xf32, #tpu.memory_space<vmem>>) dst(%dma_wait3A_1606 : memref<131072xf32, #tpu.memory_space<hbm>>)
    } else {
    }
    return
  }
}

module attributes {stable_mosaic.version = 14 : i64} {
  func.func @_tc_body(%arg0: i32, %arg1: memref<128x128xf32, #tpu.memory_space<vmem>>, %arg2: memref<128x128xf32, #tpu.memory_space<vmem>>, %arg3: memref<128x128xf32, #tpu.memory_space<vmem>>, %arg4: memref<1x128xf32, #tpu.memory_space<vmem>>, %arg5: memref<2xf32, #tpu.memory_space<smem>>, %arg6: memref<2xf32, #tpu.memory_space<smem>>) attributes {dimension_semantics = [#tpu.dimension_semantics<arbitrary>], iteration_bounds = array<i64: 8>, scalar_prefetch = 0 : i64, scratch_operands = 1 : i64, tpu.core_type = #tpu.core_type<tc>, window_params = [{transform_indices = @transform_0, window_bounds = array<i64: 128, 128>}, {transform_indices = @transform_1, window_bounds = array<i64: 128, 128>}, {transform_indices = @transform_2, window_bounds = array<i64: 128, 128>}, {pipeline_mode = #tpu.pipeline_mode<synchronous>, transform_indices = @transform_3, window_bounds = array<i64: 1, 128>}, {transform_indices = @transform_4, window_bounds = array<i64: 2>}]} {
    %eq3A = arith.constant 0 : i32
    %eq3A_0 = arith.cmpi eq, %arg0, %eq3A : i32
    %convert_element_type3A = arith.extui %eq3A_0 : i1 to i32
    %cond3A = arith.constant 0 : i32
    %cond3A_1 = arith.cmpi ne, %convert_element_type3A, %cond3A : i32
    scf.if %cond3A_1 {
      %swap3A_41 = arith.constant 0.000000e+00 : f32
      %swap3A_42 = arith.constant 0 : index
      %swap3A_43 = memref.load %arg6[%swap3A_42] : memref<2xf32, #tpu.memory_space<smem>>
      memref.store %swap3A_41, %arg6[%swap3A_42] : memref<2xf32, #tpu.memory_space<smem>>
      %swap3A_44 = arith.constant 0.000000e+00 : f32
      %swap3A_45 = arith.constant 1 : index
      %swap3A_46 = memref.load %arg6[%swap3A_45] : memref<2xf32, #tpu.memory_space<smem>>
      memref.store %swap3A_44, %arg6[%swap3A_45] : memref<2xf32, #tpu.memory_space<smem>>
    } else {
    }
    %get3A = arith.constant 0 : index
    %get3A_2 = arith.constant 0 : index
    %get3A_3 = vector.load %arg1[%get3A, %get3A_2] : memref<128x128xf32, #tpu.memory_space<vmem>>, vector<128x128xf32>
    %get3A_4 = arith.constant 0 : index
    %get3A_5 = arith.constant 0 : index
    %get3A_6 = vector.load %arg2[%get3A_4, %get3A_5] : memref<128x128xf32, #tpu.memory_space<vmem>>, vector<128x128xf32>
    %get3A_7 = arith.constant 0 : index
    %get3A_8 = arith.constant 0 : index
    %get3A_9 = vector.load %arg3[%get3A_7, %get3A_8] : memref<128x128xf32, #tpu.memory_space<vmem>>, vector<128x128xf32>
    %max3A = arith.maximumf %get3A_3, %get3A_6 : vector<128x128xf32>
    %sub3A = arith.subf %get3A_3, %get3A_6 : vector<128x128xf32>
    %abs3A = math.absf %sub3A : vector<128x128xf32>
    %neg3A = arith.constant 0.000000e+00 : f32
    %neg3A_10 = vector.broadcast %neg3A : f32 to vector<128x128xf32>
    %neg3A_11 = arith.subf %neg3A_10, %abs3A : vector<128x128xf32>
    %exp3A = math.exp %neg3A_11 : vector<128x128xf32>
    %log1p3A = math.log1p %exp3A : vector<128x128xf32>
    %add3A = arith.addf %max3A, %log1p3A : vector<128x128xf32>
    %gt3A = arith.constant 0.000000e+00 : f32
    %gt3A_12 = vector.broadcast %gt3A : f32 to vector<128x128xf32>
    %gt3A_13 = arith.cmpf ogt, %get3A_9, %gt3A_12 : vector<128x128xf32>
    %sub3A_14 = arith.subf %get3A_6, %add3A : vector<128x128xf32>
    %sub3A_15 = arith.subf %get3A_3, %add3A : vector<128x128xf32>
    %mul3A = arith.constant 5.000000e-01 : f32
    %mul3A_16 = vector.broadcast %mul3A : f32 to vector<128x128xf32>
    %mul3A_17 = arith.mulf %mul3A_16, %sub3A_15 : vector<128x128xf32>
    %select_n3A = arith.select %gt3A_13, %sub3A_14, %mul3A_17 : vector<128x128xi1>, vector<128x128xf32>
    %get3A_18 = arith.constant 0 : index
    %get3A_19 = memref.load %arg6[%get3A_18] : memref<2xf32, #tpu.memory_space<smem>>
    %reduce_sum3A = vector.shape_cast %select_n3A : vector<128x128xf32> to vector<1x128x128xf32>
    %reduce_sum3A_20 = arith.constant dense<0.000000e+00> : vector<1xf32>
    %reduce_sum3A_21 = vector.multi_reduction <add>, %reduce_sum3A, %reduce_sum3A_20 [1, 2] : vector<1x128x128xf32> to vector<1xf32>
    %reduce_sum3A_22 = vector.shape_cast %reduce_sum3A_21 : vector<1xf32> to vector<1x1x1xf32>
    %reduce_sum3A_23 = vector.extract %reduce_sum3A_22[0, 0, 0] : f32 from vector<1x1x1xf32>
    %add3A_24 = arith.addf %get3A_19, %reduce_sum3A_23 : f32
    %swap3A = arith.constant 0 : index
    %swap3A_25 = memref.load %arg6[%swap3A] : memref<2xf32, #tpu.memory_space<smem>>
    memref.store %add3A_24, %arg6[%swap3A] : memref<2xf32, #tpu.memory_space<smem>>
    %get3A_26 = arith.constant 1 : index
    %get3A_27 = memref.load %arg6[%get3A_26] : memref<2xf32, #tpu.memory_space<smem>>
    %reduce_sum3A_28 = vector.shape_cast %get3A_9 : vector<128x128xf32> to vector<1x128x128xf32>
    %reduce_sum3A_29 = arith.constant dense<0.000000e+00> : vector<1xf32>
    %reduce_sum3A_30 = vector.multi_reduction <add>, %reduce_sum3A_28, %reduce_sum3A_29 [1, 2] : vector<1x128x128xf32> to vector<1xf32>
    %reduce_sum3A_31 = vector.shape_cast %reduce_sum3A_30 : vector<1xf32> to vector<1x1x1xf32>
    %reduce_sum3A_32 = vector.extract %reduce_sum3A_31[0, 0, 0] : f32 from vector<1x1x1xf32>
    %add3A_33 = arith.addf %get3A_27, %reduce_sum3A_32 : f32
    %swap3A_34 = arith.constant 1 : index
    %swap3A_35 = memref.load %arg6[%swap3A_34] : memref<2xf32, #tpu.memory_space<smem>>
    memref.store %add3A_33, %arg6[%swap3A_34] : memref<2xf32, #tpu.memory_space<smem>>
    %eq3A_36 = arith.constant 7 : i32
    %eq3A_37 = arith.cmpi eq, %arg0, %eq3A_36 : i32
    %convert_element_type3A_38 = arith.extui %eq3A_37 : i1 to i32
    %cond3A_39 = arith.constant 0 : i32
    %cond3A_40 = arith.cmpi ne, %convert_element_type3A_38, %cond3A_39 : i32
    scf.if %cond3A_40 {
      %get3A_41 = arith.constant 0 : index
      %get3A_42 = memref.load %arg6[%get3A_41] : memref<2xf32, #tpu.memory_space<smem>>
      %get3A_43 = arith.constant 1 : index
      %get3A_44 = memref.load %arg6[%get3A_43] : memref<2xf32, #tpu.memory_space<smem>>
      %mul3A_45 = arith.constant 5.000000e-01 : f32
      %mul3A_46 = arith.mulf %mul3A_45, %get3A_44 : f32
      %add3A_47 = arith.constant 6.553600e+04 : f32
      %add3A_48 = arith.addf %add3A_47, %mul3A_46 : f32
      %neg3A_49 = arith.constant 0.000000e+00 : f32
      %neg3A_50 = arith.subf %neg3A_49, %get3A_42 : f32
      %div3A = arith.divf %neg3A_50, %add3A_48 : f32
      %swap3A_51 = arith.constant 0 : index
      %swap3A_52 = memref.load %arg5[%swap3A_51] : memref<2xf32, #tpu.memory_space<smem>>
      memref.store %div3A, %arg5[%swap3A_51] : memref<2xf32, #tpu.memory_space<smem>>
      %get3A_53 = arith.constant 0 : index
      %get3A_54 = arith.constant 0 : index
      %get3A_55 = vector.load %arg4[%get3A_53, %get3A_54] : memref<1x128xf32, #tpu.memory_space<vmem>>, vector<1x128xf32>
      %reduce_sum3A_56 = vector.shape_cast %get3A_55 : vector<1x128xf32> to vector<1x1x128xf32>
      %reduce_sum3A_57 = arith.constant dense<0.000000e+00> : vector<1xf32>
      %reduce_sum3A_58 = vector.multi_reduction <add>, %reduce_sum3A_56, %reduce_sum3A_57 [1, 2] : vector<1x1x128xf32> to vector<1xf32>
      %reduce_sum3A_59 = vector.shape_cast %reduce_sum3A_58 : vector<1xf32> to vector<1x1x1xf32>
      %reduce_sum3A_60 = vector.extract %reduce_sum3A_59[0, 0, 0] : f32 from vector<1x1x1xf32>
      %div3A_61 = arith.constant 4.096000e+03 : f32
      %div3A_62 = arith.divf %reduce_sum3A_60, %div3A_61 : f32
      %swap3A_63 = arith.constant 1 : index
      %swap3A_64 = memref.load %arg5[%swap3A_63] : memref<2xf32, #tpu.memory_space<smem>>
      memref.store %div3A_62, %arg5[%swap3A_63] : memref<2xf32, #tpu.memory_space<smem>>
    } else {
    }
    return
  }
  func.func @transform_0(%arg0: i32) -> (i32, i32) {
    %c0_i32 = arith.constant 0 : i32
    %c0_i32_0 = arith.constant 0 : i32
    return %arg0, %c0_i32 : i32, i32
  }
  func.func @transform_1(%arg0: i32) -> (i32, i32) {
    %c0_i32 = arith.constant 0 : i32
    %c0_i32_0 = arith.constant 0 : i32
    return %arg0, %c0_i32 : i32, i32
  }
  func.func @transform_2(%arg0: i32) -> (i32, i32) {
    %c0_i32 = arith.constant 0 : i32
    %c0_i32_0 = arith.constant 0 : i32
    return %arg0, %c0_i32 : i32, i32
  }
  func.func @transform_3(%arg0: i32) -> (i32, i32) {
    %c0_i32 = arith.constant 0 : i32
    %c0_i32_0 = arith.constant 0 : i32
    %c0_i32_1 = arith.constant 0 : i32
    return %c0_i32, %c0_i32_0 : i32, i32
  }
  func.func @transform_4(%arg0: i32) -> i32 {
    %c0_i32 = arith.constant 0 : i32
    %c0_i32_0 = arith.constant 0 : i32
    return %c0_i32 : i32
  }
}

</mosaic_0001>

<sc_bundles>
// kernel: kernel.4.cloned.1.call-start
scs
__scs_entry_jumppad:
0x0: {  	(pc) =	sbr.rel $0x88, $3  }
0x1: {  	(tag) =	ssettag $0x0;
	lr =	simm.s32 $0x1  }
0x2: {  	[smem:$0x3F9C] =	sst lr;
	_ =	strace $0xD0000000  }
0x3: {  	_ = 	snop  }
0x4: {  	_ = 	snop  }
0x5: {  	_ = 	snop  }
0x6: {  	_ = 	snop  }
0x7: {  	_ = 	snop  }
__scs_overlays_trampoline_lowered:
0x8: {  	[smem:$0x3FAB] =	sst s0  }
0x9: {  	[smem:$0x3FAC] =	sst s1  }
0xa: {  	[smem:$0x3FAD] =	sst s2  }
0xb: {  	[smem:$0x3FAE] =	sst s3  }
0xc: {  	[smem:$0x3FAF] =	sst s4  }
0xd: {  	[smem:$0x3FB0] =	sst s5  }
0xe: {  	[smem:$0x3FB1] =	sst s6  }
0xf: {  	[smem:$0x3FB2] =	sst s7  }
0x10: {  	[smem:$0x3FB3] =	sst s8  }
0x11: {  	[smem:$0x3FB4] =	sst s9;
	s0 =	simm.s32 @!p0 $0x0  }
0x12: {  	s1 =	sld [smem:$0x3F9A];
	s0 =	simm.s32 @p0 $0x1  }
0x13: {  	[smem:$0x3FB5] =	sst s0;
	s0 =	simm.s32 @!p1 $0x0  }
0x14: {  	s2 =	sld [smem:$0x3F99];
	s0 =	simm.s32 @p1 $0x1  }
0x15: {  	[smem:$0x3FB6] =	sst s0;
	s0 =	simm.s32 @!p2 $0x0  }
0x16: {  	s3 =	sld [smem:$0x3FDB];
	s0 =	simm.s32 @p2 $0x1  }
0x17: {  	s4 =	simm.s32 $0x1BF5;
	[smem:$0x3FB8] =	sst s0  }
0x18: {  	s0 =	sld [smem:$0x3F9B];
	_ =	swait.ge [sflag:s4], $0x0  }
0x19: {  	s7 =	sld [smem:$0x3F9C]  }
0x1a: {  	s8 =	sadd.s32 $0xFFFFE003, lr  }
0x1b: {  	s9 =	sadd.s32 $0xFFFFFEF7, lr;
	s5 =	simm.s32 $0xFFFFFFFF;
	p2 =	slt.u32 s8, $0xFFFFF086  }
0x1c: {  	p1 =	slt.u32 s9, $0xF7A;
	s5 =	simm.s32 @!p2 $0x0  }
0x1d: {  	s5 =	simm.s32 @p1 $0x1;
	p0 =	seq.s32 s7, s2  }
0x1e: {  	s7 =	smul.u32 @!p0 $0xF7A, s2;
	p2 =	seq.s32 @!p0 s5, $0x0  }
0x1f: {  	s9 =	smul.u32 $0xF7A, s1;
	s8 =	simm.s32 @!p0 $0x1BF5;
	p2 =	por !p2, p0  }
0x20: {  	[sflag:s8] =	ssyncset.s32 @!p0 $0xFFFFF086;
	s6 =	sadd.s32 @!p0 s3, s7;
	s7 =	simm.s32 @!p0 $0x108  }
0x21: {  	s3 =	sadd.s32 s3, s9;
	s6 =	sadd.s32 @!p0 $0x88, s6;
	s7 =	simm.s32 @p2 $0x1082  }
0x22: {  	[simem:s7], [sflag:s8] =	dma.local @!p0 [hbm:s6], $0xF7A  }
0x23: {  	s9 =	sor.u32 $0xD0000000, s2;
	s6 =	simm.s32 $0x108;
	_ =	swait.ge @!p0 [sflag:s8], $0x0  }
0x24: {  	s3 =	sadd.s32 $0x88, s3;
	s6 =	simm.s32 @!p1 $0x1082;
	[sflag:s4] =	ssyncset.s32 $0xFFFFF086  }
0x25: {  	[simem:s6], [sflag:s4] =	dma.local [hbm:s3], $0xF7A  }
0x26: {  	[smem:$0x3F9C] =	sst s1;
	(tag) =	ssettag s2;
	_ =	strace s9  }
0x27: {  	s1 =	sld [smem:$0x3FAC]  }
0x28: {  	s2 =	sld [smem:$0x3FAD]  }
0x29: {  	s4 =	sld [smem:$0x3FAF]  }
0x2a: {  	p0 =	seq.s32 s5, $0x0;
	s5 =	sld [smem:$0x3FB0]  }
0x2b: {  	s6 =	sld [smem:$0x3FB1]  }
0x2c: {  	s7 =	sld [smem:$0x3FB2]  }
0x2d: {  	s3 =	simm.s32 $0x108;
	s8 =	sld [smem:$0x3FB3]  }
0x2e: {  	s3 =	simm.s32 @!p0 $0x1082;
	s9 =	sld [smem:$0x3FB4]  }
0x2f: {  	lr =	sadd.s32 s0, s3;
	s0 =	sld [smem:$0x3FAB]  }
0x30: {  	s3 =	sld [smem:$0x3FAE]  }
0x31: {  	[smem:$0x3FB7] =	sst s10  }
0x32: {  	s10 =	sld [smem:$0x3FB5];
	_ =	sdelay $0x3  }
0x33: {  	p0 =	seq.s32 s10, $0x1;
	s10 =	sld [smem:$0x3FB7];
	_ =	sdelay $0x3  }
0x34: {  	[smem:$0x3FB7] =	sst s10  }
0x35: {  	s10 =	sld [smem:$0x3FB6];
	_ =	sdelay $0x3  }
0x36: {  	p1 =	seq.s32 s10, $0x1;
	s10 =	sld [smem:$0x3FB7];
	_ =	sdelay $0x3  }
0x37: {  	[smem:$0x3FB7] =	sst s10  }
0x38: {  	s10 =	sld [smem:$0x3FB8]  }
0x39: {  	_ = 	snop;
	(pc) =	sbr.ind lr, $3  }
0x3a: {  	_ = 	snop  }
0x3b: {  	_ = 	snop  }
0x3c: {  	p2 =	seq.s32 s10, $0x1;
	s10 =	sld [smem:$0x3FB7]  }
0x3d: {  	_ =	shalt  }
0x3e: {  	_ =	shalt  }
0x3f: {  	_ =	shalt  }
0x40: {  	_ =	shalt  }
0x41: {  	_ =	shalt  }
0x42: {  	_ =	shalt  }
0x43: {  	_ =	shalt  }
0x44: {  	_ =	shalt  }
0x45: {  	_ =	shalt  }
0x46: {  	_ =	shalt  }
0x47: {  	_ =	shalt  }
0x48: {  	_ =	shalt  }
0x49: {  	_ =	shalt  }
0x4a: {  	_ =	shalt  }
0x4b: {  	_ =	shalt  }
0x4c: {  	_ =	shalt  }
0x4d: {  	_ =	shalt  }
0x4e: {  	_ =	shalt  }
0x4f: {  	_ =	shalt  }
0x50: {  	_ =	shalt  }
0x51: {  	_ =	shalt  }
0x52: {  	_ =	shalt  }
0x53: {  	_ =	shalt  }
0x54: {  	_ =	shalt  }
0x55: {  	_ =	shalt  }
0x56: {  	_ =	shalt  }
0x57: {  	_ =	shalt  }
0x58: {  	_ =	shalt  }
0x59: {  	_ =	shalt  }
0x5a: {  	_ =	shalt  }
0x5b: {  	_ =	shalt  }
0x5c: {  	_ =	shalt  }
0x5d: {  	_ =	shalt  }
0x5e: {  	_ =	shalt  }
0x5f: {  	_ =	shalt  }
0x60: {  	_ =	shalt  }
0x61: {  	_ =	shalt  }
0x62: {  	_ =	shalt  }
0x63: {  	_ =	shalt  }
0x64: {  	_ =	shalt  }
0x65: {  	_ =	shalt  }
0x66: {  	_ =	shalt  }
0x67: {  	_ =	shalt  }
0x68: {  	_ =	shalt  }
0x69: {  	_ =	shalt  }
0x6a: {  	_ =	shalt  }
0x6b: {  	_ =	shalt  }
0x6c: {  	_ =	shalt  }
0x6d: {  	_ =	shalt  }
0x6e: {  	_ =	shalt  }
0x6f: {  	_ =	shalt  }
0x70: {  	_ =	shalt  }
0x71: {  	_ =	shalt  }
0x72: {  	_ =	shalt  }
0x73: {  	_ =	shalt  }
0x74: {  	_ =	shalt  }
0x75: {  	_ =	shalt  }
0x76: {  	_ =	shalt  }
0x77: {  	_ =	shalt  }
0x78: {  	_ =	shalt  }
0x79: {  	_ =	shalt  }
0x7a: {  	_ =	shalt  }
0x7b: {  	_ =	shalt  }
0x7c: {  	_ =	shalt  }
0x7d: {  	_ =	shalt  }
0x7e: {  	_ =	shalt  }
0x7f: {  	_ =	shalt  }
0x80: {  	_ =	shalt  }
0x81: {  	_ =	shalt  }
0x82: {  	_ =	shalt  }
0x83: {  	_ =	shalt  }
0x84: {  	_ =	shalt  }
0x85: {  	_ =	shalt  }
0x86: {  	_ =	shalt  }
0x87: {  	_ =	shalt  }
.Lfunc_end0:
.L_simem_size_0:
called_computation_lowered:
.L_overlay_start_0:
0x88: {  	s2 =	sld [smem:$0x3FD9]  }
0x89: {  	s3 =	sld [smem:$0x3FFE];
	_ =	sdelay $0x1  }
0x8a: {  	s1 =	srdreg.scid  }
0x8b: {  	s0 =	sand.u32 $0x1, s1  }
0x8c: {  	s17 =	sshll.u32 s0, $0xA;
	s2 =	sadd.s32 s3, s2  }
0x8d: {  	s2 =	sadd.s32 s2, s17  }
0x8e: {  	[smem:$0x3FC3] =	sst s2  }
0x8f: {  	_ = 	snop  }
0x90: {  	s2 =	sld [smem:$0x3FD0];
	(tm) =	ssettm $0x1  }
0x91: {  	s18 =	sld [smem:$0x3FFB];
	_ =	sdelay $0x3  }
0x92: {  	_ =	strace s18  }
0x93: {  	s3 =	sld [smem:$0x3FFC];
	_ =	sdelay $0x3  }
0x94: {  	_ =	strace s3  }
0x95: {  	s3 =	sld [smem:$0x3FFD];
	_ =	sdelay $0x3  }
0x96: {  	_ =	strace s3  }
0x97: {  	_ =	strace $0x8FFFFFFF  }
0x98: {  	s19 =	sld [smem:$0x3FDB];
	_ =	sdelay $0x1  }
0x99: {  	s4 =	simm.s32 $_scs_section_size  }
0x9a: {  	s5 =	simm.s32 $_size__tile_overlayer_lowered;
	s6 =	simm.s32 $_tile_overlayer_lowered  }
0x9b: {  	s22 =	simm.s32 $0x1BFF;
	s21 =	sshll.u32 s6, $0x1;
	s3 =	sadd.s32 s4, s19  }
0x9c: {  	s7 =	simm.s32 $0x0;
	s20 =	sshll.u32 s5, $0x1;
	s5 =	sadd.s32 s21, s3  }
0x9d: {  	[timem:s7], [sflag:s22] =	dma.local [hbm:s5], s20  }
0x9e: {  	_ =	swait.ge [sflag:s22], s20  }
0x9f: {  	s4 =	ssub.s32 $0x0, s20;
	[sflag:s22] =	ssyncset.done $0x0  }
0xa0: {  	[sflag:s22] =	ssyncadd.s32 s4;
	_ =	sdelay $0x1  }
0xa1: {  	s23 =	simm.s32 $0x1B8B  }
0xa2: {  	_ =	swait.ge [sflag:s23], $0x1  }
0xa3: {  	[sflag:s23] =	ssyncset.done $0x0  }
0xa4: {  	s25 =	simm.s32 $0x1B8E;
	s24 =	sld [smem:$0x3FFE];
	[sflag:s23] =	ssyncadd.s32 $0xFFFFFFFF  }
0xa5: {  	s26 =	simm.s32 $execute0_lowered;
	[smem:$0x3FD2] =	sst s25  }
0xa6: {  	s5 =	sshll.u32 s26, $0x1;
	_ =	strace $0x80000046;
	[dreg:$0x1] =	wrdreg $0xFFFFFFFF  }
0xa7: {  	s28 =	simm.s32 $_size_execute0_lowered;
	s3 =	sadd.s32 s3, s5;
	[dreg:$0x0] =	wrdreg $0x0  }
0xa8: {  	s5 =	sshll.u32 s28, $0x1;
	[dreg:$0x2] =	wrdreg s3  }
0xa9: {  	[dreg:$0x3] =	wrdreg s5  }
0xaa: {  	[dreg:$0x4] =	wrdreg $0xC0  }
0xab: {  	_ =	task [dreg:s7], $0x5FFFF  }
0xac: {  	[dreg:$0x1] =	wrdreg $0xFFFFFFFF  }
0xad: {  	[dreg:$0x0] =	wrdreg $0x60  }
0xae: {  	[dreg:$0x2] =	wrdreg s24  }
0xaf: {  	[dreg:$0x3] =	wrdreg s2  }
0xb0: {  	[dreg:$0x4] =	wrdreg $0x9  }
0xb1: {  	_ =	task.clear_ibuf [dreg:s7], $0x5FFFF;
	_ =	strace $0x90000046  }
0xb2: {  	s29 =	simm.s32 $0x9;
	_ =	strace $0x80000048  }
0xb3: {  	_ =	swait.ge [sflag:s29], $0x1  }
0xb4: {  	[sflag:s29] =	ssyncadd.s32 $0xFFFFFFFF  }
0xb5: {  	_ =	strace $0x90000048  }
0xb6: {  	_ =	sfence  }
0xb7: {  	s30 =	sld [smem:$0x0];
	_ =	sdelay $0x2  }
0xb8: {  	s31 =	sshll.u32 s1, $0xD;
	s1 =	sshrl.u32 s1, $0x2  }
0xb9: {  	s3 =	sand.u32 $0x4000, s31;
	s1 =	sadd.s32 s1, s30  }
0xba: {  	s0 =	sor.u32 s3, s0;
	s1 =	sshll.u32 s1, $0x11  }
0xbb: {  	s0 =	sor.u32 s1, s0  }
0xbc: {  	s0 =	sadd.s32 $0x8F2B, s0  }
0xbd: {  	[sflag:s0] =	ssyncadd.remote.s32 $0x1  }
0xbe: {  	_ =	sfence.sel $0xFFFF  }
0xbf: {  	[dreg:$0x0] =	wrdreg $0xFFFFFFFF;
	(pc) =	sbr.abs _section_cstart, $3  }
0xc0: {  	[dreg:$0x1] =	wrdreg $0xFFFFFFFF  }
0xc1: {  	_ =	task.clear_ibuf [dreg:s7], $0x2FFFF;
	_ =	strace $0x9FFFFFFF  }
0xc2: {  	(tm) =	ssettm $0x7FFFFFFF  }
0xc3: {  	_ =	shalt  }
tec
execute0_lowered:
.L_overlay_start_1:
0x0: {  	(tag) =	ssettag $0x1  }
0x1: {  	s1 =	stileid.u32  }
0x2: {  	p0 =	sgt.u32 s1, $0x3  }
.Ltmp0:
0x3: {  	_ = 	snop;
	(pc) =	sbr.rel @p0 .LBB2_3-.Ltmp0, $4  }
0x4: {  	s7 =	rddreg [dreg:$0x0]  }
0x5: {  	s8 =	rddreg [dreg:$0x1];
	s2 =	simm.s32 $0x0  }
0x6: {  	[smem:$0x7FF] =	sst s2  }
0x7: {  	s0 =	rddreg [dreg:$0x2];
	_ =	strace $0x80000047  }
0x8: {  	s4 =	srdreg.scid  }
0x9: {  	s13 =	sadd.s32 $0x9E00, s7;
	s3 =	sadd.s32 $0x5A00, s7;
	s5 =	sadd.s32 $0x9C00, s7  }
0xa: {  	s6 =	sadd.s32 $0x9A00, s7;
	s16 =	simm.s32 $0x1;
	s17 =	simm.s32 $0x200  }
0xb: {  	s18 =	simm.s32 $0x400;
	s19 =	simm.s32 $0x800;
	s20 =	simm.s32 $0xA00  }
0xc: {  	s22 =	simm.s32 $0xC00;
	s23 =	simm.s32 $0xE00;
	s9 =	sand.u32 $0x1, s4  }
0xd: {  	s25 =	simm.s32 $0x1000;
	s26 =	simm.s32 $0x2200;
	s10 =	sshll.u32 s9, $0x2  }
0xe: {  	s4 =	sadd.s32 $0x1A00, s7;
	s9 =	ssub.s32 $0x2, s9;
	s12 =	sadd.s32 s1, s10  }
0xf: {  	s7 =	sadd.s32 $0xA200, s7;
	s11 =	sshrl.u32 s9, $0x1;
	s21 =	sshll.u32 s12, $0xE  }
0x10: {  	s24 =	sshll.u32 s12, $0x9;
	s10 =	sshll.u32 s12, $0x1;
	s14 =	sshll.u32 s12, $0xB  }
0x11: {  	s15 =	ssub.s32 s9, s11;
	s31 =	sshll.u32 s12, $0x7;
	s8 =	sadd.s32 s8, s10  }
0x12: {  	s9 =	sadd.s32 s7, s14;
	s13 =	sadd.s32 s13, s31;
	s14 =	smax.u32 s15, $0x1  }
0x13: {  	s15 =	simm.s32 $0x1200;
	v0 =	vmov s21;
	s21 =	simm.s32 $0x600;
	v1 =	vmov s24;
	s24 =	simm.s32 $0x2  }
0x14: {  	v2 =	vimm.f32 $0.0e+00;
	v3 =	vimm.f32 $1.000000000e+00;
	s10 =	sadd.s32 $0x600, s9;
	s11 =	sadd.s32 $0x400, s9;
	s12 =	sadd.s32 $0x200, s9  }
.LBB2_2:
0x15: {  	[tilespmem:s2], [sflag:$0x1] =	stream.linear.gather [hbm4b:s13+s2], $0x400, $0x38;
	[tilespmem:$0x2210] =	vst v63  }
0x16: {  	[tilespmem:$0x1200] =	vst v2  }
0x17: {  	[tilespmem:$0x1210] =	vst v2  }
0x18: {  	[tilespmem:$0x1220] =	vst v2  }
0x19: {  	[tilespmem:$0x1230] =	vst v2  }
0x1a: {  	[tilespmem:$0x1240] =	vst v2  }
0x1b: {  	[tilespmem:$0x1250] =	vst v2  }
0x1c: {  	[tilespmem:$0x1260] =	vst v2  }
0x1d: {  	[tilespmem:$0x1270] =	vst v2  }
0x1e: {  	[tilespmem:$0x1280] =	vst v2  }
0x1f: {  	[tilespmem:$0x1290] =	vst v2  }
0x20: {  	[tilespmem:$0x12A0] =	vst v2  }
0x21: {  	[tilespmem:$0x12B0] =	vst v2  }
0x22: {  	[tilespmem:$0x12C0] =	vst v2  }
0x23: {  	[tilespmem:$0x12D0] =	vst v2  }
0x24: {  	[tilespmem:$0x12E0] =	vst v2  }
0x25: {  	[tilespmem:$0x12F0] =	vst v2  }
0x26: {  	[tilespmem:$0x1300] =	vst v2  }
0x27: {  	[tilespmem:$0x1310] =	vst v2  }
0x28: {  	[tilespmem:$0x1320] =	vst v2  }
0x29: {  	[tilespmem:$0x1330] =	vst v2  }
0x2a: {  	[tilespmem:$0x1340] =	vst v2  }
0x2b: {  	[tilespmem:$0x1350] =	vst v2  }
0x2c: {  	[tilespmem:$0x1360] =	vst v2  }
0x2d: {  	[tilespmem:$0x1370] =	vst v2  }
0x2e: {  	[tilespmem:$0x1380] =	vst v2  }
0x2f: {  	[tilespmem:$0x1390] =	vst v2  }
0x30: {  	[tilespmem:$0x13A0] =	vst v2  }
0x31: {  	[tilespmem:$0x13B0] =	vst v2  }
0x32: {  	[tilespmem:$0x13C0] =	vst v2  }
0x33: {  	[tilespmem:$0x13D0] =	vst v2  }
0x34: {  	[tilespmem:$0x13E0] =	vst v2  }
0x35: {  	[tilespmem:$0x13F0] =	vst v2  }
0x36: {  	[tilespmem:$0x1400] =	vst v2  }
0x37: {  	[tilespmem:$0x1410] =	vst v2  }
0x38: {  	[tilespmem:$0x1420] =	vst v2  }
0x39: {  	[tilespmem:$0x1430] =	vst v2  }
0x3a: {  	[tilespmem:$0x1440] =	vst v2  }
0x3b: {  	[tilespmem:$0x1450] =	vst v2  }
0x3c: {  	[tilespmem:$0x1460] =	vst v2  }
0x3d: {  	[tilespmem:$0x1470] =	vst v2  }
0x3e: {  	[tilespmem:$0x1480] =	vst v2  }
0x3f: {  	[tilespmem:$0x1490] =	vst v2  }
0x40: {  	[tilespmem:$0x14A0] =	vst v2  }
0x41: {  	[tilespmem:$0x14B0] =	vst v2  }
0x42: {  	[tilespmem:$0x14C0] =	vst v2  }
0x43: {  	[tilespmem:$0x14D0] =	vst v2  }
0x44: {  	[tilespmem:$0x14E0] =	vst v2  }
0x45: {  	[tilespmem:$0x14F0] =	vst v2  }
0x46: {  	[tilespmem:$0x1500] =	vst v2  }
0x47: {  	[tilespmem:$0x1510] =	vst v2  }
0x48: {  	[tilespmem:$0x1520] =	vst v2  }
0x49: {  	[tilespmem:$0x1530] =	vst v2  }
0x4a: {  	[tilespmem:$0x1540] =	vst v2  }
0x4b: {  	[tilespmem:$0x1550] =	vst v2  }
0x4c: {  	[tilespmem:$0x1560] =	vst v2  }
0x4d: {  	[tilespmem:$0x1570] =	vst v2  }
0x4e: {  	[tilespmem:$0x1580] =	vst v2  }
0x4f: {  	[tilespmem:$0x1590] =	vst v2  }
0x50: {  	[tilespmem:$0x15A0] =	vst v2  }
0x51: {  	[tilespmem:$0x15B0] =	vst v2  }
0x52: {  	[tilespmem:$0x15C0] =	vst v2  }
0x53: {  	[tilespmem:$0x15D0] =	vst v2  }
0x54: {  	[tilespmem:$0x15E0] =	vst v2  }
0x55: {  	[tilespmem:$0x15F0] =	vst v2  }
0x56: {  	[tilespmem:$0x1600] =	vst v2  }
0x57: {  	[tilespmem:$0x1610] =	vst v2  }
0x58: {  	[tilespmem:$0x1620] =	vst v2  }
0x59: {  	[tilespmem:$0x1630] =	vst v2  }
0x5a: {  	[tilespmem:$0x1640] =	vst v2  }
0x5b: {  	[tilespmem:$0x1650] =	vst v2  }
0x5c: {  	[tilespmem:$0x1660] =	vst v2  }
0x5d: {  	[tilespmem:$0x1670] =	vst v2  }
0x5e: {  	[tilespmem:$0x1680] =	vst v2  }
0x5f: {  	[tilespmem:$0x1690] =	vst v2  }
0x60: {  	[tilespmem:$0x16A0] =	vst v2  }
0x61: {  	[tilespmem:$0x16B0] =	vst v2  }
0x62: {  	[tilespmem:$0x16C0] =	vst v2  }
0x63: {  	[tilespmem:$0x16D0] =	vst v2  }
0x64: {  	[tilespmem:$0x16E0] =	vst v2  }
0x65: {  	[tilespmem:$0x16F0] =	vst v2  }
0x66: {  	[tilespmem:$0x1700] =	vst v2  }
0x67: {  	[tilespmem:$0x1710] =	vst v2  }
0x68: {  	[tilespmem:$0x1720] =	vst v2  }
0x69: {  	[tilespmem:$0x1730] =	vst v2  }
0x6a: {  	[tilespmem:$0x1740] =	vst v2  }
0x6b: {  	[tilespmem:$0x1750] =	vst v2  }
0x6c: {  	[tilespmem:$0x1760] =	vst v2  }
0x6d: {  	[tilespmem:$0x1770] =	vst v2  }
0x6e: {  	[tilespmem:$0x1780] =	vst v2  }
0x6f: {  	[tilespmem:$0x1790] =	vst v2  }
0x70: {  	[tilespmem:$0x17A0] =	vst v2  }
0x71: {  	[tilespmem:$0x17B0] =	vst v2  }
0x72: {  	[tilespmem:$0x17C0] =	vst v2  }
0x73: {  	[tilespmem:$0x17D0] =	vst v2  }
0x74: {  	[tilespmem:$0x17E0] =	vst v2  }
0x75: {  	[tilespmem:$0x17F0] =	vst v2  }
0x76: {  	[tilespmem:$0x1800] =	vst v2  }
0x77: {  	[tilespmem:$0x1810] =	vst v2  }
0x78: {  	[tilespmem:$0x1820] =	vst v2  }
0x79: {  	[tilespmem:$0x1830] =	vst v2  }
0x7a: {  	[tilespmem:$0x1840] =	vst v2  }
0x7b: {  	[tilespmem:$0x1850] =	vst v2  }
0x7c: {  	[tilespmem:$0x1860] =	vst v2  }
0x7d: {  	[tilespmem:$0x1870] =	vst v2  }
0x7e: {  	[tilespmem:$0x1880] =	vst v2  }
0x7f: {  	[tilespmem:$0x1890] =	vst v2  }
0x80: {  	[tilespmem:$0x18A0] =	vst v2  }
0x81: {  	[tilespmem:$0x18B0] =	vst v2  }
0x82: {  	[tilespmem:$0x18C0] =	vst v2  }
0x83: {  	[tilespmem:$0x18D0] =	vst v2  }
0x84: {  	[tilespmem:$0x18E0] =	vst v2  }
0x85: {  	[tilespmem:$0x18F0] =	vst v2  }
0x86: {  	[tilespmem:$0x1900] =	vst v2  }
0x87: {  	[tilespmem:$0x1910] =	vst v2  }
0x88: {  	[tilespmem:$0x1920] =	vst v2  }
0x89: {  	[tilespmem:$0x1930] =	vst v2  }
0x8a: {  	[tilespmem:$0x1940] =	vst v2  }
0x8b: {  	[tilespmem:$0x1950] =	vst v2  }
0x8c: {  	[tilespmem:$0x1960] =	vst v2  }
0x8d: {  	[tilespmem:$0x1970] =	vst v2  }
0x8e: {  	[tilespmem:$0x1980] =	vst v2  }
0x8f: {  	[tilespmem:$0x1990] =	vst v2  }
0x90: {  	[tilespmem:$0x19A0] =	vst v2  }
0x91: {  	[tilespmem:$0x19B0] =	vst v2  }
0x92: {  	[tilespmem:$0x19C0] =	vst v2  }
0x93: {  	[tilespmem:$0x19D0] =	vst v2  }
0x94: {  	[tilespmem:$0x19E0] =	vst v2  }
0x95: {  	[tilespmem:$0x19F0] =	vst v2  }
0x96: {  	[tilespmem:$0x1A00] =	vst v2  }
0x97: {  	[tilespmem:$0x1A10] =	vst v2  }
0x98: {  	[tilespmem:$0x1A20] =	vst v2  }
0x99: {  	[tilespmem:$0x1A30] =	vst v2  }
0x9a: {  	[tilespmem:$0x1A40] =	vst v2  }
0x9b: {  	[tilespmem:$0x1A50] =	vst v2  }
0x9c: {  	[tilespmem:$0x1A60] =	vst v2  }
0x9d: {  	[tilespmem:$0x1A70] =	vst v2  }
0x9e: {  	[tilespmem:$0x1A80] =	vst v2  }
0x9f: {  	[tilespmem:$0x1A90] =	vst v2  }
0xa0: {  	[tilespmem:$0x1AA0] =	vst v2  }
0xa1: {  	[tilespmem:$0x1AB0] =	vst v2  }
0xa2: {  	[tilespmem:$0x1AC0] =	vst v2  }
0xa3: {  	[tilespmem:$0x1AD0] =	vst v2  }
0xa4: {  	[tilespmem:$0x1AE0] =	vst v2  }
0xa5: {  	[tilespmem:$0x1AF0] =	vst v2  }
0xa6: {  	[tilespmem:$0x1B00] =	vst v2  }
0xa7: {  	[tilespmem:$0x1B10] =	vst v2  }
0xa8: {  	[tilespmem:$0x1B20] =	vst v2  }
0xa9: {  	[tilespmem:$0x1B30] =	vst v2  }
0xaa: {  	[tilespmem:$0x1B40] =	vst v2  }
0xab: {  	[tilespmem:$0x1B50] =	vst v2  }
0xac: {  	[tilespmem:$0x1B60] =	vst v2  }
0xad: {  	[tilespmem:$0x1B70] =	vst v2  }
0xae: {  	[tilespmem:$0x1B80] =	vst v2  }
0xaf: {  	[tilespmem:$0x1B90] =	vst v2  }
0xb0: {  	[tilespmem:$0x1BA0] =	vst v2  }
0xb1: {  	[tilespmem:$0x1BB0] =	vst v2  }
0xb2: {  	[tilespmem:$0x1BC0] =	vst v2  }
0xb3: {  	[tilespmem:$0x1BD0] =	vst v2  }
0xb4: {  	[tilespmem:$0x1BE0] =	vst v2  }
0xb5: {  	[tilespmem:$0x1BF0] =	vst v2  }
0xb6: {  	[tilespmem:$0x1C00] =	vst v2  }
0xb7: {  	[tilespmem:$0x1C10] =	vst v2  }
0xb8: {  	[tilespmem:$0x1C20] =	vst v2  }
0xb9: {  	[tilespmem:$0x1C30] =	vst v2  }
0xba: {  	[tilespmem:$0x1C40] =	vst v2  }
0xbb: {  	[tilespmem:$0x1C50] =	vst v2  }
0xbc: {  	[tilespmem:$0x1C60] =	vst v2  }
0xbd: {  	[tilespmem:$0x1C70] =	vst v2  }
0xbe: {  	[tilespmem:$0x1C80] =	vst v2  }
0xbf: {  	[tilespmem:$0x1C90] =	vst v2  }
0xc0: {  	[tilespmem:$0x1CA0] =	vst v2  }
0xc1: {  	[tilespmem:$0x1CB0] =	vst v2  }
0xc2: {  	[tilespmem:$0x1CC0] =	vst v2  }
0xc3: {  	[tilespmem:$0x1CD0] =	vst v2  }
0xc4: {  	[tilespmem:$0x1CE0] =	vst v2  }
0xc5: {  	[tilespmem:$0x1CF0] =	vst v2  }
0xc6: {  	[tilespmem:$0x1D00] =	vst v2  }
0xc7: {  	[tilespmem:$0x1D10] =	vst v2  }
0xc8: {  	[tilespmem:$0x1D20] =	vst v2  }
0xc9: {  	[tilespmem:$0x1D30] =	vst v2  }
0xca: {  	[tilespmem:$0x1D40] =	vst v2  }
0xcb: {  	[tilespmem:$0x1D50] =	vst v2  }
0xcc: {  	[tilespmem:$0x1D60] =	vst v2  }
0xcd: {  	[tilespmem:$0x1D70] =	vst v2  }
0xce: {  	[tilespmem:$0x1D80] =	vst v2  }
0xcf: {  	[tilespmem:$0x1D90] =	vst v2  }
0xd0: {  	[tilespmem:$0x1DA0] =	vst v2  }
0xd1: {  	[tilespmem:$0x1DB0] =	vst v2  }
0xd2: {  	[tilespmem:$0x1DC0] =	vst v2  }
0xd3: {  	[tilespmem:$0x1DD0] =	vst v2  }
0xd4: {  	[tilespmem:$0x1DE0] =	vst v2  }
0xd5: {  	[tilespmem:$0x1DF0] =	vst v2  }
0xd6: {  	[tilespmem:$0x1E00] =	vst v2  }
0xd7: {  	[tilespmem:$0x1E10] =	vst v2  }
0xd8: {  	[tilespmem:$0x1E20] =	vst v2  }
0xd9: {  	[tilespmem:$0x1E30] =	vst v2  }
0xda: {  	[tilespmem:$0x1E40] =	vst v2  }
0xdb: {  	[tilespmem:$0x1E50] =	vst v2  }
0xdc: {  	[tilespmem:$0x1E60] =	vst v2  }
0xdd: {  	[tilespmem:$0x1E70] =	vst v2  }
0xde: {  	[tilespmem:$0x1E80] =	vst v2  }
0xdf: {  	[tilespmem:$0x1E90] =	vst v2  }
0xe0: {  	[tilespmem:$0x1EA0] =	vst v2  }
0xe1: {  	[tilespmem:$0x1EB0] =	vst v2  }
0xe2: {  	[tilespmem:$0x1EC0] =	vst v2  }
0xe3: {  	[tilespmem:$0x1ED0] =	vst v2  }
0xe4: {  	[tilespmem:$0x1EE0] =	vst v2  }
0xe5: {  	[tilespmem:$0x1EF0] =	vst v2  }
0xe6: {  	[tilespmem:$0x1F00] =	vst v2  }
0xe7: {  	[tilespmem:$0x1F10] =	vst v2  }
0xe8: {  	[tilespmem:$0x1F20] =	vst v2  }
0xe9: {  	[tilespmem:$0x1F30] =	vst v2  }
0xea: {  	[tilespmem:$0x1F40] =	vst v2  }
0xeb: {  	[tilespmem:$0x1F50] =	vst v2  }
0xec: {  	[tilespmem:$0x1F60] =	vst v2  }
0xed: {  	[tilespmem:$0x1F70] =	vst v2  }
0xee: {  	[tilespmem:$0x1F80] =	vst v2  }
0xef: {  	[tilespmem:$0x1F90] =	vst v2  }
0xf0: {  	[tilespmem:$0x1FA0] =	vst v2  }
0xf1: {  	[tilespmem:$0x1FB0] =	vst v2  }
0xf2: {  	[tilespmem:$0x1FC0] =	vst v2  }
0xf3: {  	[tilespmem:$0x1FD0] =	vst v2  }
0xf4: {  	[tilespmem:$0x1FE0] =	vst v2  }
0xf5: {  	[tilespmem:$0x1FF0] =	vst v2  }
0xf6: {  	[tilespmem:$0x2000] =	vst v2  }
0xf7: {  	[tilespmem:$0x2010] =	vst v2  }
0xf8: {  	[tilespmem:$0x2020] =	vst v2  }
0xf9: {  	[tilespmem:$0x2030] =	vst v2  }
0xfa: {  	[tilespmem:$0x2040] =	vst v2  }
0xfb: {  	[tilespmem:$0x2050] =	vst v2  }
0xfc: {  	[tilespmem:$0x2060] =	vst v2  }
0xfd: {  	[tilespmem:$0x2070] =	vst v2  }
0xfe: {  	[tilespmem:$0x2080] =	vst v2  }
0xff: {  	[tilespmem:$0x2090] =	vst v2  }
0x100: {  	[tilespmem:$0x20A0] =	vst v2  }
0x101: {  	[tilespmem:$0x20B0] =	vst v2  }
0x102: {  	[tilespmem:$0x20C0] =	vst v2  }
0x103: {  	[tilespmem:$0x20D0] =	vst v2  }
0x104: {  	[tilespmem:$0x20E0] =	vst v2  }
0x105: {  	[tilespmem:$0x20F0] =	vst v2  }
0x106: {  	[tilespmem:$0x2100] =	vst v2  }
0x107: {  	[tilespmem:$0x2110] =	vst v2  }
0x108: {  	[tilespmem:$0x2120] =	vst v2  }
0x109: {  	[tilespmem:$0x2130] =	vst v2  }
0x10a: {  	[tilespmem:$0x2140] =	vst v2  }
0x10b: {  	[tilespmem:$0x2150] =	vst v2  }
0x10c: {  	[tilespmem:$0x2160] =	vst v2  }
0x10d: {  	[tilespmem:$0x2170] =	vst v2  }
0x10e: {  	[tilespmem:$0x2180] =	vst v2  }
0x10f: {  	[tilespmem:$0x2190] =	vst v2  }
0x110: {  	[tilespmem:$0x21A0] =	vst v2  }
0x111: {  	[tilespmem:$0x21B0] =	vst v2  }
0x112: {  	[tilespmem:$0x21C0] =	vst v2  }
0x113: {  	[tilespmem:$0x21D0] =	vst v2  }
0x114: {  	[tilespmem:$0x21E0] =	vst v2  }
0x115: {  	[tilespmem:$0x21F0] =	vst v2  }
0x116: {  	[tilespmem:$0x1000] =	vst v3  }
0x117: {  	[tilespmem:$0x1010] =	vst v3  }
0x118: {  	[tilespmem:$0x1020] =	vst v3  }
0x119: {  	[tilespmem:$0x1030] =	vst v3  }
0x11a: {  	[tilespmem:$0x1040] =	vst v3  }
0x11b: {  	[tilespmem:$0x1050] =	vst v3  }
0x11c: {  	[tilespmem:$0x1060] =	vst v3  }
0x11d: {  	[tilespmem:$0x1070] =	vst v3  }
0x11e: {  	[tilespmem:$0x1080] =	vst v3  }
0x11f: {  	[tilespmem:$0x1090] =	vst v3  }
0x120: {  	[tilespmem:$0x10A0] =	vst v3  }
0x121: {  	[tilespmem:$0x10B0] =	vst v3  }
0x122: {  	[tilespmem:$0x10C0] =	vst v3  }
0x123: {  	[tilespmem:$0x10D0] =	vst v3  }
0x124: {  	[tilespmem:$0x10E0] =	vst v3  }
0x125: {  	[tilespmem:$0x10F0] =	vst v3  }
0x126: {  	[tilespmem:$0x1100] =	vst v3  }
0x127: {  	[tilespmem:$0x1110] =	vst v3  }
0x128: {  	[tilespmem:$0x1120] =	vst v3  }
0x129: {  	[tilespmem:$0x1130] =	vst v3  }
0x12a: {  	[tilespmem:$0x1140] =	vst v3  }
0x12b: {  	[tilespmem:$0x1150] =	vst v3  }
0x12c: {  	[tilespmem:$0x1160] =	vst v3  }
0x12d: {  	[tilespmem:$0x1170] =	vst v3  }
0x12e: {  	[tilespmem:$0x1180] =	vst v3  }
0x12f: {  	[tilespmem:$0x1190] =	vst v3  }
0x130: {  	[tilespmem:$0x11A0] =	vst v3  }
0x131: {  	[tilespmem:$0x11B0] =	vst v3  }
0x132: {  	[tilespmem:$0x11C0] =	vst v3  }
0x133: {  	[tilespmem:$0x11D0] =	vst v3  }
0x134: {  	[tilespmem:$0x11E0] =	vst v3  }
0x135: {  	[tilespmem:$0x11F0] =	vst v3  }
0x136: {  	[hbm4b:s9+s2] =	stream.linear.scatter [tilespmem:s15], [sflag:$0x2], $0x1000, $0x38;
	[tilespmem:$0x2210] =	vst v63  }
0x137: {  	_ = 	snop  }
0x138: {  	[hbm4b:s12+s2] =	stream.linear.scatter [tilespmem:s15], [sflag:$0x2], $0x1000, $0x38;
	[tilespmem:$0x2210] =	vst v63  }
0x139: {  	_ = 	snop  }
0x13a: {  	[hbm4b:s11+s2] =	stream.linear.scatter [tilespmem:s15], [sflag:$0x2], $0x1000, $0x38;
	[tilespmem:$0x2210] =	vst v63  }
0x13b: {  	_ = 	snop  }
0x13c: {  	[hbm4b:s10+s2] =	stream.linear.scatter [tilespmem:s15], [sflag:$0x2], $0x1000, $0x38;
	[tilespmem:$0x2210] =	vst v63  }
0x13d: {  	_ =	swait.ge [sflag:s16], $0x400  }
0x13e: {  	[sflag:s16] =	ssyncset.done $0x0  }
0x13f: {  	[sflag:s16] =	ssyncadd.s32 $0xFFFFFC00  }
0x140: {  	v4 =	vld [tilespmem:$0x0]  }
0x141: {  	v5 =	vld [tilespmem:$0x200]  }
0x142: {  	v6 =	vld [tilespmem:$0x10]  }
0x143: {  	v7 =	vld [tilespmem:$0x210]  }
0x144: {  	v8 =	vld [tilespmem:$0x20]  }
0x145: {  	v9 =	vld [tilespmem:$0x220];
	v4 =	vadd.s32 v0, v4  }
0x146: {  	[tilespmem:$0x400] =	vst v4;
	v4 =	vadd.s32 v1, v5;
	v5 =	vld [tilespmem:$0x30]  }
0x147: {  	v34 =	vld [tilespmem:$0x230];
	[tilespmem:$0x600] =	vst v4;
	v4 =	vadd.s32 v0, v6  }
0x148: {  	v35 =	vld [tilespmem:$0x40];
	[tilespmem:$0x410] =	vst v4;
	v4 =	vadd.s32 v1, v7  }
0x149: {  	v36 =	vld [tilespmem:$0x240];
	[tilespmem:$0x610] =	vst v4;
	v4 =	vadd.s32 v0, v8  }
0x14a: {  	v37 =	vld [tilespmem:$0x50];
	[tilespmem:$0x420] =	vst v4;
	v4 =	vadd.s32 v1, v9  }
0x14b: {  	[tilespmem:$0x620] =	vst v4;
	v4 =	vadd.s32 v0, v5;
	v5 =	vld [tilespmem:$0x250]  }
0x14c: {  	v38 =	vld [tilespmem:$0x60];
	[tilespmem:$0x430] =	vst v4;
	v4 =	vadd.s32 v1, v34  }
0x14d: {  	v39 =	vld [tilespmem:$0x260];
	[tilespmem:$0x630] =	vst v4;
	v4 =	vadd.s32 v0, v35  }
0x14e: {  	v40 =	vld [tilespmem:$0x70];
	[tilespmem:$0x440] =	vst v4;
	v4 =	vadd.s32 v1, v36  }
0x14f: {  	v41 =	vld [tilespmem:$0x270];
	[tilespmem:$0x640] =	vst v4;
	v4 =	vadd.s32 v0, v37  }
0x150: {  	[tilespmem:$0x450] =	vst v4;
	v4 =	vadd.s32 v1, v5;
	v5 =	vld [tilespmem:$0x80]  }
0x151: {  	v42 =	vld [tilespmem:$0x280];
	[tilespmem:$0x650] =	vst v4;
	v4 =	vadd.s32 v0, v38  }
0x152: {  	v43 =	vld [tilespmem:$0x90];
	[tilespmem:$0x460] =	vst v4;
	v4 =	vadd.s32 v1, v39  }
0x153: {  	v44 =	vld [tilespmem:$0x290];
	[tilespmem:$0x660] =	vst v4;
	v4 =	vadd.s32 v0, v40  }
0x154: {  	v45 =	vld [tilespmem:$0xA0];
	[tilespmem:$0x470] =	vst v4;
	v4 =	vadd.s32 v1, v41  }
0x155: {  	[tilespmem:$0x670] =	vst v4;
	v4 =	vadd.s32 v0, v5;
	v5 =	vld [tilespmem:$0x2A0]  }
0x156: {  	v46 =	vld [tilespmem:$0xB0];
	[tilespmem:$0x480] =	vst v4;
	v4 =	vadd.s32 v1, v42  }
0x157: {  	v47 =	vld [tilespmem:$0x2B0];
	[tilespmem:$0x680] =	vst v4;
	v4 =	vadd.s32 v0, v43  }
0x158: {  	v48 =	vld [tilespmem:$0xC0];
	[tilespmem:$0x490] =	vst v4;
	v4 =	vadd.s32 v1, v44  }
0x159: {  	v49 =	vld [tilespmem:$0x2C0];
	[tilespmem:$0x690] =	vst v4;
	v4 =	vadd.s32 v0, v45  }
0x15a: {  	[tilespmem:$0x4A0] =	vst v4;
	v4 =	vadd.s32 v1, v5;
	v5 =	vld [tilespmem:$0xD0]  }
0x15b: {  	v50 =	vld [tilespmem:$0x2D0];
	[tilespmem:$0x6A0] =	vst v4;
	v4 =	vadd.s32 v0, v46  }
0x15c: {  	v51 =	vld [tilespmem:$0xE0];
	[tilespmem:$0x4B0] =	vst v4;
	v4 =	vadd.s32 v1, v47  }
0x15d: {  	v52 =	vld [tilespmem:$0x2E0];
	[tilespmem:$0x6B0] =	vst v4;
	v4 =	vadd.s32 v0, v48  }
0x15e: {  	v53 =	vld [tilespmem:$0xF0];
	[tilespmem:$0x4C0] =	vst v4;
	v4 =	vadd.s32 v1, v49  }
0x15f: {  	[tilespmem:$0x6C0] =	vst v4;
	v4 =	vadd.s32 v0, v5;
	v5 =	vld [tilespmem:$0x2F0]  }
0x160: {  	v54 =	vld [tilespmem:$0x100];
	[tilespmem:$0x4D0] =	vst v4;
	v4 =	vadd.s32 v1, v50  }
0x161: {  	v55 =	vld [tilespmem:$0x300];
	[tilespmem:$0x6D0] =	vst v4;
	v4 =	vadd.s32 v0, v51  }
0x162: {  	v56 =	vld [tilespmem:$0x110];
	[tilespmem:$0x4E0] =	vst v4;
	v4 =	vadd.s32 v1, v52  }
0x163: {  	v57 =	vld [tilespmem:$0x310];
	[tilespmem:$0x6E0] =	vst v4;
	v4 =	vadd.s32 v0, v53  }
0x164: {  	[tilespmem:$0x4F0] =	vst v4;
	v4 =	vadd.s32 v1, v5;
	v5 =	vld [tilespmem:$0x120]  }
0x165: {  	v58 =	vld [tilespmem:$0x320];
	[tilespmem:$0x6F0] =	vst v4;
	v4 =	vadd.s32 v0, v54  }
0x166: {  	v59 =	vld [tilespmem:$0x130];
	[tilespmem:$0x500] =	vst v4;
	v4 =	vadd.s32 v1, v55  }
0x167: {  	v60 =	vld [tilespmem:$0x330];
	[tilespmem:$0x700] =	vst v4;
	v4 =	vadd.s32 v0, v56  }
0x168: {  	v61 =	vld [tilespmem:$0x140];
	[tilespmem:$0x510] =	vst v4;
	v4 =	vadd.s32 v1, v57  }
0x169: {  	[tilespmem:$0x710] =	vst v4;
	v4 =	vadd.s32 v0, v5;
	v5 =	vld [tilespmem:$0x340]  }
0x16a: {  	v62 =	vld [tilespmem:$0x150];
	[tilespmem:$0x520] =	vst v4;
	v4 =	vadd.s32 v1, v58  }
0x16b: {  	v63 =	vld [tilespmem:$0x350];
	[tilespmem:$0x720] =	vst v4;
	v4 =	vadd.s32 v0, v59  }
0x16c: {  	v12 =	vld [tilespmem:$0x160];
	[tilespmem:$0x530] =	vst v4;
	v4 =	vadd.s32 v1, v60  }
0x16d: {  	v13 =	vld [tilespmem:$0x360];
	[tilespmem:$0x730] =	vst v4;
	v4 =	vadd.s32 v0, v61  }
0x16e: {  	[tilespmem:$0x540] =	vst v4;
	v4 =	vadd.s32 v1, v5;
	v5 =	vld [tilespmem:$0x170]  }
0x16f: {  	v14 =	vld [tilespmem:$0x370];
	[tilespmem:$0x740] =	vst v4;
	v4 =	vadd.s32 v0, v62  }
0x170: {  	v15 =	vld [tilespmem:$0x180];
	[tilespmem:$0x550] =	vst v4;
	v4 =	vadd.s32 v1, v63  }
0x171: {  	v16 =	vld [tilespmem:$0x380];
	[tilespmem:$0x750] =	vst v4;
	v4 =	vadd.s32 v0, v12  }
0x172: {  	v17 =	vld [tilespmem:$0x190];
	[tilespmem:$0x560] =	vst v4;
	v4 =	vadd.s32 v1, v13  }
0x173: {  	[tilespmem:$0x760] =	vst v4;
	v4 =	vadd.s32 v0, v5;
	v5 =	vld [tilespmem:$0x390]  }
0x174: {  	v18 =	vld [tilespmem:$0x1A0];
	[tilespmem:$0x570] =	vst v4;
	v4 =	vadd.s32 v1, v14  }
0x175: {  	v19 =	vld [tilespmem:$0x3A0];
	[tilespmem:$0x770] =	vst v4;
	v4 =	vadd.s32 v0, v15  }
0x176: {  	v20 =	vld [tilespmem:$0x1B0];
	[tilespmem:$0x580] =	vst v4;
	v4 =	vadd.s32 v1, v16  }
0x177: {  	v21 =	vld [tilespmem:$0x3B0];
	[tilespmem:$0x780] =	vst v4;
	v4 =	vadd.s32 v0, v17  }
0x178: {  	[tilespmem:$0x590] =	vst v4;
	v4 =	vadd.s32 v1, v5;
	v5 =	vld [tilespmem:$0x1C0]  }
0x179: {  	v22 =	vld [tilespmem:$0x3C0];
	[tilespmem:$0x790] =	vst v4;
	v4 =	vadd.s32 v0, v18  }
0x17a: {  	v23 =	vld [tilespmem:$0x1D0];
	[tilespmem:$0x5A0] =	vst v4;
	v4 =	vadd.s32 v1, v19  }
0x17b: {  	v24 =	vld [tilespmem:$0x3D0];
	[tilespmem:$0x7A0] =	vst v4;
	v4 =	vadd.s32 v0, v20  }
0x17c: {  	v25 =	vld [tilespmem:$0x1E0];
	[tilespmem:$0x5B0] =	vst v4;
	v4 =	vadd.s32 v1, v21  }
0x17d: {  	[tilespmem:$0x7B0] =	vst v4;
	v4 =	vadd.s32 v0, v5;
	v5 =	vld [tilespmem:$0x3E0]  }
0x17e: {  	v26 =	vld [tilespmem:$0x1F0];
	[tilespmem:$0x5C0] =	vst v4;
	v4 =	vadd.s32 v1, v22  }
0x17f: {  	v27 =	vld [tilespmem:$0x3F0];
	[tilespmem:$0x7C0] =	vst v4;
	v4 =	vadd.s32 v0, v23  }
0x180: {  	[tilespmem:$0x5D0] =	vst v4;
	v4 =	vadd.s32 v1, v24  }
0x181: {  	[tilespmem:$0x7D0] =	vst v4;
	v4 =	vadd.s32 v0, v25  }
0x182: {  	[tilespmem:$0x5E0] =	vst v4;
	v4 =	vadd.s32 v1, v5  }
0x183: {  	[tilespmem:$0x7E0] =	vst v4;
	v4 =	vadd.s32 v0, v26  }
0x184: {  	[tilespmem:$0x5F0] =	vst v4;
	v4 =	vadd.s32 v1, v27  }
0x185: {  	[tilespmem:$0x7F0] =	vst v4  }
0x186: {  	[tilespmem:s19], [sflag:$0x1] =	stream.indirect.gather [hbm4b:s3+s17], $0x1, s18, s17, $0xb8;
	[tilespmem:$0x2210] =	vst v63  }
0x187: {  	_ = 	snop  }
0x188: {  	[tilespmem:s20], [sflag:$0x1] =	stream.indirect.gather [hbm4b:s4+s17], $0x1, s18, s17, $0xb8;
	[tilespmem:$0x2210] =	vst v63  }
0x189: {  	_ = 	snop  }
0x18a: {  	[tilespmem:s22], [sflag:$0x1] =	stream.indirect.gather [hbm4b:s5+s17], $0x1, s21, s17, $0xb8;
	[tilespmem:$0x2210] =	vst v63  }
0x18b: {  	_ = 	snop  }
0x18c: {  	[tilespmem:s23], [sflag:$0x1] =	stream.indirect.gather [hbm4b:s6+s17], $0x1, s21, s17, $0xb8;
	[tilespmem:$0x2210] =	vst v63  }
0x18d: {  	_ =	swait.ge [sflag:s24], $0x1000  }
0x18e: {  	[sflag:s24] =	ssyncset.done $0x0  }
0x18f: {  	[sflag:s24] =	ssyncadd.s32 $0xFFFFF000  }
0x190: {  	_ =	swait.ge [sflag:s24], $0x1000  }
0x191: {  	[sflag:s24] =	ssyncset.done $0x0  }
0x192: {  	[sflag:s24] =	ssyncadd.s32 $0xFFFFF000  }
0x193: {  	_ =	swait.ge [sflag:s24], $0x1000  }
0x194: {  	[sflag:s24] =	ssyncset.done $0x0  }
0x195: {  	[sflag:s24] =	ssyncadd.s32 $0xFFFFF000  }
0x196: {  	_ =	swait.ge [sflag:s24], $0x1000  }
0x197: {  	[sflag:s24] =	ssyncset.done $0x0  }
0x198: {  	[sflag:s24] =	ssyncadd.s32 $0xFFFFF000  }
0x199: {  	[hbm4b:s7+s17] =	stream.indirect.scatter [tilespmem:s25], [sflag:$0x2], $0x1, s18, s17, $0xb8;
	[tilespmem:$0x2210] =	vst v63  }
0x19a: {  	_ =	swait.ge [sflag:s16], $0x200  }
0x19b: {  	[sflag:s16] =	ssyncset.done $0x0  }
0x19c: {  	[sflag:s16] =	ssyncadd.s32 $0xFFFFFE00  }
0x19d: {  	_ =	swait.ge [sflag:s16], $0x200  }
0x19e: {  	[sflag:s16] =	ssyncset.done $0x0  }
0x19f: {  	[sflag:s16] =	ssyncadd.s32 $0xFFFFFE00  }
0x1a0: {  	_ =	swait.ge [sflag:s16], $0x200  }
0x1a1: {  	[sflag:s16] =	ssyncset.done $0x0  }
0x1a2: {  	[sflag:s16] =	ssyncadd.s32 $0xFFFFFE00  }
0x1a3: {  	_ =	swait.ge [sflag:s16], $0x200  }
0x1a4: {  	[sflag:s16] =	ssyncset.done $0x0  }
0x1a5: {  	[sflag:s16] =	ssyncadd.s32 $0xFFFFFE00  }
0x1a6: {  	v4 =	vld [tilespmem:$0x800]  }
0x1a7: {  	v5 =	vld [tilespmem:$0xC00]  }
0x1a8: {  	v28 =	vld [tilespmem:$0x810]  }
0x1a9: {  	v29 =	vld [tilespmem:$0xC10]  }
0x1aa: {  	v30 =	vld [tilespmem:$0x820]  }
0x1ab: {  	v31 =	vld [tilespmem:$0xC20]  }
0x1ac: {  	v10 =	vld [tilespmem:$0x830]  }
0x1ad: {  	v11 =	vld [tilespmem:$0xC30]  }
0x1ae: {  	v32 =	vld [tilespmem:$0x840];
	v4 =	vsub.f32 v4, v5;
	v5 =	vsub.f32 v28, v29  }
0x1af: {  	v33 =	vld [tilespmem:$0xC40]  }
0x1b0: {  	v34 =	vld [tilespmem:$0x850];
	v8 =	vsub.f32 v30, v31;
	v4 =	vmul.f32 v4, v4;
	v5 =	vmul.f32 v5, v5  }
0x1b1: {  	v12 =	vld [tilespmem:$0xC50]  }
0x1b2: {  	v36 =	vld [tilespmem:$0x860];
	v35 =	vsub.f32 v10, v11;
	v4 =	vadd.f32 v5, v4;
	v5 =	vmul.f32 v8, v8  }
0x1b3: {  	v37 =	vld [tilespmem:$0xC60]  }
0x1b4: {  	v38 =	vld [tilespmem:$0x870];
	v6 =	vsub.f32 v32, v33;
	v4 =	vadd.f32 v5, v4;
	v5 =	vmul.f32 v35, v35  }
0x1b5: {  	v39 =	vld [tilespmem:$0xC70]  }
0x1b6: {  	v41 =	vld [tilespmem:$0x880];
	v40 =	vsub.f32 v34, v12;
	v4 =	vadd.f32 v5, v4;
	v5 =	vmul.f32 v6, v6  }
0x1b7: {  	v42 =	vld [tilespmem:$0xC80]  }
0x1b8: {  	v44 =	vld [tilespmem:$0x890];
	v43 =	vsub.f32 v36, v37;
	v4 =	vadd.f32 v5, v4;
	v5 =	vmul.f32 v40, v40  }
0x1b9: {  	v45 =	vld [tilespmem:$0xC90]  }
0x1ba: {  	v47 =	vld [tilespmem:$0x8A0];
	v46 =	vsub.f32 v38, v39;
	v4 =	vadd.f32 v5, v4;
	v5 =	vmul.f32 v43, v43  }
0x1bb: {  	v48 =	vld [tilespmem:$0xCA0]  }
0x1bc: {  	v50 =	vld [tilespmem:$0x8B0];
	v49 =	vsub.f32 v41, v42;
	v4 =	vadd.f32 v5, v4;
	v5 =	vmul.f32 v46, v46  }
0x1bd: {  	v51 =	vld [tilespmem:$0xCB0]  }
0x1be: {  	v53 =	vld [tilespmem:$0x8C0];
	v52 =	vsub.f32 v44, v45;
	v4 =	vadd.f32 v5, v4;
	v5 =	vmul.f32 v49, v49  }
0x1bf: {  	v54 =	vld [tilespmem:$0xCC0]  }
0x1c0: {  	v56 =	vld [tilespmem:$0x8D0];
	v55 =	vsub.f32 v47, v48;
	v4 =	vadd.f32 v5, v4;
	v5 =	vmul.f32 v52, v52  }
0x1c1: {  	v57 =	vld [tilespmem:$0xCD0]  }
0x1c2: {  	v59 =	vld [tilespmem:$0x8E0];
	v58 =	vsub.f32 v50, v51;
	v4 =	vadd.f32 v5, v4;
	v5 =	vmul.f32 v55, v55  }
0x1c3: {  	v60 =	vld [tilespmem:$0xCE0]  }
0x1c4: {  	v62 =	vld [tilespmem:$0x8F0];
	v61 =	vsub.f32 v53, v54;
	v4 =	vadd.f32 v5, v4;
	v5 =	vmul.f32 v58, v58  }
0x1c5: {  	v63 =	vld [tilespmem:$0xCF0]  }
0x1c6: {  	v17 =	vld [tilespmem:$0x900];
	v16 =	vsub.f32 v56, v57;
	v4 =	vadd.f32 v5, v4;
	v5 =	vmul.f32 v61, v61  }
0x1c7: {  	v18 =	vld [tilespmem:$0xD00]  }
0x1c8: {  	v20 =	vld [tilespmem:$0x910];
	v19 =	vsub.f32 v59, v60;
	v4 =	vadd.f32 v5, v4;
	v5 =	vmul.f32 v16, v16  }
0x1c9: {  	v21 =	vld [tilespmem:$0xD10]  }
0x1ca: {  	v23 =	vld [tilespmem:$0x920];
	v22 =	vsub.f32 v62, v63;
	v4 =	vadd.f32 v5, v4;
	v5 =	vmul.f32 v19, v19  }
0x1cb: {  	v24 =	vld [tilespmem:$0xD20]  }
0x1cc: {  	v26 =	vld [tilespmem:$0x930];
	v25 =	vsub.f32 v17, v18;
	v4 =	vadd.f32 v5, v4;
	v5 =	vmul.f32 v22, v22  }
0x1cd: {  	v27 =	vld [tilespmem:$0xD30]  }
0x1ce: {  	v28 =	vsub.f32 v20, v21;
	v29 =	vld [tilespmem:$0x940];
	v4 =	vadd.f32 v5, v4;
	v5 =	vmul.f32 v25, v25  }
0x1cf: {  	v30 =	vld [tilespmem:$0xD40]  }
0x1d0: {  	v31 =	vsub.f32 v23, v24;
	v32 =	vld [tilespmem:$0x950];
	v4 =	vadd.f32 v5, v4;
	v5 =	vmul.f32 v28, v28  }
0x1d1: {  	v33 =	vld [tilespmem:$0xD50]  }
0x1d2: {  	v34 =	vsub.f32 v26, v27;
	v36 =	vld [tilespmem:$0xD60];
	v4 =	vadd.f32 v5, v4;
	v5 =	vmul.f32 v31, v31  }
0x1d3: {  	v35 =	vld [tilespmem:$0x960]  }
0x1d4: {  	v38 =	vld [tilespmem:$0x970];
	v37 =	vsub.f32 v29, v30;
	v4 =	vadd.f32 v5, v4;
	v5 =	vmul.f32 v34, v34  }
0x1d5: {  	v39 =	vld [tilespmem:$0xD70]  }
0x1d6: {  	v41 =	vld [tilespmem:$0x980];
	v40 =	vsub.f32 v32, v33;
	v4 =	vadd.f32 v5, v4;
	v5 =	vmul.f32 v37, v37  }
0x1d7: {  	v42 =	vld [tilespmem:$0xD80]  }
0x1d8: {  	v44 =	vld [tilespmem:$0x990];
	v43 =	vsub.f32 v35, v36;
	v4 =	vadd.f32 v5, v4;
	v5 =	vmul.f32 v40, v40  }
0x1d9: {  	v45 =	vld [tilespmem:$0xD90]  }
0x1da: {  	v47 =	vld [tilespmem:$0x9A0];
	v46 =	vsub.f32 v38, v39;
	v4 =	vadd.f32 v5, v4;
	v5 =	vmul.f32 v43, v43  }
0x1db: {  	v48 =	vld [tilespmem:$0xDA0]  }
0x1dc: {  	v50 =	vld [tilespmem:$0x9B0];
	v49 =	vsub.f32 v41, v42;
	v4 =	vadd.f32 v5, v4;
	v5 =	vmul.f32 v46, v46  }
0x1dd: {  	v51 =	vld [tilespmem:$0xDB0]  }
0x1de: {  	v53 =	vld [tilespmem:$0x9C0];
	v52 =	vsub.f32 v44, v45;
	v4 =	vadd.f32 v5, v4;
	v5 =	vmul.f32 v49, v49  }
0x1df: {  	v54 =	vld [tilespmem:$0xDC0]  }
0x1e0: {  	v56 =	vld [tilespmem:$0x9D0];
	v55 =	vsub.f32 v47, v48;
	v4 =	vadd.f32 v5, v4;
	v5 =	vmul.f32 v52, v52  }
0x1e1: {  	v57 =	vld [tilespmem:$0xDD0]  }
0x1e2: {  	v59 =	vld [tilespmem:$0x9E0];
	v58 =	vsub.f32 v50, v51;
	v4 =	vadd.f32 v5, v4;
	v5 =	vmul.f32 v55, v55  }
0x1e3: {  	v60 =	vld [tilespmem:$0xDE0]  }
0x1e4: {  	v62 =	vld [tilespmem:$0x9F0];
	v61 =	vsub.f32 v53, v54;
	v4 =	vadd.f32 v5, v4;
	v5 =	vmul.f32 v58, v58  }
0x1e5: {  	v63 =	vld [tilespmem:$0xDF0]  }
0x1e6: {  	v17 =	vld [tilespmem:$0xA00];
	v16 =	vsub.f32 v56, v57;
	v4 =	vadd.f32 v5, v4;
	v5 =	vmul.f32 v61, v61  }
0x1e7: {  	v18 =	vld [tilespmem:$0xE00]  }
0x1e8: {  	v20 =	vld [tilespmem:$0xA10];
	v19 =	vsub.f32 v59, v60;
	v4 =	vadd.f32 v5, v4;
	v5 =	vmul.f32 v16, v16  }
0x1e9: {  	v21 =	vld [tilespmem:$0xE10]  }
0x1ea: {  	v23 =	vld [tilespmem:$0xA20];
	v22 =	vsub.f32 v62, v63;
	v4 =	vadd.f32 v5, v4;
	v5 =	vmul.f32 v19, v19  }
0x1eb: {  	v24 =	vld [tilespmem:$0xE20]  }
0x1ec: {  	v26 =	vld [tilespmem:$0xA30];
	v25 =	vsub.f32 v17, v18;
	v4 =	vadd.f32 v5, v4;
	v5 =	vmul.f32 v22, v22  }
0x1ed: {  	v27 =	vld [tilespmem:$0xE30]  }
0x1ee: {  	v29 =	vld [tilespmem:$0xA40];
	v28 =	vsub.f32 v20, v21;
	v4 =	vadd.f32 v5, v4;
	v5 =	vmul.f32 v25, v25  }
0x1ef: {  	v30 =	vld [tilespmem:$0xE40]  }
0x1f0: {  	v32 =	vld [tilespmem:$0xA50];
	v31 =	vsub.f32 v23, v24;
	v4 =	vadd.f32 v5, v4;
	v5 =	vmul.f32 v28, v28  }
0x1f1: {  	v33 =	vld [tilespmem:$0xE50]  }
0x1f2: {  	v35 =	vld [tilespmem:$0xA60];
	v34 =	vsub.f32 v26, v27;
	v4 =	vadd.f32 v5, v4;
	v5 =	vmul.f32 v31, v31  }
0x1f3: {  	v36 =	vld [tilespmem:$0xE60]  }
0x1f4: {  	v38 =	vld [tilespmem:$0xA70];
	v37 =	vsub.f32 v29, v30;
	v4 =	vadd.f32 v5, v4;
	v5 =	vmul.f32 v34, v34  }
0x1f5: {  	v39 =	vld [tilespmem:$0xE70]  }
0x1f6: {  	v41 =	vld [tilespmem:$0xA80];
	v40 =	vsub.f32 v32, v33;
	v4 =	vadd.f32 v5, v4;
	v5 =	vmul.f32 v37, v37  }
0x1f7: {  	v42 =	vld [tilespmem:$0xE80]  }
0x1f8: {  	v44 =	vld [tilespmem:$0xA90];
	v43 =	vsub.f32 v35, v36;
	v4 =	vadd.f32 v5, v4;
	v5 =	vmul.f32 v40, v40  }
0x1f9: {  	v45 =	vld [tilespmem:$0xE90]  }
0x1fa: {  	v47 =	vld [tilespmem:$0xAA0];
	v46 =	vsub.f32 v38, v39;
	v4 =	vadd.f32 v5, v4;
	v5 =	vmul.f32 v43, v43  }
0x1fb: {  	v48 =	vld [tilespmem:$0xEA0]  }
0x1fc: {  	v50 =	vld [tilespmem:$0xAB0];
	v49 =	vsub.f32 v41, v42;
	v4 =	vadd.f32 v5, v4;
	v5 =	vmul.f32 v46, v46  }
0x1fd: {  	v51 =	vld [tilespmem:$0xEB0]  }
0x1fe: {  	v53 =	vld [tilespmem:$0xAC0];
	v52 =	vsub.f32 v44, v45;
	v4 =	vadd.f32 v5, v4;
	v5 =	vmul.f32 v49, v49  }
0x1ff: {  	v54 =	vld [tilespmem:$0xEC0]  }
0x200: {  	v56 =	vld [tilespmem:$0xAD0];
	v55 =	vsub.f32 v47, v48;
	v4 =	vadd.f32 v5, v4;
	v5 =	vmul.f32 v52, v52  }
0x201: {  	v57 =	vld [tilespmem:$0xED0]  }
0x202: {  	v59 =	vld [tilespmem:$0xAE0];
	v58 =	vsub.f32 v50, v51;
	v4 =	vadd.f32 v5, v4;
	v5 =	vmul.f32 v55, v55  }
0x203: {  	v60 =	vld [tilespmem:$0xEE0]  }
0x204: {  	v62 =	vld [tilespmem:$0xAF0];
	v61 =	vsub.f32 v53, v54;
	v4 =	vadd.f32 v5, v4;
	v5 =	vmul.f32 v58, v58  }
0x205: {  	v63 =	vld [tilespmem:$0xEF0]  }
0x206: {  	v15 =	vsub.f32 v56, v57;
	v17 =	vld [tilespmem:$0xF00];
	v4 =	vadd.f32 v5, v4;
	v5 =	vmul.f32 v61, v61  }
0x207: {  	v16 =	vld [tilespmem:$0xB00]  }
0x208: {  	v18 =	vsub.f32 v59, v60;
	v20 =	vld [tilespmem:$0xF10];
	v4 =	vadd.f32 v5, v4;
	v5 =	vmul.f32 v15, v15  }
0x209: {  	v19 =	vld [tilespmem:$0xB10]  }
0x20a: {  	v21 =	vsub.f32 v62, v63;
	v23 =	vld [tilespmem:$0xF20];
	v4 =	vadd.f32 v5, v4;
	v5 =	vmul.f32 v18, v18  }
0x20b: {  	v22 =	vld [tilespmem:$0xB20]  }
0x20c: {  	v26 =	vld [tilespmem:$0xF30];
	v24 =	vsub.f32 v16, v17;
	v4 =	vadd.f32 v5, v4;
	v5 =	vmul.f32 v21, v21  }
0x20d: {  	v25 =	vld [tilespmem:$0xB30]  }
0x20e: {  	v29 =	vld [tilespmem:$0xF40];
	v27 =	vsub.f32 v19, v20;
	v4 =	vadd.f32 v5, v4;
	v5 =	vmul.f32 v24, v24  }
0x20f: {  	v28 =	vld [tilespmem:$0xB40]  }
0x210: {  	v32 =	vld [tilespmem:$0xF50];
	v30 =	vsub.f32 v22, v23;
	v4 =	vadd.f32 v5, v4;
	v5 =	vmul.f32 v27, v27  }
0x211: {  	v31 =	vld [tilespmem:$0xB50]  }
0x212: {  	v35 =	vld [tilespmem:$0xF60];
	v33 =	vsub.f32 v25, v26;
	v4 =	vadd.f32 v5, v4;
	v5 =	vmul.f32 v30, v30  }
0x213: {  	v34 =	vld [tilespmem:$0xB60]  }
0x214: {  	v38 =	vld [tilespmem:$0xF70];
	v36 =	vsub.f32 v28, v29;
	v4 =	vadd.f32 v5, v4;
	v5 =	vmul.f32 v33, v33  }
0x215: {  	v37 =	vld [tilespmem:$0xB70]  }
0x216: {  	v41 =	vld [tilespmem:$0xF80];
	v39 =	vsub.f32 v31, v32;
	v4 =	vadd.f32 v5, v4;
	v5 =	vmul.f32 v36, v36  }
0x217: {  	v40 =	vld [tilespmem:$0xB80]  }
0x218: {  	v44 =	vld [tilespmem:$0xF90];
	v42 =	vsub.f32 v34, v35;
	v4 =	vadd.f32 v5, v4;
	v5 =	vmul.f32 v39, v39  }
0x219: {  	v43 =	vld [tilespmem:$0xB90]  }
0x21a: {  	v47 =	vld [tilespmem:$0xFA0];
	v45 =	vsub.f32 v37, v38;
	v4 =	vadd.f32 v5, v4;
	v5 =	vmul.f32 v42, v42  }
0x21b: {  	v46 =	vld [tilespmem:$0xBA0]  }
0x21c: {  	v50 =	vld [tilespmem:$0xFB0];
	v48 =	vsub.f32 v40, v41;
	v4 =	vadd.f32 v5, v4;
	v5 =	vmul.f32 v45, v45  }
0x21d: {  	v49 =	vld [tilespmem:$0xBB0]  }
0x21e: {  	v53 =	vld [tilespmem:$0xFC0];
	v51 =	vsub.f32 v43, v44;
	v4 =	vadd.f32 v5, v4;
	v5 =	vmul.f32 v48, v48  }
0x21f: {  	v52 =	vld [tilespmem:$0xBC0]  }
0x220: {  	v56 =	vld [tilespmem:$0xFD0];
	v54 =	vsub.f32 v46, v47;
	v4 =	vadd.f32 v5, v4;
	v5 =	vmul.f32 v51, v51  }
0x221: {  	v55 =	vld [tilespmem:$0xBD0]  }
0x222: {  	v59 =	vld [tilespmem:$0xFE0];
	v57 =	vsub.f32 v49, v50;
	v4 =	vadd.f32 v5, v4;
	v5 =	vmul.f32 v54, v54  }
0x223: {  	v58 =	vld [tilespmem:$0xBE0]  }
0x224: {  	v62 =	vld [tilespmem:$0xFF0];
	v60 =	vsub.f32 v52, v53;
	v4 =	vadd.f32 v5, v4;
	v5 =	vmul.f32 v57, v57  }
0x225: {  	v61 =	vld [tilespmem:$0xBF0]  }
0x226: {  	v6 =	vmul.f32 v60, v60;
	v4 =	vadd.f32 v5, v4;
	v5 =	vsub.f32 v55, v56;
	_ =	sdelay $0x1  }
0x227: {  	v63 =	vsub.f32 v58, v59;
	v4 =	vadd.f32 v6, v4;
	v5 =	vmul.f32 v5, v5;
	_ =	sdelay $0x1  }
0x228: {  	v6 =	vmul.f32 v63, v63;
	v4 =	vadd.f32 v5, v4;
	v5 =	vsub.f32 v61, v62;
	_ =	sdelay $0x1  }
0x229: {  	v4 =	vadd.f32 v6, v4;
	v5 =	vmul.f32 v5, v5;
	_ =	sdelay $0x1  }
0x22a: {  	v4 =	vadd.f32 v5, v4;
	_ =	sdelay $0x1  }
0x22b: {  	[tilespmem:$0x2200] =	vst v4  }
0x22c: {  	[hbm4b:s8+s2] =	stream.linear.scatter [tilespmem:s26], [sflag:$0x1], $0x10, $0x38;
	[tilespmem:$0x2210] =	vst v63  }
0x22d: {  	p0 =	sne.s32 s14, $0x1;
	_ =	swait.ge [sflag:s16], $0x10  }
.Ltmp1:
0x22e: {  	[sflag:s16] =	ssyncset.done $0x0;
	(pc) =	sbr.rel @p0 .LBB2_2-.Ltmp1, $4  }
0x22f: {  	[sflag:s16] =	ssyncadd.s32 $0xFFFFFFF0  }
0x230: {  	_ =	swait.ge [sflag:s24], $0x200  }
0x231: {  	[sflag:s24] =	ssyncset.done $0x0  }
0x232: {  	s14 =	sadd.s32 $0xFFFFFFFF, s14;
	[sflag:s24] =	ssyncadd.s32 $0xFFFFFE00  }
.LBB2_3:
0x233: {  	_ =	sfence.sel $0x180000  }
0x234: {  	[bflag:$0x0] =	sbarrier.arrive $0xFFFF  }
0x235: {  	p0 =	sne.s32 s1, $0x0;
	_ =	strace $0x90000047  }
0x236: {  	s0 =	sadd.s32 @!p0 $0x100000, s0;
	[bflag:$0x2] =	sbarrier.arrive $0xFFFF  }
0x237: {  	[sflag:s0] =	ssyncadd.tile.s32 @!p0 $0x1;
	_ =	shalt  }
.Lfunc_end2:
_tile_overlayer_lowered:
.L_overlay_start_2:
0x238: {  	(tag) =	ssettag $0x2  }
0x239: {  	s0 =	rddreg [dreg:$0x0];
	s2 =	stileid.u32  }
0x23a: {  	s1 =	rddreg [dreg:$0x1];
	p0 =	sne.s32 s2, $0x0  }
0x23b: {  	s3 =	rddreg [dreg:$0x2];
	[bflag:$0x3] =	sbarrier.arrive $0xFFFF;
	s2 =	simm.s32 @!p0 $0x1C03  }
0x23c: {  	[timem:s3], [sflag:s2] =	dma.local @!p0 [hbm:s0], s1  }
0x23d: {  	s0 =	simm.s32 @!p0 $0x3  }
0x23e: {  	_ =	swait.ge @!p0 [sflag:s0], s1  }
0x23f: {  	s1 =	ssub.s32 @!p0 $0x0, s1;
	[sflag:s0] =	ssyncset.done @!p0 $0x0  }
0x240: {  	[sflag:s0] =	ssyncadd.s32 @!p0 s1  }
0x241: {  	[bflag:$0x3] =	sbarrier.arrive $0xFFFF  }
0x242: {  	_ =	shalt  }

</sc_bundles>
